<compile_context>
chip_gen: v7x
topology: tpu7x:2x2x1
jax: 0.10.2.dev20260603
libtpu: 0.0.44.dev20260713+nightly
codegen_flags: <defaults>
</compile_context>

<pallas_src>
import functools

import jax
import jax.numpy as jnp
from jax import lax
from jax.experimental import pallas as pl
from jax.experimental.pallas import tpu as pltpu
from jax.experimental.pallas import tpu_sc as plsc

_N = 10000
_E = 320000
_D = 128
_DW = 8
_NC = 2
_NS = 16
_NW = _NC * _NS
_EPW = _E // _NW
_G = 40
_CH = _EPW // _G
_K = 5
_RPT = _N // _NS


def _agg_body(with_deg, *refs):
    if with_deg:
        (table_hbm, src_hbm, dst_hbm, zf_hbm, zd_hbm, ones_hbm,
         feat_hbm, deg_hbm, src_v, dst_v, b0, b1, b2, b3, b4, ones_v,
         acc, dacc, g0, g1, g2, g3, g4, s0, s1, s2, s3, s4) = refs
    else:
        (table_hbm, src_hbm, dst_hbm, zf_hbm, feat_hbm,
         src_v, dst_v, b0, b1, b2, b3, b4, ones_v,
         acc, dacc, g0, g1, g2, g3, g4, s0, s1, s2, s3, s4) = refs
        zd_hbm = ones_hbm = deg_hbm = None
    c = lax.axis_index("c")
    s = lax.axis_index("s")
    wid = c * _NS + s
    row0 = s * _RPT
    rows = pl.ds(row0, _RPT)
    bufs = (b0, b1, b2, b3, b4)
    gsems = (g0, g1, g2, g3, g4)
    ssems = (s0, s1, s2, s3, s4)

    pltpu.sync_copy(zf_hbm.at[rows], acc.at[rows])
    pltpu.sync_copy(src_hbm.at[pl.ds(wid * _EPW, _EPW)], src_v)
    pltpu.sync_copy(dst_hbm.at[pl.ds(wid * _EPW, _EPW)], dst_v)
    if with_deg:
        pltpu.sync_copy(zd_hbm.at[rows], dacc.at[rows])
        pltpu.sync_copy(ones_hbm, ones_v)

    plsc.subcore_barrier()

    def _gather(j, t):
        idx = src_v.at[pl.ds(j * _G, _G)]
        return pltpu.make_async_copy(table_hbm.at[idx], bufs[t], gsems[t])

    def _scat_start(j, t):
        idx = dst_v.at[pl.ds(j * _G, _G)]
        pltpu.async_copy(bufs[t], acc.at[idx], ssems[t], add=True)

    def _scat_wait(j, t):
        idx = dst_v.at[pl.ds(j * _G, _G)]
        pltpu.make_async_copy(bufs[t], acc.at[idx], ssems[t]).wait()

    def _step(m, t, first=False, start_next=True):
        _gather(m, t).wait()
        _scat_start(m, t)
        if with_deg:
            pltpu.sync_copy(ones_v, dacc.at[dst_v.at[pl.ds(m * _G, _G)]],
                            add=True)
        if not first:
            _scat_wait(m - 2, (t + 3) % _K)
        if start_next:
            _gather(m + 3, (t + 3) % _K).start()

    _gather(0, 0).start()
    _gather(1, 1).start()
    _gather(2, 2).start()
    for m in range(_K):
        _step(m, m % _K, first=(m < 2), start_next=True)

    @pl.loop(0, _CH // _K - 2)
    def _chunks(i):
        j = _K + i * _K
        for t in range(_K):
            _step(j + t, t)

    for m in range(_CH - _K, _CH):
        _step(m, m % _K, start_next=(m + 3 < _CH))

    _scat_wait(_CH - 2, (_CH - 2) % _K)
    _scat_wait(_CH - 1, (_CH - 1) % _K)

    plsc.subcore_barrier()

    pltpu.sync_copy(acc.at[rows], feat_hbm.at[c, rows])
    if with_deg:
        pltpu.sync_copy(dacc.at[rows], deg_hbm.at[c, rows])


def _make_agg(with_deg):
    out_type = [jax.ShapeDtypeStruct((_NC, _N, _D), jnp.float32)]
    if with_deg:
        out_type.append(jax.ShapeDtypeStruct((_NC, _N, _DW), jnp.float32))
    return functools.partial(
        pl.kernel,
        out_type=out_type,
        mesh=plsc.VectorSubcoreMesh(core_axis_name="c", subcore_axis_name="s"),
        scratch_types=[
            pltpu.VMEM((_EPW,), jnp.int32),
            pltpu.VMEM((_EPW,), jnp.int32),
            pltpu.VMEM((_G, _D), jnp.float32),
            pltpu.VMEM((_G, _D), jnp.float32),
            pltpu.VMEM((_G, _D), jnp.float32),
            pltpu.VMEM((_G, _D), jnp.float32),
            pltpu.VMEM((_G, _D), jnp.float32),
            pltpu.VMEM((_G, _DW), jnp.float32),
            pltpu.VMEM_SHARED((_N, _D), jnp.float32),
            pltpu.VMEM_SHARED((_N, _DW), jnp.float32),
        ] + [pltpu.SemaphoreType.DMA] * 10,
        compiler_params=pltpu.CompilerParams(use_tc_tiling_on_sc=False),
    )(functools.partial(_agg_body, with_deg))


_agg_deg = _make_agg(True)
_agg_nodeg = _make_agg(False)


def _dense(pfeat, pdeg, table, wlT, bl2d, wrT, relu):
    bn = 2000

    def body(p_ref, d_ref, t_ref, wl_ref, bl_ref, wr_ref, o_ref):
        agg = p_ref[0] + p_ref[1]
        deg = d_ref[0][:, 0:1] + d_ref[1][:, 0:1]
        inv = 1.0 / jnp.maximum(deg, 1.0)
        h = (jnp.dot(agg * inv, wl_ref[...], preferred_element_type=jnp.float32)
             + bl_ref[...]
             + jnp.dot(t_ref[...], wr_ref[...], preferred_element_type=jnp.float32))
        if relu:
            h = jnp.maximum(h, 0.0)
        o_ref[...] = h

    return pl.pallas_call(
        body,
        grid=(_N // bn,),
        in_specs=[
            pl.BlockSpec((_NC, bn, _D), lambda i: (0, i, 0)),
            pl.BlockSpec((_NC, bn, _DW), lambda i: (0, i, 0)),
            pl.BlockSpec((bn, _D), lambda i: (i, 0)),
            pl.BlockSpec((_D, _D), lambda i: (0, 0)),
            pl.BlockSpec((1, _D), lambda i: (0, 0)),
            pl.BlockSpec((_D, _D), lambda i: (0, 0)),
        ],
        out_specs=pl.BlockSpec((bn, _D), lambda i: (i, 0)),
        out_shape=jax.ShapeDtypeStruct((_N, _D), jnp.float32),
    )(pfeat, pdeg, table, wlT, bl2d, wrT)


def kernel(x, edge_index, Wl1, bl1, Wr1, Wl2, bl2, Wr2):
    src = edge_index[0].astype(jnp.int32)
    dst = edge_index[1].astype(jnp.int32)
    zf = jnp.zeros((_N, _D), jnp.float32)
    zd = jnp.zeros((_N, _DW), jnp.float32)
    ones = jnp.ones((_G, _DW), jnp.float32)

    p1, d1 = _agg_deg(x, src, dst, zf, zd, ones)
    h = _dense(p1, d1, x, Wl1.T, bl1[None, :], Wr1.T, relu=True)
    (p2,) = _agg_nodeg(h, src, dst, zf)
    out = _dense(p2, d1, h, Wl2.T, bl2[None, :], Wr2.T, relu=False)
    return out

# --- scband reference (transcript-rebuilt; emitter-appended) ---
"""Pipeline reference for scband-sage-conv-encoder-90555090469222 (READ-ONLY COPY).

The authoritative reference and input builder live on the scoring server;
editing this copy changes nothing except your own understanding.
"""

import jax, jax.numpy as jnp
import numpy as np

N = 10000
E = 320000
D = 128
H = 128
O = 128

FEAT_VOCAB = 1000
FEAT_DIM = int(FEAT_VOCAB ** 0.7)  # 125


def setup_inputs(seed: int = 0) -> dict:
    key = jax.random.key(seed)
    ks = jax.random.split(key, 10)
    x = jax.random.normal(ks[0], (N, D), dtype=jnp.float32)
    edge_index = jax.random.randint(ks[1], (2, E), 0, N).astype(jnp.int64)
    s = 1.0 / np.sqrt(D)
    Wl1 = jax.random.normal(ks[2], (H, D), dtype=jnp.float32) * s
    bl1 = jnp.zeros((H,), dtype=jnp.float32)
    Wr1 = jax.random.normal(ks[3], (H, D), dtype=jnp.float32) * s
    s2 = 1.0 / np.sqrt(H)
    Wl2 = jax.random.normal(ks[4], (O, H), dtype=jnp.float32) * s2
    bl2 = jnp.zeros((O,), dtype=jnp.float32)
    Wr2 = jax.random.normal(ks[5], (O, H), dtype=jnp.float32) * s2
    return {"x": x, "edge_index": edge_index, "Wl1": Wl1, "bl1": bl1, "Wr1": Wr1, "Wl2": Wl2, "bl2": bl2, "Wr2": Wr2}


def _sage_conv(x, src, dst, Wl, bl, Wr):
    # PyG SAGEConv with aggr='mean', root_weight=True, bias on lin_l
    msgs = jnp.take(x, src, axis=0)
    agg = jax.ops.segment_sum(msgs, dst, num_segments=N)
    deg = jax.ops.segment_sum(jnp.ones((src.shape[0], 1), dtype=x.dtype), dst, num_segments=N)
    mean_agg = agg / jnp.clip(deg, 1.0, None)
    return mean_agg @ Wl.T + bl + x @ Wr.T


def reference(x, edge_index, Wl1, bl1, Wr1, Wl2, bl2, Wr2):
    src = edge_index[0]
    dst = edge_index[1]
    h = _sage_conv(x, src, dst, Wl1, bl1, Wr1)
    # dropout prob 0.0 -> identity (inference)
    h = jax.nn.relu(h)
    out = _sage_conv(h, src, dst, Wl2, bl2, Wr2)
    return out

if __name__ == "__main__":
    import jax
    _d = setup_inputs()
    print(jax.jit(kernel)(*tuple(_d.values())))

</pallas_src>

<mosaic_0001>
#map = affine_map<(d0, d1) -> (0, 0)>
#map1 = affine_map<(d0, d1) -> (0)>
#map2 = affine_map<(d0, d1) -> (0, 0, 0)>
module attributes {stable_mosaic.version = 14 : i64} {
  func.func @_agg_body(%arg0: i32, %arg1: i32, %arg2: memref<10000x128xf32, #tpu.memory_space<hbm>>, %arg3: memref<320000xi32, #tpu.memory_space<hbm>>, %arg4: memref<320000xi32, #tpu.memory_space<hbm>>, %arg5: memref<10000x128xf32, #tpu.memory_space<hbm>>, %arg6: memref<10000x8xf32, #tpu.memory_space<hbm>>, %arg7: memref<40x8xf32, #tpu.memory_space<hbm>>, %arg8: memref<2x10000x128xf32, #tpu.memory_space<hbm>>, %arg9: memref<2x10000x8xf32, #tpu.memory_space<hbm>>, %arg10: memref<10000xi32, #tpu.memory_space<vmem>>, %arg11: memref<10000xi32, #tpu.memory_space<vmem>>, %arg12: memref<40x128xf32, #tpu.memory_space<vmem>>, %arg13: memref<40x128xf32, #tpu.memory_space<vmem>>, %arg14: memref<40x128xf32, #tpu.memory_space<vmem>>, %arg15: memref<40x128xf32, #tpu.memory_space<vmem>>, %arg16: memref<40x128xf32, #tpu.memory_space<vmem>>, %arg17: memref<40x8xf32, #tpu.memory_space<vmem>>, %arg18: memref<10000x128xf32, #tpu.memory_space<vmem_shared>>, %arg19: memref<10000x8xf32, #tpu.memory_space<vmem_shared>>, %arg20: memref<!tpu.dma_semaphore, #tpu.memory_space<semaphore_mem>>, %arg21: memref<!tpu.dma_semaphore, #tpu.memory_space<semaphore_mem>>, %arg22: memref<!tpu.dma_semaphore, #tpu.memory_space<semaphore_mem>>, %arg23: memref<!tpu.dma_semaphore, #tpu.memory_space<semaphore_mem>>, %arg24: memref<!tpu.dma_semaphore, #tpu.memory_space<semaphore_mem>>, %arg25: memref<!tpu.dma_semaphore, #tpu.memory_space<semaphore_mem>>, %arg26: memref<!tpu.dma_semaphore, #tpu.memory_space<semaphore_mem>>, %arg27: memref<!tpu.dma_semaphore, #tpu.memory_space<semaphore_mem>>, %arg28: memref<!tpu.dma_semaphore, #tpu.memory_space<semaphore_mem>>, %arg29: memref<!tpu.dma_semaphore, #tpu.memory_space<semaphore_mem>>) attributes {dimension_semantics = [#tpu.dimension_semantics<core_parallel>, #tpu.dimension_semantics<subcore_parallel>], iteration_bounds = array<i64: 2, 16>, scalar_prefetch = 0 : i64, scratch_operands = 20 : i64, tpu.core_type = #tpu.core_type<sc_vector_subcore>, window_params = [{transform_indices = #map}, {transform_indices = #map1}, {transform_indices = #map1}, {transform_indices = #map}, {transform_indices = #map}, {transform_indices = #map}, {transform_indices = #map2}, {transform_indices = #map2}]} {
    %mul3A = arith.constant 16 : i32
    %mul3A_0 = arith.muli %arg0, %mul3A : i32
    %add3A = arith.addi %mul3A_0, %arg1 : i32
    %mul3A_1 = arith.constant 625 : i32
    %mul3A_2 = arith.muli %arg1, %mul3A_1 : i32
    "tpu.region"() ({
      %run_scoped3A = tpu.sem_alloc : memref<!tpu.dma_semaphore, #tpu.memory_space<semaphore_mem>>
      %dma_start3A_210 = arith.constant 0 : i32
      %dma_start3A_211 = tpu.memref_slice %arg18[%mul3A_2, %dma_start3A_210] : memref<10000x128xf32, #tpu.memory_space<vmem_shared>> -> memref<625x128xf32, #tpu.memory_space<vmem_shared>>
      %dma_start3A_212 = arith.constant 0 : i32
      %dma_start3A_213 = tpu.memref_slice %arg5[%mul3A_2, %dma_start3A_212] : memref<10000x128xf32, #tpu.memory_space<hbm>> -> memref<625x128xf32, #tpu.memory_space<hbm>>
      tpu.enqueue_dma source(%dma_start3A_213 : memref<625x128xf32, #tpu.memory_space<hbm>>) target(%dma_start3A_211 : memref<625x128xf32, #tpu.memory_space<vmem_shared>>) target_semaphore(%run_scoped3A : memref<!tpu.dma_semaphore, #tpu.memory_space<semaphore_mem>>)
      %dma_wait3A_214 = arith.constant 0 : i32
      %dma_wait3A_215 = tpu.memref_slice %arg18[%mul3A_2, %dma_wait3A_214] : memref<10000x128xf32, #tpu.memory_space<vmem_shared>> -> memref<625x128xf32, #tpu.memory_space<vmem_shared>>
      %dma_wait3A_216 = arith.constant 0 : i32
      %dma_wait3A_217 = tpu.memref_slice %arg5[%mul3A_2, %dma_wait3A_216] : memref<10000x128xf32, #tpu.memory_space<hbm>> -> memref<625x128xf32, #tpu.memory_space<hbm>>
      tpu.wait_dma2 semaphore(%run_scoped3A : memref<!tpu.dma_semaphore, #tpu.memory_space<semaphore_mem>>) src(%dma_wait3A_217 : memref<625x128xf32, #tpu.memory_space<hbm>>) dst(%dma_wait3A_215 : memref<625x128xf32, #tpu.memory_space<vmem_shared>>)
      tpu.yield
    }) : () -> ()
    %mul3A_3 = arith.constant 10000 : i32
    %mul3A_4 = arith.muli %add3A, %mul3A_3 : i32
    "tpu.region"() ({
      %run_scoped3A = tpu.sem_alloc : memref<!tpu.dma_semaphore, #tpu.memory_space<semaphore_mem>>
      %dma_start3A_210 = tpu.memref_slice %arg3[%mul3A_4] : memref<320000xi32, #tpu.memory_space<hbm>> -> memref<10000xi32, #tpu.memory_space<hbm>>
      %dma_start3A_211 = tpu.memref_slice %arg3[%mul3A_4] : memref<320000xi32, #tpu.memory_space<hbm>> -> memref<10000xi32, #tpu.memory_space<hbm>>
      tpu.enqueue_dma source(%dma_start3A_211 : memref<10000xi32, #tpu.memory_space<hbm>>) target(%arg10 : memref<10000xi32, #tpu.memory_space<vmem>>) target_semaphore(%run_scoped3A : memref<!tpu.dma_semaphore, #tpu.memory_space<semaphore_mem>>)
      %dma_wait3A_212 = tpu.memref_slice %arg3[%mul3A_4] : memref<320000xi32, #tpu.memory_space<hbm>> -> memref<10000xi32, #tpu.memory_space<hbm>>
      %dma_wait3A_213 = tpu.memref_slice %arg3[%mul3A_4] : memref<320000xi32, #tpu.memory_space<hbm>> -> memref<10000xi32, #tpu.memory_space<hbm>>
      tpu.wait_dma2 semaphore(%run_scoped3A : memref<!tpu.dma_semaphore, #tpu.memory_space<semaphore_mem>>) src(%dma_wait3A_213 : memref<10000xi32, #tpu.memory_space<hbm>>) dst(%arg10 : memref<10000xi32, #tpu.memory_space<vmem>>)
      tpu.yield
    }) : () -> ()
    %mul3A_5 = arith.constant 10000 : i32
    %mul3A_6 = arith.muli %add3A, %mul3A_5 : i32
    "tpu.region"() ({
      %run_scoped3A = tpu.sem_alloc : memref<!tpu.dma_semaphore, #tpu.memory_space<semaphore_mem>>
      %dma_start3A_210 = tpu.memref_slice %arg4[%mul3A_6] : memref<320000xi32, #tpu.memory_space<hbm>> -> memref<10000xi32, #tpu.memory_space<hbm>>
      %dma_start3A_211 = tpu.memref_slice %arg4[%mul3A_6] : memref<320000xi32, #tpu.memory_space<hbm>> -> memref<10000xi32, #tpu.memory_space<hbm>>
      tpu.enqueue_dma source(%dma_start3A_211 : memref<10000xi32, #tpu.memory_space<hbm>>) target(%arg11 : memref<10000xi32, #tpu.memory_space<vmem>>) target_semaphore(%run_scoped3A : memref<!tpu.dma_semaphore, #tpu.memory_space<semaphore_mem>>)
      %dma_wait3A_212 = tpu.memref_slice %arg4[%mul3A_6] : memref<320000xi32, #tpu.memory_space<hbm>> -> memref<10000xi32, #tpu.memory_space<hbm>>
      %dma_wait3A_213 = tpu.memref_slice %arg4[%mul3A_6] : memref<320000xi32, #tpu.memory_space<hbm>> -> memref<10000xi32, #tpu.memory_space<hbm>>
      tpu.wait_dma2 semaphore(%run_scoped3A : memref<!tpu.dma_semaphore, #tpu.memory_space<semaphore_mem>>) src(%dma_wait3A_213 : memref<10000xi32, #tpu.memory_space<hbm>>) dst(%arg11 : memref<10000xi32, #tpu.memory_space<vmem>>)
      tpu.yield
    }) : () -> ()
    "tpu.region"() ({
      %run_scoped3A = tpu.sem_alloc : memref<!tpu.dma_semaphore, #tpu.memory_space<semaphore_mem>>
      %dma_start3A_210 = arith.constant 0 : i32
      %dma_start3A_211 = tpu.memref_slice %arg19[%mul3A_2, %dma_start3A_210] : memref<10000x8xf32, #tpu.memory_space<vmem_shared>> -> memref<625x8xf32, #tpu.memory_space<vmem_shared>>
      %dma_start3A_212 = arith.constant 0 : i32
      %dma_start3A_213 = tpu.memref_slice %arg6[%mul3A_2, %dma_start3A_212] : memref<10000x8xf32, #tpu.memory_space<hbm>> -> memref<625x8xf32, #tpu.memory_space<hbm>>
      tpu.enqueue_dma source(%dma_start3A_213 : memref<625x8xf32, #tpu.memory_space<hbm>>) target(%dma_start3A_211 : memref<625x8xf32, #tpu.memory_space<vmem_shared>>) target_semaphore(%run_scoped3A : memref<!tpu.dma_semaphore, #tpu.memory_space<semaphore_mem>>)
      %dma_wait3A_214 = arith.constant 0 : i32
      %dma_wait3A_215 = tpu.memref_slice %arg19[%mul3A_2, %dma_wait3A_214] : memref<10000x8xf32, #tpu.memory_space<vmem_shared>> -> memref<625x8xf32, #tpu.memory_space<vmem_shared>>
      %dma_wait3A_216 = arith.constant 0 : i32
      %dma_wait3A_217 = tpu.memref_slice %arg6[%mul3A_2, %dma_wait3A_216] : memref<10000x8xf32, #tpu.memory_space<hbm>> -> memref<625x8xf32, #tpu.memory_space<hbm>>
      tpu.wait_dma2 semaphore(%run_scoped3A : memref<!tpu.dma_semaphore, #tpu.memory_space<semaphore_mem>>) src(%dma_wait3A_217 : memref<625x8xf32, #tpu.memory_space<hbm>>) dst(%dma_wait3A_215 : memref<625x8xf32, #tpu.memory_space<vmem_shared>>)
      tpu.yield
    }) : () -> ()
    "tpu.region"() ({
      %run_scoped3A = tpu.sem_alloc : memref<!tpu.dma_semaphore, #tpu.memory_space<semaphore_mem>>
      tpu.enqueue_dma source(%arg7 : memref<40x8xf32, #tpu.memory_space<hbm>>) target(%arg17 : memref<40x8xf32, #tpu.memory_space<vmem>>) target_semaphore(%run_scoped3A : memref<!tpu.dma_semaphore, #tpu.memory_space<semaphore_mem>>)
      tpu.wait_dma2 semaphore(%run_scoped3A : memref<!tpu.dma_semaphore, #tpu.memory_space<semaphore_mem>>) src(%arg7 : memref<40x8xf32, #tpu.memory_space<hbm>>) dst(%arg17 : memref<40x8xf32, #tpu.memory_space<vmem>>)
      tpu.yield
    }) : () -> ()
    %barrier3A = arith.constant 0 : index
    tpu.barrier barrier_id(%barrier3A)
    %dma_start3A = arith.constant 0 : i32
    %dma_start3A_7 = tpu.memref_slice %arg10[%dma_start3A] : memref<10000xi32, #tpu.memory_space<vmem>> -> memref<40xi32, #tpu.memory_space<vmem>>
    %dma_start3A_8 = arith.constant 0 : i32
    %dma_start3A_9 = arith.constant 0 : i32
    %dma_start3A_10 = tpu.memref_slice %arg2[%dma_start3A_8, %dma_start3A_9] : memref<10000x128xf32, #tpu.memory_space<hbm>> -> memref<10000x128xf32, #tpu.memory_space<hbm>>
    tpu.enqueue_indirect_dma source(%dma_start3A_10 : memref<10000x128xf32, #tpu.memory_space<hbm>>) target(%arg12 : memref<40x128xf32, #tpu.memory_space<vmem>>) offsets(%dma_start3A_7 : memref<40xi32, #tpu.memory_space<vmem>>) semaphore(%arg20 : memref<!tpu.dma_semaphore, #tpu.memory_space<semaphore_mem>>)
    %dma_start3A_11 = arith.constant 40 : i32
    %dma_start3A_12 = tpu.memref_slice %arg10[%dma_start3A_11] : memref<10000xi32, #tpu.memory_space<vmem>> -> memref<40xi32, #tpu.memory_space<vmem>>
    %dma_start3A_13 = arith.constant 0 : i32
    %dma_start3A_14 = arith.constant 0 : i32
    %dma_start3A_15 = tpu.memref_slice %arg2[%dma_start3A_13, %dma_start3A_14] : memref<10000x128xf32, #tpu.memory_space<hbm>> -> memref<10000x128xf32, #tpu.memory_space<hbm>>
    tpu.enqueue_indirect_dma source(%dma_start3A_15 : memref<10000x128xf32, #tpu.memory_space<hbm>>) target(%arg13 : memref<40x128xf32, #tpu.memory_space<vmem>>) offsets(%dma_start3A_12 : memref<40xi32, #tpu.memory_space<vmem>>) semaphore(%arg21 : memref<!tpu.dma_semaphore, #tpu.memory_space<semaphore_mem>>)
    %dma_start3A_16 = arith.constant 80 : i32
    %dma_start3A_17 = tpu.memref_slice %arg10[%dma_start3A_16] : memref<10000xi32, #tpu.memory_space<vmem>> -> memref<40xi32, #tpu.memory_space<vmem>>
    %dma_start3A_18 = arith.constant 0 : i32
    %dma_start3A_19 = arith.constant 0 : i32
    %dma_start3A_20 = tpu.memref_slice %arg2[%dma_start3A_18, %dma_start3A_19] : memref<10000x128xf32, #tpu.memory_space<hbm>> -> memref<10000x128xf32, #tpu.memory_space<hbm>>
    tpu.enqueue_indirect_dma source(%dma_start3A_20 : memref<10000x128xf32, #tpu.memory_space<hbm>>) target(%arg14 : memref<40x128xf32, #tpu.memory_space<vmem>>) offsets(%dma_start3A_17 : memref<40xi32, #tpu.memory_space<vmem>>) semaphore(%arg22 : memref<!tpu.dma_semaphore, #tpu.memory_space<semaphore_mem>>)
    %dma_wait3A = arith.constant 0 : i32
    %dma_wait3A_21 = tpu.memref_slice %arg10[%dma_wait3A] : memref<10000xi32, #tpu.memory_space<vmem>> -> memref<40xi32, #tpu.memory_space<vmem>>
    %dma_wait3A_22 = arith.constant 0 : i32
    %dma_wait3A_23 = arith.constant 0 : i32
    %dma_wait3A_24 = tpu.memref_slice %arg2[%dma_wait3A_22, %dma_wait3A_23] : memref<10000x128xf32, #tpu.memory_space<hbm>> -> memref<10000x128xf32, #tpu.memory_space<hbm>>
    tpu.wait_indirect_dma semaphore(%arg20 : memref<!tpu.dma_semaphore, #tpu.memory_space<semaphore_mem>>) src(%dma_wait3A_24 : memref<10000x128xf32, #tpu.memory_space<hbm>>) dst(%arg12 : memref<40x128xf32, #tpu.memory_space<vmem>>)
    %dma_start3A_25 = arith.constant 0 : i32
    %dma_start3A_26 = tpu.memref_slice %arg11[%dma_start3A_25] : memref<10000xi32, #tpu.memory_space<vmem>> -> memref<40xi32, #tpu.memory_space<vmem>>
    %dma_start3A_27 = arith.constant 0 : i32
    %dma_start3A_28 = arith.constant 0 : i32
    %dma_start3A_29 = tpu.memref_slice %arg18[%dma_start3A_27, %dma_start3A_28] : memref<10000x128xf32, #tpu.memory_space<vmem_shared>> -> memref<10000x128xf32, #tpu.memory_space<vmem_shared>>
    tpu.enqueue_indirect_dma source(%arg12 : memref<40x128xf32, #tpu.memory_space<vmem>>) target(%dma_start3A_29 : memref<10000x128xf32, #tpu.memory_space<vmem_shared>>) offsets(%dma_start3A_26 : memref<40xi32, #tpu.memory_space<vmem>>) semaphore(%arg25 : memref<!tpu.dma_semaphore, #tpu.memory_space<semaphore_mem>>) {add = true}
    "tpu.region"() ({
      %run_scoped3A = tpu.sem_alloc : memref<!tpu.dma_semaphore, #tpu.memory_space<semaphore_mem>>
      %dma_start3A_210 = arith.constant 0 : i32
      %dma_start3A_211 = tpu.memref_slice %arg11[%dma_start3A_210] : memref<10000xi32, #tpu.memory_space<vmem>> -> memref<40xi32, #tpu.memory_space<vmem>>
      %dma_start3A_212 = arith.constant 0 : i32
      %dma_start3A_213 = arith.constant 0 : i32
      %dma_start3A_214 = tpu.memref_slice %arg19[%dma_start3A_212, %dma_start3A_213] : memref<10000x8xf32, #tpu.memory_space<vmem_shared>> -> memref<10000x8xf32, #tpu.memory_space<vmem_shared>>
      tpu.enqueue_indirect_dma source(%arg17 : memref<40x8xf32, #tpu.memory_space<vmem>>) target(%dma_start3A_214 : memref<10000x8xf32, #tpu.memory_space<vmem_shared>>) offsets(%dma_start3A_211 : memref<40xi32, #tpu.memory_space<vmem>>) semaphore(%run_scoped3A : memref<!tpu.dma_semaphore, #tpu.memory_space<semaphore_mem>>) {add = true}
      %dma_wait3A_215 = arith.constant 0 : i32
      %dma_wait3A_216 = tpu.memref_slice %arg11[%dma_wait3A_215] : memref<10000xi32, #tpu.memory_space<vmem>> -> memref<40xi32, #tpu.memory_space<vmem>>
      %dma_wait3A_217 = arith.constant 0 : i32
      %dma_wait3A_218 = arith.constant 0 : i32
      %dma_wait3A_219 = tpu.memref_slice %arg19[%dma_wait3A_217, %dma_wait3A_218] : memref<10000x8xf32, #tpu.memory_space<vmem_shared>> -> memref<10000x8xf32, #tpu.memory_space<vmem_shared>>
      tpu.wait_indirect_dma semaphore(%run_scoped3A : memref<!tpu.dma_semaphore, #tpu.memory_space<semaphore_mem>>) src(%arg17 : memref<40x8xf32, #tpu.memory_space<vmem>>) dst(%dma_wait3A_219 : memref<10000x8xf32, #tpu.memory_space<vmem_shared>>)
      tpu.yield
    }) : () -> ()
    %dma_start3A_30 = arith.constant 120 : i32
    %dma_start3A_31 = tpu.memref_slice %arg10[%dma_start3A_30] : memref<10000xi32, #tpu.memory_space<vmem>> -> memref<40xi32, #tpu.memory_space<vmem>>
    %dma_start3A_32 = arith.constant 0 : i32
    %dma_start3A_33 = arith.constant 0 : i32
    %dma_start3A_34 = tpu.memref_slice %arg2[%dma_start3A_32, %dma_start3A_33] : memref<10000x128xf32, #tpu.memory_space<hbm>> -> memref<10000x128xf32, #tpu.memory_space<hbm>>
    tpu.enqueue_indirect_dma source(%dma_start3A_34 : memref<10000x128xf32, #tpu.memory_space<hbm>>) target(%arg15 : memref<40x128xf32, #tpu.memory_space<vmem>>) offsets(%dma_start3A_31 : memref<40xi32, #tpu.memory_space<vmem>>) semaphore(%arg23 : memref<!tpu.dma_semaphore, #tpu.memory_space<semaphore_mem>>)
    %dma_wait3A_35 = arith.constant 40 : i32
    %dma_wait3A_36 = tpu.memref_slice %arg10[%dma_wait3A_35] : memref<10000xi32, #tpu.memory_space<vmem>> -> memref<40xi32, #tpu.memory_space<vmem>>
    %dma_wait3A_37 = arith.constant 0 : i32
    %dma_wait3A_38 = arith.constant 0 : i32
    %dma_wait3A_39 = tpu.memref_slice %arg2[%dma_wait3A_37, %dma_wait3A_38] : memref<10000x128xf32, #tpu.memory_space<hbm>> -> memref<10000x128xf32, #tpu.memory_space<hbm>>
    tpu.wait_indirect_dma semaphore(%arg21 : memref<!tpu.dma_semaphore, #tpu.memory_space<semaphore_mem>>) src(%dma_wait3A_39 : memref<10000x128xf32, #tpu.memory_space<hbm>>) dst(%arg13 : memref<40x128xf32, #tpu.memory_space<vmem>>)
    %dma_start3A_40 = arith.constant 40 : i32
    %dma_start3A_41 = tpu.memref_slice %arg11[%dma_start3A_40] : memref<10000xi32, #tpu.memory_space<vmem>> -> memref<40xi32, #tpu.memory_space<vmem>>
    %dma_start3A_42 = arith.constant 0 : i32
    %dma_start3A_43 = arith.constant 0 : i32
    %dma_start3A_44 = tpu.memref_slice %arg18[%dma_start3A_42, %dma_start3A_43] : memref<10000x128xf32, #tpu.memory_space<vmem_shared>> -> memref<10000x128xf32, #tpu.memory_space<vmem_shared>>
    tpu.enqueue_indirect_dma source(%arg13 : memref<40x128xf32, #tpu.memory_space<vmem>>) target(%dma_start3A_44 : memref<10000x128xf32, #tpu.memory_space<vmem_shared>>) offsets(%dma_start3A_41 : memref<40xi32, #tpu.memory_space<vmem>>) semaphore(%arg26 : memref<!tpu.dma_semaphore, #tpu.memory_space<semaphore_mem>>) {add = true}
    "tpu.region"() ({
      %run_scoped3A = tpu.sem_alloc : memref<!tpu.dma_semaphore, #tpu.memory_space<semaphore_mem>>
      %dma_start3A_210 = arith.constant 40 : i32
      %dma_start3A_211 = tpu.memref_slice %arg11[%dma_start3A_210] : memref<10000xi32, #tpu.memory_space<vmem>> -> memref<40xi32, #tpu.memory_space<vmem>>
      %dma_start3A_212 = arith.constant 0 : i32
      %dma_start3A_213 = arith.constant 0 : i32
      %dma_start3A_214 = tpu.memref_slice %arg19[%dma_start3A_212, %dma_start3A_213] : memref<10000x8xf32, #tpu.memory_space<vmem_shared>> -> memref<10000x8xf32, #tpu.memory_space<vmem_shared>>
      tpu.enqueue_indirect_dma source(%arg17 : memref<40x8xf32, #tpu.memory_space<vmem>>) target(%dma_start3A_214 : memref<10000x8xf32, #tpu.memory_space<vmem_shared>>) offsets(%dma_start3A_211 : memref<40xi32, #tpu.memory_space<vmem>>) semaphore(%run_scoped3A : memref<!tpu.dma_semaphore, #tpu.memory_space<semaphore_mem>>) {add = true}
      %dma_wait3A_215 = arith.constant 40 : i32
      %dma_wait3A_216 = tpu.memref_slice %arg11[%dma_wait3A_215] : memref<10000xi32, #tpu.memory_space<vmem>> -> memref<40xi32, #tpu.memory_space<vmem>>
      %dma_wait3A_217 = arith.constant 0 : i32
      %dma_wait3A_218 = arith.constant 0 : i32
      %dma_wait3A_219 = tpu.memref_slice %arg19[%dma_wait3A_217, %dma_wait3A_218] : memref<10000x8xf32, #tpu.memory_space<vmem_shared>> -> memref<10000x8xf32, #tpu.memory_space<vmem_shared>>
      tpu.wait_indirect_dma semaphore(%run_scoped3A : memref<!tpu.dma_semaphore, #tpu.memory_space<semaphore_mem>>) src(%arg17 : memref<40x8xf32, #tpu.memory_space<vmem>>) dst(%dma_wait3A_219 : memref<10000x8xf32, #tpu.memory_space<vmem_shared>>)
      tpu.yield
    }) : () -> ()
    %dma_start3A_45 = arith.constant 160 : i32
    %dma_start3A_46 = tpu.memref_slice %arg10[%dma_start3A_45] : memref<10000xi32, #tpu.memory_space<vmem>> -> memref<40xi32, #tpu.memory_space<vmem>>
    %dma_start3A_47 = arith.constant 0 : i32
    %dma_start3A_48 = arith.constant 0 : i32
    %dma_start3A_49 = tpu.memref_slice %arg2[%dma_start3A_47, %dma_start3A_48] : memref<10000x128xf32, #tpu.memory_space<hbm>> -> memref<10000x128xf32, #tpu.memory_space<hbm>>
    tpu.enqueue_indirect_dma source(%dma_start3A_49 : memref<10000x128xf32, #tpu.memory_space<hbm>>) target(%arg16 : memref<40x128xf32, #tpu.memory_space<vmem>>) offsets(%dma_start3A_46 : memref<40xi32, #tpu.memory_space<vmem>>) semaphore(%arg24 : memref<!tpu.dma_semaphore, #tpu.memory_space<semaphore_mem>>)
    %dma_wait3A_50 = arith.constant 80 : i32
    %dma_wait3A_51 = tpu.memref_slice %arg10[%dma_wait3A_50] : memref<10000xi32, #tpu.memory_space<vmem>> -> memref<40xi32, #tpu.memory_space<vmem>>
    %dma_wait3A_52 = arith.constant 0 : i32
    %dma_wait3A_53 = arith.constant 0 : i32
    %dma_wait3A_54 = tpu.memref_slice %arg2[%dma_wait3A_52, %dma_wait3A_53] : memref<10000x128xf32, #tpu.memory_space<hbm>> -> memref<10000x128xf32, #tpu.memory_space<hbm>>
    tpu.wait_indirect_dma semaphore(%arg22 : memref<!tpu.dma_semaphore, #tpu.memory_space<semaphore_mem>>) src(%dma_wait3A_54 : memref<10000x128xf32, #tpu.memory_space<hbm>>) dst(%arg14 : memref<40x128xf32, #tpu.memory_space<vmem>>)
    %dma_start3A_55 = arith.constant 80 : i32
    %dma_start3A_56 = tpu.memref_slice %arg11[%dma_start3A_55] : memref<10000xi32, #tpu.memory_space<vmem>> -> memref<40xi32, #tpu.memory_space<vmem>>
    %dma_start3A_57 = arith.constant 0 : i32
    %dma_start3A_58 = arith.constant 0 : i32
    %dma_start3A_59 = tpu.memref_slice %arg18[%dma_start3A_57, %dma_start3A_58] : memref<10000x128xf32, #tpu.memory_space<vmem_shared>> -> memref<10000x128xf32, #tpu.memory_space<vmem_shared>>
    tpu.enqueue_indirect_dma source(%arg14 : memref<40x128xf32, #tpu.memory_space<vmem>>) target(%dma_start3A_59 : memref<10000x128xf32, #tpu.memory_space<vmem_shared>>) offsets(%dma_start3A_56 : memref<40xi32, #tpu.memory_space<vmem>>) semaphore(%arg27 : memref<!tpu.dma_semaphore, #tpu.memory_space<semaphore_mem>>) {add = true}
    "tpu.region"() ({
      %run_scoped3A = tpu.sem_alloc : memref<!tpu.dma_semaphore, #tpu.memory_space<semaphore_mem>>
      %dma_start3A_210 = arith.constant 80 : i32
      %dma_start3A_211 = tpu.memref_slice %arg11[%dma_start3A_210] : memref<10000xi32, #tpu.memory_space<vmem>> -> memref<40xi32, #tpu.memory_space<vmem>>
      %dma_start3A_212 = arith.constant 0 : i32
      %dma_start3A_213 = arith.constant 0 : i32
      %dma_start3A_214 = tpu.memref_slice %arg19[%dma_start3A_212, %dma_start3A_213] : memref<10000x8xf32, #tpu.memory_space<vmem_shared>> -> memref<10000x8xf32, #tpu.memory_space<vmem_shared>>
      tpu.enqueue_indirect_dma source(%arg17 : memref<40x8xf32, #tpu.memory_space<vmem>>) target(%dma_start3A_214 : memref<10000x8xf32, #tpu.memory_space<vmem_shared>>) offsets(%dma_start3A_211 : memref<40xi32, #tpu.memory_space<vmem>>) semaphore(%run_scoped3A : memref<!tpu.dma_semaphore, #tpu.memory_space<semaphore_mem>>) {add = true}
      %dma_wait3A_215 = arith.constant 80 : i32
      %dma_wait3A_216 = tpu.memref_slice %arg11[%dma_wait3A_215] : memref<10000xi32, #tpu.memory_space<vmem>> -> memref<40xi32, #tpu.memory_space<vmem>>
      %dma_wait3A_217 = arith.constant 0 : i32
      %dma_wait3A_218 = arith.constant 0 : i32
      %dma_wait3A_219 = tpu.memref_slice %arg19[%dma_wait3A_217, %dma_wait3A_218] : memref<10000x8xf32, #tpu.memory_space<vmem_shared>> -> memref<10000x8xf32, #tpu.memory_space<vmem_shared>>
      tpu.wait_indirect_dma semaphore(%run_scoped3A : memref<!tpu.dma_semaphore, #tpu.memory_space<semaphore_mem>>) src(%arg17 : memref<40x8xf32, #tpu.memory_space<vmem>>) dst(%dma_wait3A_219 : memref<10000x8xf32, #tpu.memory_space<vmem_shared>>)
      tpu.yield
    }) : () -> ()
    %dma_wait3A_60 = arith.constant 0 : i32
    %dma_wait3A_61 = tpu.memref_slice %arg11[%dma_wait3A_60] : memref<10000xi32, #tpu.memory_space<vmem>> -> memref<40xi32, #tpu.memory_space<vmem>>
    %dma_wait3A_62 = arith.constant 0 : i32
    %dma_wait3A_63 = arith.constant 0 : i32
    %dma_wait3A_64 = tpu.memref_slice %arg18[%dma_wait3A_62, %dma_wait3A_63] : memref<10000x128xf32, #tpu.memory_space<vmem_shared>> -> memref<10000x128xf32, #tpu.memory_space<vmem_shared>>
    tpu.wait_indirect_dma semaphore(%arg25 : memref<!tpu.dma_semaphore, #tpu.memory_space<semaphore_mem>>) src(%arg12 : memref<40x128xf32, #tpu.memory_space<vmem>>) dst(%dma_wait3A_64 : memref<10000x128xf32, #tpu.memory_space<vmem_shared>>)
    %dma_start3A_65 = arith.constant 200 : i32
    %dma_start3A_66 = tpu.memref_slice %arg10[%dma_start3A_65] : memref<10000xi32, #tpu.memory_space<vmem>> -> memref<40xi32, #tpu.memory_space<vmem>>
    %dma_start3A_67 = arith.constant 0 : i32
    %dma_start3A_68 = arith.constant 0 : i32
    %dma_start3A_69 = tpu.memref_slice %arg2[%dma_start3A_67, %dma_start3A_68] : memref<10000x128xf32, #tpu.memory_space<hbm>> -> memref<10000x128xf32, #tpu.memory_space<hbm>>
    tpu.enqueue_indirect_dma source(%dma_start3A_69 : memref<10000x128xf32, #tpu.memory_space<hbm>>) target(%arg12 : memref<40x128xf32, #tpu.memory_space<vmem>>) offsets(%dma_start3A_66 : memref<40xi32, #tpu.memory_space<vmem>>) semaphore(%arg20 : memref<!tpu.dma_semaphore, #tpu.memory_space<semaphore_mem>>)
    %dma_wait3A_70 = arith.constant 120 : i32
    %dma_wait3A_71 = tpu.memref_slice %arg10[%dma_wait3A_70] : memref<10000xi32, #tpu.memory_space<vmem>> -> memref<40xi32, #tpu.memory_space<vmem>>
    %dma_wait3A_72 = arith.constant 0 : i32
    %dma_wait3A_73 = arith.constant 0 : i32
    %dma_wait3A_74 = tpu.memref_slice %arg2[%dma_wait3A_72, %dma_wait3A_73] : memref<10000x128xf32, #tpu.memory_space<hbm>> -> memref<10000x128xf32, #tpu.memory_space<hbm>>
    tpu.wait_indirect_dma semaphore(%arg23 : memref<!tpu.dma_semaphore, #tpu.memory_space<semaphore_mem>>) src(%dma_wait3A_74 : memref<10000x128xf32, #tpu.memory_space<hbm>>) dst(%arg15 : memref<40x128xf32, #tpu.memory_space<vmem>>)
    %dma_start3A_75 = arith.constant 120 : i32
    %dma_start3A_76 = tpu.memref_slice %arg11[%dma_start3A_75] : memref<10000xi32, #tpu.memory_space<vmem>> -> memref<40xi32, #tpu.memory_space<vmem>>
    %dma_start3A_77 = arith.constant 0 : i32
    %dma_start3A_78 = arith.constant 0 : i32
    %dma_start3A_79 = tpu.memref_slice %arg18[%dma_start3A_77, %dma_start3A_78] : memref<10000x128xf32, #tpu.memory_space<vmem_shared>> -> memref<10000x128xf32, #tpu.memory_space<vmem_shared>>
    tpu.enqueue_indirect_dma source(%arg15 : memref<40x128xf32, #tpu.memory_space<vmem>>) target(%dma_start3A_79 : memref<10000x128xf32, #tpu.memory_space<vmem_shared>>) offsets(%dma_start3A_76 : memref<40xi32, #tpu.memory_space<vmem>>) semaphore(%arg28 : memref<!tpu.dma_semaphore, #tpu.memory_space<semaphore_mem>>) {add = true}
    "tpu.region"() ({
      %run_scoped3A = tpu.sem_alloc : memref<!tpu.dma_semaphore, #tpu.memory_space<semaphore_mem>>
      %dma_start3A_210 = arith.constant 120 : i32
      %dma_start3A_211 = tpu.memref_slice %arg11[%dma_start3A_210] : memref<10000xi32, #tpu.memory_space<vmem>> -> memref<40xi32, #tpu.memory_space<vmem>>
      %dma_start3A_212 = arith.constant 0 : i32
      %dma_start3A_213 = arith.constant 0 : i32
      %dma_start3A_214 = tpu.memref_slice %arg19[%dma_start3A_212, %dma_start3A_213] : memref<10000x8xf32, #tpu.memory_space<vmem_shared>> -> memref<10000x8xf32, #tpu.memory_space<vmem_shared>>
      tpu.enqueue_indirect_dma source(%arg17 : memref<40x8xf32, #tpu.memory_space<vmem>>) target(%dma_start3A_214 : memref<10000x8xf32, #tpu.memory_space<vmem_shared>>) offsets(%dma_start3A_211 : memref<40xi32, #tpu.memory_space<vmem>>) semaphore(%run_scoped3A : memref<!tpu.dma_semaphore, #tpu.memory_space<semaphore_mem>>) {add = true}
      %dma_wait3A_215 = arith.constant 120 : i32
      %dma_wait3A_216 = tpu.memref_slice %arg11[%dma_wait3A_215] : memref<10000xi32, #tpu.memory_space<vmem>> -> memref<40xi32, #tpu.memory_space<vmem>>
      %dma_wait3A_217 = arith.constant 0 : i32
      %dma_wait3A_218 = arith.constant 0 : i32
      %dma_wait3A_219 = tpu.memref_slice %arg19[%dma_wait3A_217, %dma_wait3A_218] : memref<10000x8xf32, #tpu.memory_space<vmem_shared>> -> memref<10000x8xf32, #tpu.memory_space<vmem_shared>>
      tpu.wait_indirect_dma semaphore(%run_scoped3A : memref<!tpu.dma_semaphore, #tpu.memory_space<semaphore_mem>>) src(%arg17 : memref<40x8xf32, #tpu.memory_space<vmem>>) dst(%dma_wait3A_219 : memref<10000x8xf32, #tpu.memory_space<vmem_shared>>)
      tpu.yield
    }) : () -> ()
    %dma_wait3A_80 = arith.constant 40 : i32
    %dma_wait3A_81 = tpu.memref_slice %arg11[%dma_wait3A_80] : memref<10000xi32, #tpu.memory_space<vmem>> -> memref<40xi32, #tpu.memory_space<vmem>>
    %dma_wait3A_82 = arith.constant 0 : i32
    %dma_wait3A_83 = arith.constant 0 : i32
    %dma_wait3A_84 = tpu.memref_slice %arg18[%dma_wait3A_82, %dma_wait3A_83] : memref<10000x128xf32, #tpu.memory_space<vmem_shared>> -> memref<10000x128xf32, #tpu.memory_space<vmem_shared>>
    tpu.wait_indirect_dma semaphore(%arg26 : memref<!tpu.dma_semaphore, #tpu.memory_space<semaphore_mem>>) src(%arg13 : memref<40x128xf32, #tpu.memory_space<vmem>>) dst(%dma_wait3A_84 : memref<10000x128xf32, #tpu.memory_space<vmem_shared>>)
    %dma_start3A_85 = arith.constant 240 : i32
    %dma_start3A_86 = tpu.memref_slice %arg10[%dma_start3A_85] : memref<10000xi32, #tpu.memory_space<vmem>> -> memref<40xi32, #tpu.memory_space<vmem>>
    %dma_start3A_87 = arith.constant 0 : i32
    %dma_start3A_88 = arith.constant 0 : i32
    %dma_start3A_89 = tpu.memref_slice %arg2[%dma_start3A_87, %dma_start3A_88] : memref<10000x128xf32, #tpu.memory_space<hbm>> -> memref<10000x128xf32, #tpu.memory_space<hbm>>
    tpu.enqueue_indirect_dma source(%dma_start3A_89 : memref<10000x128xf32, #tpu.memory_space<hbm>>) target(%arg13 : memref<40x128xf32, #tpu.memory_space<vmem>>) offsets(%dma_start3A_86 : memref<40xi32, #tpu.memory_space<vmem>>) semaphore(%arg21 : memref<!tpu.dma_semaphore, #tpu.memory_space<semaphore_mem>>)
    %dma_wait3A_90 = arith.constant 160 : i32
    %dma_wait3A_91 = tpu.memref_slice %arg10[%dma_wait3A_90] : memref<10000xi32, #tpu.memory_space<vmem>> -> memref<40xi32, #tpu.memory_space<vmem>>
    %dma_wait3A_92 = arith.constant 0 : i32
    %dma_wait3A_93 = arith.constant 0 : i32
    %dma_wait3A_94 = tpu.memref_slice %arg2[%dma_wait3A_92, %dma_wait3A_93] : memref<10000x128xf32, #tpu.memory_space<hbm>> -> memref<10000x128xf32, #tpu.memory_space<hbm>>
    tpu.wait_indirect_dma semaphore(%arg24 : memref<!tpu.dma_semaphore, #tpu.memory_space<semaphore_mem>>) src(%dma_wait3A_94 : memref<10000x128xf32, #tpu.memory_space<hbm>>) dst(%arg16 : memref<40x128xf32, #tpu.memory_space<vmem>>)
    %dma_start3A_95 = arith.constant 160 : i32
    %dma_start3A_96 = tpu.memref_slice %arg11[%dma_start3A_95] : memref<10000xi32, #tpu.memory_space<vmem>> -> memref<40xi32, #tpu.memory_space<vmem>>
    %dma_start3A_97 = arith.constant 0 : i32
    %dma_start3A_98 = arith.constant 0 : i32
    %dma_start3A_99 = tpu.memref_slice %arg18[%dma_start3A_97, %dma_start3A_98] : memref<10000x128xf32, #tpu.memory_space<vmem_shared>> -> memref<10000x128xf32, #tpu.memory_space<vmem_shared>>
    tpu.enqueue_indirect_dma source(%arg16 : memref<40x128xf32, #tpu.memory_space<vmem>>) target(%dma_start3A_99 : memref<10000x128xf32, #tpu.memory_space<vmem_shared>>) offsets(%dma_start3A_96 : memref<40xi32, #tpu.memory_space<vmem>>) semaphore(%arg29 : memref<!tpu.dma_semaphore, #tpu.memory_space<semaphore_mem>>) {add = true}
    "tpu.region"() ({
      %run_scoped3A = tpu.sem_alloc : memref<!tpu.dma_semaphore, #tpu.memory_space<semaphore_mem>>
      %dma_start3A_210 = arith.constant 160 : i32
      %dma_start3A_211 = tpu.memref_slice %arg11[%dma_start3A_210] : memref<10000xi32, #tpu.memory_space<vmem>> -> memref<40xi32, #tpu.memory_space<vmem>>
      %dma_start3A_212 = arith.constant 0 : i32
      %dma_start3A_213 = arith.constant 0 : i32
      %dma_start3A_214 = tpu.memref_slice %arg19[%dma_start3A_212, %dma_start3A_213] : memref<10000x8xf32, #tpu.memory_space<vmem_shared>> -> memref<10000x8xf32, #tpu.memory_space<vmem_shared>>
      tpu.enqueue_indirect_dma source(%arg17 : memref<40x8xf32, #tpu.memory_space<vmem>>) target(%dma_start3A_214 : memref<10000x8xf32, #tpu.memory_space<vmem_shared>>) offsets(%dma_start3A_211 : memref<40xi32, #tpu.memory_space<vmem>>) semaphore(%run_scoped3A : memref<!tpu.dma_semaphore, #tpu.memory_space<semaphore_mem>>) {add = true}
      %dma_wait3A_215 = arith.constant 160 : i32
      %dma_wait3A_216 = tpu.memref_slice %arg11[%dma_wait3A_215] : memref<10000xi32, #tpu.memory_space<vmem>> -> memref<40xi32, #tpu.memory_space<vmem>>
      %dma_wait3A_217 = arith.constant 0 : i32
      %dma_wait3A_218 = arith.constant 0 : i32
      %dma_wait3A_219 = tpu.memref_slice %arg19[%dma_wait3A_217, %dma_wait3A_218] : memref<10000x8xf32, #tpu.memory_space<vmem_shared>> -> memref<10000x8xf32, #tpu.memory_space<vmem_shared>>
      tpu.wait_indirect_dma semaphore(%run_scoped3A : memref<!tpu.dma_semaphore, #tpu.memory_space<semaphore_mem>>) src(%arg17 : memref<40x8xf32, #tpu.memory_space<vmem>>) dst(%dma_wait3A_219 : memref<10000x8xf32, #tpu.memory_space<vmem_shared>>)
      tpu.yield
    }) : () -> ()
    %dma_wait3A_100 = arith.constant 80 : i32
    %dma_wait3A_101 = tpu.memref_slice %arg11[%dma_wait3A_100] : memref<10000xi32, #tpu.memory_space<vmem>> -> memref<40xi32, #tpu.memory_space<vmem>>
    %dma_wait3A_102 = arith.constant 0 : i32
    %dma_wait3A_103 = arith.constant 0 : i32
    %dma_wait3A_104 = tpu.memref_slice %arg18[%dma_wait3A_102, %dma_wait3A_103] : memref<10000x128xf32, #tpu.memory_space<vmem_shared>> -> memref<10000x128xf32, #tpu.memory_space<vmem_shared>>
    tpu.wait_indirect_dma semaphore(%arg27 : memref<!tpu.dma_semaphore, #tpu.memory_space<semaphore_mem>>) src(%arg14 : memref<40x128xf32, #tpu.memory_space<vmem>>) dst(%dma_wait3A_104 : memref<10000x128xf32, #tpu.memory_space<vmem_shared>>)
    %dma_start3A_105 = arith.constant 280 : i32
    %dma_start3A_106 = tpu.memref_slice %arg10[%dma_start3A_105] : memref<10000xi32, #tpu.memory_space<vmem>> -> memref<40xi32, #tpu.memory_space<vmem>>
    %dma_start3A_107 = arith.constant 0 : i32
    %dma_start3A_108 = arith.constant 0 : i32
    %dma_start3A_109 = tpu.memref_slice %arg2[%dma_start3A_107, %dma_start3A_108] : memref<10000x128xf32, #tpu.memory_space<hbm>> -> memref<10000x128xf32, #tpu.memory_space<hbm>>
    tpu.enqueue_indirect_dma source(%dma_start3A_109 : memref<10000x128xf32, #tpu.memory_space<hbm>>) target(%arg14 : memref<40x128xf32, #tpu.memory_space<vmem>>) offsets(%dma_start3A_106 : memref<40xi32, #tpu.memory_space<vmem>>) semaphore(%arg22 : memref<!tpu.dma_semaphore, #tpu.memory_space<semaphore_mem>>)
    %scan3A = arith.constant 0 : i32
    %scan3A_110 = arith.constant 48 : i32
    %scan3A_111 = arith.addi %scan3A, %scan3A_110 : i32
    %scan3A_112 = arith.constant 1 : i32
    scf.for %scan3A_210 = %scan3A to %scan3A_111 step %scan3A_112  : i32 {
      %mul3A_211 = arith.constant 1 : i32
      %mul3A_212 = arith.muli %scan3A_210, %mul3A_211 : i32
      %add3A_213 = arith.constant 0 : i32
      %add3A_214 = arith.addi %add3A_213, %mul3A_212 : i32
      %mul3A_215 = arith.constant 5 : i32
      %mul3A_216 = arith.muli %add3A_214, %mul3A_215 : i32
      %add3A_217 = arith.constant 5 : i32
      %add3A_218 = arith.addi %add3A_217, %mul3A_216 : i32
      %add3A_219 = arith.constant 0 : i32
      %add3A_220 = arith.addi %add3A_218, %add3A_219 : i32
      %mul3A_221 = arith.constant 40 : i32
      %mul3A_222 = arith.muli %add3A_220, %mul3A_221 : i32
      %dma_wait3A_223 = tpu.memref_slice %arg10[%mul3A_222] : memref<10000xi32, #tpu.memory_space<vmem>> -> memref<40xi32, #tpu.memory_space<vmem>>
      %dma_wait3A_224 = arith.constant 0 : i32
      %dma_wait3A_225 = arith.constant 0 : i32
      %dma_wait3A_226 = tpu.memref_slice %arg2[%dma_wait3A_224, %dma_wait3A_225] : memref<10000x128xf32, #tpu.memory_space<hbm>> -> memref<10000x128xf32, #tpu.memory_space<hbm>>
      tpu.wait_indirect_dma semaphore(%arg20 : memref<!tpu.dma_semaphore, #tpu.memory_space<semaphore_mem>>) src(%dma_wait3A_226 : memref<10000x128xf32, #tpu.memory_space<hbm>>) dst(%arg12 : memref<40x128xf32, #tpu.memory_space<vmem>>)
      %mul3A_227 = arith.constant 40 : i32
      %mul3A_228 = arith.muli %add3A_220, %mul3A_227 : i32
      %dma_start3A_229 = tpu.memref_slice %arg11[%mul3A_228] : memref<10000xi32, #tpu.memory_space<vmem>> -> memref<40xi32, #tpu.memory_space<vmem>>
      %dma_start3A_230 = arith.constant 0 : i32
      %dma_start3A_231 = arith.constant 0 : i32
      %dma_start3A_232 = tpu.memref_slice %arg18[%dma_start3A_230, %dma_start3A_231] : memref<10000x128xf32, #tpu.memory_space<vmem_shared>> -> memref<10000x128xf32, #tpu.memory_space<vmem_shared>>
      tpu.enqueue_indirect_dma source(%arg12 : memref<40x128xf32, #tpu.memory_space<vmem>>) target(%dma_start3A_232 : memref<10000x128xf32, #tpu.memory_space<vmem_shared>>) offsets(%dma_start3A_229 : memref<40xi32, #tpu.memory_space<vmem>>) semaphore(%arg25 : memref<!tpu.dma_semaphore, #tpu.memory_space<semaphore_mem>>) {add = true}
      %mul3A_233 = arith.constant 40 : i32
      %mul3A_234 = arith.muli %add3A_220, %mul3A_233 : i32
      "tpu.region"() ({
        %run_scoped3A = tpu.sem_alloc : memref<!tpu.dma_semaphore, #tpu.memory_space<semaphore_mem>>
        %dma_start3A_378 = tpu.memref_slice %arg11[%mul3A_234] : memref<10000xi32, #tpu.memory_space<vmem>> -> memref<40xi32, #tpu.memory_space<vmem>>
        %dma_start3A_379 = arith.constant 0 : i32
        %dma_start3A_380 = arith.constant 0 : i32
        %dma_start3A_381 = tpu.memref_slice %arg19[%dma_start3A_379, %dma_start3A_380] : memref<10000x8xf32, #tpu.memory_space<vmem_shared>> -> memref<10000x8xf32, #tpu.memory_space<vmem_shared>>
        tpu.enqueue_indirect_dma source(%arg17 : memref<40x8xf32, #tpu.memory_space<vmem>>) target(%dma_start3A_381 : memref<10000x8xf32, #tpu.memory_space<vmem_shared>>) offsets(%dma_start3A_378 : memref<40xi32, #tpu.memory_space<vmem>>) semaphore(%run_scoped3A : memref<!tpu.dma_semaphore, #tpu.memory_space<semaphore_mem>>) {add = true}
        %dma_wait3A_382 = tpu.memref_slice %arg11[%mul3A_234] : memref<10000xi32, #tpu.memory_space<vmem>> -> memref<40xi32, #tpu.memory_space<vmem>>
        %dma_wait3A_383 = arith.constant 0 : i32
        %dma_wait3A_384 = arith.constant 0 : i32
        %dma_wait3A_385 = tpu.memref_slice %arg19[%dma_wait3A_383, %dma_wait3A_384] : memref<10000x8xf32, #tpu.memory_space<vmem_shared>> -> memref<10000x8xf32, #tpu.memory_space<vmem_shared>>
        tpu.wait_indirect_dma semaphore(%run_scoped3A : memref<!tpu.dma_semaphore, #tpu.memory_space<semaphore_mem>>) src(%arg17 : memref<40x8xf32, #tpu.memory_space<vmem>>) dst(%dma_wait3A_385 : memref<10000x8xf32, #tpu.memory_space<vmem_shared>>)
        tpu.yield
      }) : () -> ()
      %sub3A = arith.constant 2 : i32
      %sub3A_235 = arith.subi %add3A_220, %sub3A : i32
      %mul3A_236 = arith.constant 40 : i32
      %mul3A_237 = arith.muli %sub3A_235, %mul3A_236 : i32
      %dma_wait3A_238 = tpu.memref_slice %arg11[%mul3A_237] : memref<10000xi32, #tpu.memory_space<vmem>> -> memref<40xi32, #tpu.memory_space<vmem>>
      %dma_wait3A_239 = arith.constant 0 : i32
      %dma_wait3A_240 = arith.constant 0 : i32
      %dma_wait3A_241 = tpu.memref_slice %arg18[%dma_wait3A_239, %dma_wait3A_240] : memref<10000x128xf32, #tpu.memory_space<vmem_shared>> -> memref<10000x128xf32, #tpu.memory_space<vmem_shared>>
      tpu.wait_indirect_dma semaphore(%arg28 : memref<!tpu.dma_semaphore, #tpu.memory_space<semaphore_mem>>) src(%arg15 : memref<40x128xf32, #tpu.memory_space<vmem>>) dst(%dma_wait3A_241 : memref<10000x128xf32, #tpu.memory_space<vmem_shared>>)
      %add3A_242 = arith.constant 3 : i32
      %add3A_243 = arith.addi %add3A_220, %add3A_242 : i32
      %mul3A_244 = arith.constant 40 : i32
      %mul3A_245 = arith.muli %add3A_243, %mul3A_244 : i32
      %dma_start3A_246 = tpu.memref_slice %arg10[%mul3A_245] : memref<10000xi32, #tpu.memory_space<vmem>> -> memref<40xi32, #tpu.memory_space<vmem>>
      %dma_start3A_247 = arith.constant 0 : i32
      %dma_start3A_248 = arith.constant 0 : i32
      %dma_start3A_249 = tpu.memref_slice %arg2[%dma_start3A_247, %dma_start3A_248] : memref<10000x128xf32, #tpu.memory_space<hbm>> -> memref<10000x128xf32, #tpu.memory_space<hbm>>
      tpu.enqueue_indirect_dma source(%dma_start3A_249 : memref<10000x128xf32, #tpu.memory_space<hbm>>) target(%arg15 : memref<40x128xf32, #tpu.memory_space<vmem>>) offsets(%dma_start3A_246 : memref<40xi32, #tpu.memory_space<vmem>>) semaphore(%arg23 : memref<!tpu.dma_semaphore, #tpu.memory_space<semaphore_mem>>)
      %add3A_250 = arith.constant 1 : i32
      %add3A_251 = arith.addi %add3A_218, %add3A_250 : i32
      %mul3A_252 = arith.constant 40 : i32
      %mul3A_253 = arith.muli %add3A_251, %mul3A_252 : i32
      %dma_wait3A_254 = tpu.memref_slice %arg10[%mul3A_253] : memref<10000xi32, #tpu.memory_space<vmem>> -> memref<40xi32, #tpu.memory_space<vmem>>
      %dma_wait3A_255 = arith.constant 0 : i32
      %dma_wait3A_256 = arith.constant 0 : i32
      %dma_wait3A_257 = tpu.memref_slice %arg2[%dma_wait3A_255, %dma_wait3A_256] : memref<10000x128xf32, #tpu.memory_space<hbm>> -> memref<10000x128xf32, #tpu.memory_space<hbm>>
      tpu.wait_indirect_dma semaphore(%arg21 : memref<!tpu.dma_semaphore, #tpu.memory_space<semaphore_mem>>) src(%dma_wait3A_257 : memref<10000x128xf32, #tpu.memory_space<hbm>>) dst(%arg13 : memref<40x128xf32, #tpu.memory_space<vmem>>)
      %mul3A_258 = arith.constant 40 : i32
      %mul3A_259 = arith.muli %add3A_251, %mul3A_258 : i32
      %dma_start3A_260 = tpu.memref_slice %arg11[%mul3A_259] : memref<10000xi32, #tpu.memory_space<vmem>> -> memref<40xi32, #tpu.memory_space<vmem>>
      %dma_start3A_261 = arith.constant 0 : i32
      %dma_start3A_262 = arith.constant 0 : i32
      %dma_start3A_263 = tpu.memref_slice %arg18[%dma_start3A_261, %dma_start3A_262] : memref<10000x128xf32, #tpu.memory_space<vmem_shared>> -> memref<10000x128xf32, #tpu.memory_space<vmem_shared>>
      tpu.enqueue_indirect_dma source(%arg13 : memref<40x128xf32, #tpu.memory_space<vmem>>) target(%dma_start3A_263 : memref<10000x128xf32, #tpu.memory_space<vmem_shared>>) offsets(%dma_start3A_260 : memref<40xi32, #tpu.memory_space<vmem>>) semaphore(%arg26 : memref<!tpu.dma_semaphore, #tpu.memory_space<semaphore_mem>>) {add = true}
      %mul3A_264 = arith.constant 40 : i32
      %mul3A_265 = arith.muli %add3A_251, %mul3A_264 : i32
      "tpu.region"() ({
        %run_scoped3A = tpu.sem_alloc : memref<!tpu.dma_semaphore, #tpu.memory_space<semaphore_mem>>
        %dma_start3A_378 = tpu.memref_slice %arg11[%mul3A_265] : memref<10000xi32, #tpu.memory_space<vmem>> -> memref<40xi32, #tpu.memory_space<vmem>>
        %dma_start3A_379 = arith.constant 0 : i32
        %dma_start3A_380 = arith.constant 0 : i32
        %dma_start3A_381 = tpu.memref_slice %arg19[%dma_start3A_379, %dma_start3A_380] : memref<10000x8xf32, #tpu.memory_space<vmem_shared>> -> memref<10000x8xf32, #tpu.memory_space<vmem_shared>>
        tpu.enqueue_indirect_dma source(%arg17 : memref<40x8xf32, #tpu.memory_space<vmem>>) target(%dma_start3A_381 : memref<10000x8xf32, #tpu.memory_space<vmem_shared>>) offsets(%dma_start3A_378 : memref<40xi32, #tpu.memory_space<vmem>>) semaphore(%run_scoped3A : memref<!tpu.dma_semaphore, #tpu.memory_space<semaphore_mem>>) {add = true}
        %dma_wait3A_382 = tpu.memref_slice %arg11[%mul3A_265] : memref<10000xi32, #tpu.memory_space<vmem>> -> memref<40xi32, #tpu.memory_space<vmem>>
        %dma_wait3A_383 = arith.constant 0 : i32
        %dma_wait3A_384 = arith.constant 0 : i32
        %dma_wait3A_385 = tpu.memref_slice %arg19[%dma_wait3A_383, %dma_wait3A_384] : memref<10000x8xf32, #tpu.memory_space<vmem_shared>> -> memref<10000x8xf32, #tpu.memory_space<vmem_shared>>
        tpu.wait_indirect_dma semaphore(%run_scoped3A : memref<!tpu.dma_semaphore, #tpu.memory_space<semaphore_mem>>) src(%arg17 : memref<40x8xf32, #tpu.memory_space<vmem>>) dst(%dma_wait3A_385 : memref<10000x8xf32, #tpu.memory_space<vmem_shared>>)
        tpu.yield
      }) : () -> ()
      %sub3A_266 = arith.constant 2 : i32
      %sub3A_267 = arith.subi %add3A_251, %sub3A_266 : i32
      %mul3A_268 = arith.constant 40 : i32
      %mul3A_269 = arith.muli %sub3A_267, %mul3A_268 : i32
      %dma_wait3A_270 = tpu.memref_slice %arg11[%mul3A_269] : memref<10000xi32, #tpu.memory_space<vmem>> -> memref<40xi32, #tpu.memory_space<vmem>>
      %dma_wait3A_271 = arith.constant 0 : i32
      %dma_wait3A_272 = arith.constant 0 : i32
      %dma_wait3A_273 = tpu.memref_slice %arg18[%dma_wait3A_271, %dma_wait3A_272] : memref<10000x128xf32, #tpu.memory_space<vmem_shared>> -> memref<10000x128xf32, #tpu.memory_space<vmem_shared>>
      tpu.wait_indirect_dma semaphore(%arg29 : memref<!tpu.dma_semaphore, #tpu.memory_space<semaphore_mem>>) src(%arg16 : memref<40x128xf32, #tpu.memory_space<vmem>>) dst(%dma_wait3A_273 : memref<10000x128xf32, #tpu.memory_space<vmem_shared>>)
      %add3A_274 = arith.constant 3 : i32
      %add3A_275 = arith.addi %add3A_251, %add3A_274 : i32
      %mul3A_276 = arith.constant 40 : i32
      %mul3A_277 = arith.muli %add3A_275, %mul3A_276 : i32
      %dma_start3A_278 = tpu.memref_slice %arg10[%mul3A_277] : memref<10000xi32, #tpu.memory_space<vmem>> -> memref<40xi32, #tpu.memory_space<vmem>>
      %dma_start3A_279 = arith.constant 0 : i32
      %dma_start3A_280 = arith.constant 0 : i32
      %dma_start3A_281 = tpu.memref_slice %arg2[%dma_start3A_279, %dma_start3A_280] : memref<10000x128xf32, #tpu.memory_space<hbm>> -> memref<10000x128xf32, #tpu.memory_space<hbm>>
      tpu.enqueue_indirect_dma source(%dma_start3A_281 : memref<10000x128xf32, #tpu.memory_space<hbm>>) target(%arg16 : memref<40x128xf32, #tpu.memory_space<vmem>>) offsets(%dma_start3A_278 : memref<40xi32, #tpu.memory_space<vmem>>) semaphore(%arg24 : memref<!tpu.dma_semaphore, #tpu.memory_space<semaphore_mem>>)
      %add3A_282 = arith.constant 2 : i32
      %add3A_283 = arith.addi %add3A_218, %add3A_282 : i32
      %mul3A_284 = arith.constant 40 : i32
      %mul3A_285 = arith.muli %add3A_283, %mul3A_284 : i32
      %dma_wait3A_286 = tpu.memref_slice %arg10[%mul3A_285] : memref<10000xi32, #tpu.memory_space<vmem>> -> memref<40xi32, #tpu.memory_space<vmem>>
      %dma_wait3A_287 = arith.constant 0 : i32
      %dma_wait3A_288 = arith.constant 0 : i32
      %dma_wait3A_289 = tpu.memref_slice %arg2[%dma_wait3A_287, %dma_wait3A_288] : memref<10000x128xf32, #tpu.memory_space<hbm>> -> memref<10000x128xf32, #tpu.memory_space<hbm>>
      tpu.wait_indirect_dma semaphore(%arg22 : memref<!tpu.dma_semaphore, #tpu.memory_space<semaphore_mem>>) src(%dma_wait3A_289 : memref<10000x128xf32, #tpu.memory_space<hbm>>) dst(%arg14 : memref<40x128xf32, #tpu.memory_space<vmem>>)
      %mul3A_290 = arith.constant 40 : i32
      %mul3A_291 = arith.muli %add3A_283, %mul3A_290 : i32
      %dma_start3A_292 = tpu.memref_slice %arg11[%mul3A_291] : memref<10000xi32, #tpu.memory_space<vmem>> -> memref<40xi32, #tpu.memory_space<vmem>>
      %dma_start3A_293 = arith.constant 0 : i32
      %dma_start3A_294 = arith.constant 0 : i32
      %dma_start3A_295 = tpu.memref_slice %arg18[%dma_start3A_293, %dma_start3A_294] : memref<10000x128xf32, #tpu.memory_space<vmem_shared>> -> memref<10000x128xf32, #tpu.memory_space<vmem_shared>>
      tpu.enqueue_indirect_dma source(%arg14 : memref<40x128xf32, #tpu.memory_space<vmem>>) target(%dma_start3A_295 : memref<10000x128xf32, #tpu.memory_space<vmem_shared>>) offsets(%dma_start3A_292 : memref<40xi32, #tpu.memory_space<vmem>>) semaphore(%arg27 : memref<!tpu.dma_semaphore, #tpu.memory_space<semaphore_mem>>) {add = true}
      %mul3A_296 = arith.constant 40 : i32
      %mul3A_297 = arith.muli %add3A_283, %mul3A_296 : i32
      "tpu.region"() ({
        %run_scoped3A = tpu.sem_alloc : memref<!tpu.dma_semaphore, #tpu.memory_space<semaphore_mem>>
        %dma_start3A_378 = tpu.memref_slice %arg11[%mul3A_297] : memref<10000xi32, #tpu.memory_space<vmem>> -> memref<40xi32, #tpu.memory_space<vmem>>
        %dma_start3A_379 = arith.constant 0 : i32
        %dma_start3A_380 = arith.constant 0 : i32
        %dma_start3A_381 = tpu.memref_slice %arg19[%dma_start3A_379, %dma_start3A_380] : memref<10000x8xf32, #tpu.memory_space<vmem_shared>> -> memref<10000x8xf32, #tpu.memory_space<vmem_shared>>
        tpu.enqueue_indirect_dma source(%arg17 : memref<40x8xf32, #tpu.memory_space<vmem>>) target(%dma_start3A_381 : memref<10000x8xf32, #tpu.memory_space<vmem_shared>>) offsets(%dma_start3A_378 : memref<40xi32, #tpu.memory_space<vmem>>) semaphore(%run_scoped3A : memref<!tpu.dma_semaphore, #tpu.memory_space<semaphore_mem>>) {add = true}
        %dma_wait3A_382 = tpu.memref_slice %arg11[%mul3A_297] : memref<10000xi32, #tpu.memory_space<vmem>> -> memref<40xi32, #tpu.memory_space<vmem>>
        %dma_wait3A_383 = arith.constant 0 : i32
        %dma_wait3A_384 = arith.constant 0 : i32
        %dma_wait3A_385 = tpu.memref_slice %arg19[%dma_wait3A_383, %dma_wait3A_384] : memref<10000x8xf32, #tpu.memory_space<vmem_shared>> -> memref<10000x8xf32, #tpu.memory_space<vmem_shared>>
        tpu.wait_indirect_dma semaphore(%run_scoped3A : memref<!tpu.dma_semaphore, #tpu.memory_space<semaphore_mem>>) src(%arg17 : memref<40x8xf32, #tpu.memory_space<vmem>>) dst(%dma_wait3A_385 : memref<10000x8xf32, #tpu.memory_space<vmem_shared>>)
        tpu.yield
      }) : () -> ()
      %sub3A_298 = arith.constant 2 : i32
      %sub3A_299 = arith.subi %add3A_283, %sub3A_298 : i32
      %mul3A_300 = arith.constant 40 : i32
      %mul3A_301 = arith.muli %sub3A_299, %mul3A_300 : i32
      %dma_wait3A_302 = tpu.memref_slice %arg11[%mul3A_301] : memref<10000xi32, #tpu.memory_space<vmem>> -> memref<40xi32, #tpu.memory_space<vmem>>
      %dma_wait3A_303 = arith.constant 0 : i32
      %dma_wait3A_304 = arith.constant 0 : i32
      %dma_wait3A_305 = tpu.memref_slice %arg18[%dma_wait3A_303, %dma_wait3A_304] : memref<10000x128xf32, #tpu.memory_space<vmem_shared>> -> memref<10000x128xf32, #tpu.memory_space<vmem_shared>>
      tpu.wait_indirect_dma semaphore(%arg25 : memref<!tpu.dma_semaphore, #tpu.memory_space<semaphore_mem>>) src(%arg12 : memref<40x128xf32, #tpu.memory_space<vmem>>) dst(%dma_wait3A_305 : memref<10000x128xf32, #tpu.memory_space<vmem_shared>>)
      %add3A_306 = arith.constant 3 : i32
      %add3A_307 = arith.addi %add3A_283, %add3A_306 : i32
      %mul3A_308 = arith.constant 40 : i32
      %mul3A_309 = arith.muli %add3A_307, %mul3A_308 : i32
      %dma_start3A_310 = tpu.memref_slice %arg10[%mul3A_309] : memref<10000xi32, #tpu.memory_space<vmem>> -> memref<40xi32, #tpu.memory_space<vmem>>
      %dma_start3A_311 = arith.constant 0 : i32
      %dma_start3A_312 = arith.constant 0 : i32
      %dma_start3A_313 = tpu.memref_slice %arg2[%dma_start3A_311, %dma_start3A_312] : memref<10000x128xf32, #tpu.memory_space<hbm>> -> memref<10000x128xf32, #tpu.memory_space<hbm>>
      tpu.enqueue_indirect_dma source(%dma_start3A_313 : memref<10000x128xf32, #tpu.memory_space<hbm>>) target(%arg12 : memref<40x128xf32, #tpu.memory_space<vmem>>) offsets(%dma_start3A_310 : memref<40xi32, #tpu.memory_space<vmem>>) semaphore(%arg20 : memref<!tpu.dma_semaphore, #tpu.memory_space<semaphore_mem>>)
      %add3A_314 = arith.constant 3 : i32
      %add3A_315 = arith.addi %add3A_218, %add3A_314 : i32
      %mul3A_316 = arith.constant 40 : i32
      %mul3A_317 = arith.muli %add3A_315, %mul3A_316 : i32
      %dma_wait3A_318 = tpu.memref_slice %arg10[%mul3A_317] : memref<10000xi32, #tpu.memory_space<vmem>> -> memref<40xi32, #tpu.memory_space<vmem>>
      %dma_wait3A_319 = arith.constant 0 : i32
      %dma_wait3A_320 = arith.constant 0 : i32
      %dma_wait3A_321 = tpu.memref_slice %arg2[%dma_wait3A_319, %dma_wait3A_320] : memref<10000x128xf32, #tpu.memory_space<hbm>> -> memref<10000x128xf32, #tpu.memory_space<hbm>>
      tpu.wait_indirect_dma semaphore(%arg23 : memref<!tpu.dma_semaphore, #tpu.memory_space<semaphore_mem>>) src(%dma_wait3A_321 : memref<10000x128xf32, #tpu.memory_space<hbm>>) dst(%arg15 : memref<40x128xf32, #tpu.memory_space<vmem>>)
      %mul3A_322 = arith.constant 40 : i32
      %mul3A_323 = arith.muli %add3A_315, %mul3A_322 : i32
      %dma_start3A_324 = tpu.memref_slice %arg11[%mul3A_323] : memref<10000xi32, #tpu.memory_space<vmem>> -> memref<40xi32, #tpu.memory_space<vmem>>
      %dma_start3A_325 = arith.constant 0 : i32
      %dma_start3A_326 = arith.constant 0 : i32
      %dma_start3A_327 = tpu.memref_slice %arg18[%dma_start3A_325, %dma_start3A_326] : memref<10000x128xf32, #tpu.memory_space<vmem_shared>> -> memref<10000x128xf32, #tpu.memory_space<vmem_shared>>
      tpu.enqueue_indirect_dma source(%arg15 : memref<40x128xf32, #tpu.memory_space<vmem>>) target(%dma_start3A_327 : memref<10000x128xf32, #tpu.memory_space<vmem_shared>>) offsets(%dma_start3A_324 : memref<40xi32, #tpu.memory_space<vmem>>) semaphore(%arg28 : memref<!tpu.dma_semaphore, #tpu.memory_space<semaphore_mem>>) {add = true}
      %mul3A_328 = arith.constant 40 : i32
      %mul3A_329 = arith.muli %add3A_315, %mul3A_328 : i32
      "tpu.region"() ({
        %run_scoped3A = tpu.sem_alloc : memref<!tpu.dma_semaphore, #tpu.memory_space<semaphore_mem>>
        %dma_start3A_378 = tpu.memref_slice %arg11[%mul3A_329] : memref<10000xi32, #tpu.memory_space<vmem>> -> memref<40xi32, #tpu.memory_space<vmem>>
        %dma_start3A_379 = arith.constant 0 : i32
        %dma_start3A_380 = arith.constant 0 : i32
        %dma_start3A_381 = tpu.memref_slice %arg19[%dma_start3A_379, %dma_start3A_380] : memref<10000x8xf32, #tpu.memory_space<vmem_shared>> -> memref<10000x8xf32, #tpu.memory_space<vmem_shared>>
        tpu.enqueue_indirect_dma source(%arg17 : memref<40x8xf32, #tpu.memory_space<vmem>>) target(%dma_start3A_381 : memref<10000x8xf32, #tpu.memory_space<vmem_shared>>) offsets(%dma_start3A_378 : memref<40xi32, #tpu.memory_space<vmem>>) semaphore(%run_scoped3A : memref<!tpu.dma_semaphore, #tpu.memory_space<semaphore_mem>>) {add = true}
        %dma_wait3A_382 = tpu.memref_slice %arg11[%mul3A_329] : memref<10000xi32, #tpu.memory_space<vmem>> -> memref<40xi32, #tpu.memory_space<vmem>>
        %dma_wait3A_383 = arith.constant 0 : i32
        %dma_wait3A_384 = arith.constant 0 : i32
        %dma_wait3A_385 = tpu.memref_slice %arg19[%dma_wait3A_383, %dma_wait3A_384] : memref<10000x8xf32, #tpu.memory_space<vmem_shared>> -> memref<10000x8xf32, #tpu.memory_space<vmem_shared>>
        tpu.wait_indirect_dma semaphore(%run_scoped3A : memref<!tpu.dma_semaphore, #tpu.memory_space<semaphore_mem>>) src(%arg17 : memref<40x8xf32, #tpu.memory_space<vmem>>) dst(%dma_wait3A_385 : memref<10000x8xf32, #tpu.memory_space<vmem_shared>>)
        tpu.yield
      }) : () -> ()
      %sub3A_330 = arith.constant 2 : i32
      %sub3A_331 = arith.subi %add3A_315, %sub3A_330 : i32
      %mul3A_332 = arith.constant 40 : i32
      %mul3A_333 = arith.muli %sub3A_331, %mul3A_332 : i32
      %dma_wait3A_334 = tpu.memref_slice %arg11[%mul3A_333] : memref<10000xi32, #tpu.memory_space<vmem>> -> memref<40xi32, #tpu.memory_space<vmem>>
      %dma_wait3A_335 = arith.constant 0 : i32
      %dma_wait3A_336 = arith.constant 0 : i32
      %dma_wait3A_337 = tpu.memref_slice %arg18[%dma_wait3A_335, %dma_wait3A_336] : memref<10000x128xf32, #tpu.memory_space<vmem_shared>> -> memref<10000x128xf32, #tpu.memory_space<vmem_shared>>
      tpu.wait_indirect_dma semaphore(%arg26 : memref<!tpu.dma_semaphore, #tpu.memory_space<semaphore_mem>>) src(%arg13 : memref<40x128xf32, #tpu.memory_space<vmem>>) dst(%dma_wait3A_337 : memref<10000x128xf32, #tpu.memory_space<vmem_shared>>)
      %add3A_338 = arith.constant 3 : i32
      %add3A_339 = arith.addi %add3A_315, %add3A_338 : i32
      %mul3A_340 = arith.constant 40 : i32
      %mul3A_341 = arith.muli %add3A_339, %mul3A_340 : i32
      %dma_start3A_342 = tpu.memref_slice %arg10[%mul3A_341] : memref<10000xi32, #tpu.memory_space<vmem>> -> memref<40xi32, #tpu.memory_space<vmem>>
      %dma_start3A_343 = arith.constant 0 : i32
      %dma_start3A_344 = arith.constant 0 : i32
      %dma_start3A_345 = tpu.memref_slice %arg2[%dma_start3A_343, %dma_start3A_344] : memref<10000x128xf32, #tpu.memory_space<hbm>> -> memref<10000x128xf32, #tpu.memory_space<hbm>>
      tpu.enqueue_indirect_dma source(%dma_start3A_345 : memref<10000x128xf32, #tpu.memory_space<hbm>>) target(%arg13 : memref<40x128xf32, #tpu.memory_space<vmem>>) offsets(%dma_start3A_342 : memref<40xi32, #tpu.memory_space<vmem>>) semaphore(%arg21 : memref<!tpu.dma_semaphore, #tpu.memory_space<semaphore_mem>>)
      %add3A_346 = arith.constant 4 : i32
      %add3A_347 = arith.addi %add3A_218, %add3A_346 : i32
      %mul3A_348 = arith.constant 40 : i32
      %mul3A_349 = arith.muli %add3A_347, %mul3A_348 : i32
      %dma_wait3A_350 = tpu.memref_slice %arg10[%mul3A_349] : memref<10000xi32, #tpu.memory_space<vmem>> -> memref<40xi32, #tpu.memory_space<vmem>>
      %dma_wait3A_351 = arith.constant 0 : i32
      %dma_wait3A_352 = arith.constant 0 : i32
      %dma_wait3A_353 = tpu.memref_slice %arg2[%dma_wait3A_351, %dma_wait3A_352] : memref<10000x128xf32, #tpu.memory_space<hbm>> -> memref<10000x128xf32, #tpu.memory_space<hbm>>
      tpu.wait_indirect_dma semaphore(%arg24 : memref<!tpu.dma_semaphore, #tpu.memory_space<semaphore_mem>>) src(%dma_wait3A_353 : memref<10000x128xf32, #tpu.memory_space<hbm>>) dst(%arg16 : memref<40x128xf32, #tpu.memory_space<vmem>>)
      %mul3A_354 = arith.constant 40 : i32
      %mul3A_355 = arith.muli %add3A_347, %mul3A_354 : i32
      %dma_start3A_356 = tpu.memref_slice %arg11[%mul3A_355] : memref<10000xi32, #tpu.memory_space<vmem>> -> memref<40xi32, #tpu.memory_space<vmem>>
      %dma_start3A_357 = arith.constant 0 : i32
      %dma_start3A_358 = arith.constant 0 : i32
      %dma_start3A_359 = tpu.memref_slice %arg18[%dma_start3A_357, %dma_start3A_358] : memref<10000x128xf32, #tpu.memory_space<vmem_shared>> -> memref<10000x128xf32, #tpu.memory_space<vmem_shared>>
      tpu.enqueue_indirect_dma source(%arg16 : memref<40x128xf32, #tpu.memory_space<vmem>>) target(%dma_start3A_359 : memref<10000x128xf32, #tpu.memory_space<vmem_shared>>) offsets(%dma_start3A_356 : memref<40xi32, #tpu.memory_space<vmem>>) semaphore(%arg29 : memref<!tpu.dma_semaphore, #tpu.memory_space<semaphore_mem>>) {add = true}
      %mul3A_360 = arith.constant 40 : i32
      %mul3A_361 = arith.muli %add3A_347, %mul3A_360 : i32
      "tpu.region"() ({
        %run_scoped3A = tpu.sem_alloc : memref<!tpu.dma_semaphore, #tpu.memory_space<semaphore_mem>>
        %dma_start3A_378 = tpu.memref_slice %arg11[%mul3A_361] : memref<10000xi32, #tpu.memory_space<vmem>> -> memref<40xi32, #tpu.memory_space<vmem>>
        %dma_start3A_379 = arith.constant 0 : i32
        %dma_start3A_380 = arith.constant 0 : i32
        %dma_start3A_381 = tpu.memref_slice %arg19[%dma_start3A_379, %dma_start3A_380] : memref<10000x8xf32, #tpu.memory_space<vmem_shared>> -> memref<10000x8xf32, #tpu.memory_space<vmem_shared>>
        tpu.enqueue_indirect_dma source(%arg17 : memref<40x8xf32, #tpu.memory_space<vmem>>) target(%dma_start3A_381 : memref<10000x8xf32, #tpu.memory_space<vmem_shared>>) offsets(%dma_start3A_378 : memref<40xi32, #tpu.memory_space<vmem>>) semaphore(%run_scoped3A : memref<!tpu.dma_semaphore, #tpu.memory_space<semaphore_mem>>) {add = true}
        %dma_wait3A_382 = tpu.memref_slice %arg11[%mul3A_361] : memref<10000xi32, #tpu.memory_space<vmem>> -> memref<40xi32, #tpu.memory_space<vmem>>
        %dma_wait3A_383 = arith.constant 0 : i32
        %dma_wait3A_384 = arith.constant 0 : i32
        %dma_wait3A_385 = tpu.memref_slice %arg19[%dma_wait3A_383, %dma_wait3A_384] : memref<10000x8xf32, #tpu.memory_space<vmem_shared>> -> memref<10000x8xf32, #tpu.memory_space<vmem_shared>>
        tpu.wait_indirect_dma semaphore(%run_scoped3A : memref<!tpu.dma_semaphore, #tpu.memory_space<semaphore_mem>>) src(%arg17 : memref<40x8xf32, #tpu.memory_space<vmem>>) dst(%dma_wait3A_385 : memref<10000x8xf32, #tpu.memory_space<vmem_shared>>)
        tpu.yield
      }) : () -> ()
      %sub3A_362 = arith.constant 2 : i32
      %sub3A_363 = arith.subi %add3A_347, %sub3A_362 : i32
      %mul3A_364 = arith.constant 40 : i32
      %mul3A_365 = arith.muli %sub3A_363, %mul3A_364 : i32
      %dma_wait3A_366 = tpu.memref_slice %arg11[%mul3A_365] : memref<10000xi32, #tpu.memory_space<vmem>> -> memref<40xi32, #tpu.memory_space<vmem>>
      %dma_wait3A_367 = arith.constant 0 : i32
      %dma_wait3A_368 = arith.constant 0 : i32
      %dma_wait3A_369 = tpu.memref_slice %arg18[%dma_wait3A_367, %dma_wait3A_368] : memref<10000x128xf32, #tpu.memory_space<vmem_shared>> -> memref<10000x128xf32, #tpu.memory_space<vmem_shared>>
      tpu.wait_indirect_dma semaphore(%arg27 : memref<!tpu.dma_semaphore, #tpu.memory_space<semaphore_mem>>) src(%arg14 : memref<40x128xf32, #tpu.memory_space<vmem>>) dst(%dma_wait3A_369 : memref<10000x128xf32, #tpu.memory_space<vmem_shared>>)
      %add3A_370 = arith.constant 3 : i32
      %add3A_371 = arith.addi %add3A_347, %add3A_370 : i32
      %mul3A_372 = arith.constant 40 : i32
      %mul3A_373 = arith.muli %add3A_371, %mul3A_372 : i32
      %dma_start3A_374 = tpu.memref_slice %arg10[%mul3A_373] : memref<10000xi32, #tpu.memory_space<vmem>> -> memref<40xi32, #tpu.memory_space<vmem>>
      %dma_start3A_375 = arith.constant 0 : i32
      %dma_start3A_376 = arith.constant 0 : i32
      %dma_start3A_377 = tpu.memref_slice %arg2[%dma_start3A_375, %dma_start3A_376] : memref<10000x128xf32, #tpu.memory_space<hbm>> -> memref<10000x128xf32, #tpu.memory_space<hbm>>
      tpu.enqueue_indirect_dma source(%dma_start3A_377 : memref<10000x128xf32, #tpu.memory_space<hbm>>) target(%arg14 : memref<40x128xf32, #tpu.memory_space<vmem>>) offsets(%dma_start3A_374 : memref<40xi32, #tpu.memory_space<vmem>>) semaphore(%arg22 : memref<!tpu.dma_semaphore, #tpu.memory_space<semaphore_mem>>)
    }
    %scan3A_113 = arith.constant 48 : i32
    %dma_wait3A_114 = arith.constant 9800 : i32
    %dma_wait3A_115 = tpu.memref_slice %arg10[%dma_wait3A_114] : memref<10000xi32, #tpu.memory_space<vmem>> -> memref<40xi32, #tpu.memory_space<vmem>>
    %dma_wait3A_116 = arith.constant 0 : i32
    %dma_wait3A_117 = arith.constant 0 : i32
    %dma_wait3A_118 = tpu.memref_slice %arg2[%dma_wait3A_116, %dma_wait3A_117] : memref<10000x128xf32, #tpu.memory_space<hbm>> -> memref<10000x128xf32, #tpu.memory_space<hbm>>
    tpu.wait_indirect_dma semaphore(%arg20 : memref<!tpu.dma_semaphore, #tpu.memory_space<semaphore_mem>>) src(%dma_wait3A_118 : memref<10000x128xf32, #tpu.memory_space<hbm>>) dst(%arg12 : memref<40x128xf32, #tpu.memory_space<vmem>>)
    %dma_start3A_119 = arith.constant 9800 : i32
    %dma_start3A_120 = tpu.memref_slice %arg11[%dma_start3A_119] : memref<10000xi32, #tpu.memory_space<vmem>> -> memref<40xi32, #tpu.memory_space<vmem>>
    %dma_start3A_121 = arith.constant 0 : i32
    %dma_start3A_122 = arith.constant 0 : i32
    %dma_start3A_123 = tpu.memref_slice %arg18[%dma_start3A_121, %dma_start3A_122] : memref<10000x128xf32, #tpu.memory_space<vmem_shared>> -> memref<10000x128xf32, #tpu.memory_space<vmem_shared>>
    tpu.enqueue_indirect_dma source(%arg12 : memref<40x128xf32, #tpu.memory_space<vmem>>) target(%dma_start3A_123 : memref<10000x128xf32, #tpu.memory_space<vmem_shared>>) offsets(%dma_start3A_120 : memref<40xi32, #tpu.memory_space<vmem>>) semaphore(%arg25 : memref<!tpu.dma_semaphore, #tpu.memory_space<semaphore_mem>>) {add = true}
    "tpu.region"() ({
      %run_scoped3A = tpu.sem_alloc : memref<!tpu.dma_semaphore, #tpu.memory_space<semaphore_mem>>
      %dma_start3A_210 = arith.constant 9800 : i32
      %dma_start3A_211 = tpu.memref_slice %arg11[%dma_start3A_210] : memref<10000xi32, #tpu.memory_space<vmem>> -> memref<40xi32, #tpu.memory_space<vmem>>
      %dma_start3A_212 = arith.constant 0 : i32
      %dma_start3A_213 = arith.constant 0 : i32
      %dma_start3A_214 = tpu.memref_slice %arg19[%dma_start3A_212, %dma_start3A_213] : memref<10000x8xf32, #tpu.memory_space<vmem_shared>> -> memref<10000x8xf32, #tpu.memory_space<vmem_shared>>
      tpu.enqueue_indirect_dma source(%arg17 : memref<40x8xf32, #tpu.memory_space<vmem>>) target(%dma_start3A_214 : memref<10000x8xf32, #tpu.memory_space<vmem_shared>>) offsets(%dma_start3A_211 : memref<40xi32, #tpu.memory_space<vmem>>) semaphore(%run_scoped3A : memref<!tpu.dma_semaphore, #tpu.memory_space<semaphore_mem>>) {add = true}
      %dma_wait3A_215 = arith.constant 9800 : i32
      %dma_wait3A_216 = tpu.memref_slice %arg11[%dma_wait3A_215] : memref<10000xi32, #tpu.memory_space<vmem>> -> memref<40xi32, #tpu.memory_space<vmem>>
      %dma_wait3A_217 = arith.constant 0 : i32
      %dma_wait3A_218 = arith.constant 0 : i32
      %dma_wait3A_219 = tpu.memref_slice %arg19[%dma_wait3A_217, %dma_wait3A_218] : memref<10000x8xf32, #tpu.memory_space<vmem_shared>> -> memref<10000x8xf32, #tpu.memory_space<vmem_shared>>
      tpu.wait_indirect_dma semaphore(%run_scoped3A : memref<!tpu.dma_semaphore, #tpu.memory_space<semaphore_mem>>) src(%arg17 : memref<40x8xf32, #tpu.memory_space<vmem>>) dst(%dma_wait3A_219 : memref<10000x8xf32, #tpu.memory_space<vmem_shared>>)
      tpu.yield
    }) : () -> ()
    %dma_wait3A_124 = arith.constant 9720 : i32
    %dma_wait3A_125 = tpu.memref_slice %arg11[%dma_wait3A_124] : memref<10000xi32, #tpu.memory_space<vmem>> -> memref<40xi32, #tpu.memory_space<vmem>>
    %dma_wait3A_126 = arith.constant 0 : i32
    %dma_wait3A_127 = arith.constant 0 : i32
    %dma_wait3A_128 = tpu.memref_slice %arg18[%dma_wait3A_126, %dma_wait3A_127] : memref<10000x128xf32, #tpu.memory_space<vmem_shared>> -> memref<10000x128xf32, #tpu.memory_space<vmem_shared>>
    tpu.wait_indirect_dma semaphore(%arg28 : memref<!tpu.dma_semaphore, #tpu.memory_space<semaphore_mem>>) src(%arg15 : memref<40x128xf32, #tpu.memory_space<vmem>>) dst(%dma_wait3A_128 : memref<10000x128xf32, #tpu.memory_space<vmem_shared>>)
    %dma_start3A_129 = arith.constant 9920 : i32
    %dma_start3A_130 = tpu.memref_slice %arg10[%dma_start3A_129] : memref<10000xi32, #tpu.memory_space<vmem>> -> memref<40xi32, #tpu.memory_space<vmem>>
    %dma_start3A_131 = arith.constant 0 : i32
    %dma_start3A_132 = arith.constant 0 : i32
    %dma_start3A_133 = tpu.memref_slice %arg2[%dma_start3A_131, %dma_start3A_132] : memref<10000x128xf32, #tpu.memory_space<hbm>> -> memref<10000x128xf32, #tpu.memory_space<hbm>>
    tpu.enqueue_indirect_dma source(%dma_start3A_133 : memref<10000x128xf32, #tpu.memory_space<hbm>>) target(%arg15 : memref<40x128xf32, #tpu.memory_space<vmem>>) offsets(%dma_start3A_130 : memref<40xi32, #tpu.memory_space<vmem>>) semaphore(%arg23 : memref<!tpu.dma_semaphore, #tpu.memory_space<semaphore_mem>>)
    %dma_wait3A_134 = arith.constant 9840 : i32
    %dma_wait3A_135 = tpu.memref_slice %arg10[%dma_wait3A_134] : memref<10000xi32, #tpu.memory_space<vmem>> -> memref<40xi32, #tpu.memory_space<vmem>>
    %dma_wait3A_136 = arith.constant 0 : i32
    %dma_wait3A_137 = arith.constant 0 : i32
    %dma_wait3A_138 = tpu.memref_slice %arg2[%dma_wait3A_136, %dma_wait3A_137] : memref<10000x128xf32, #tpu.memory_space<hbm>> -> memref<10000x128xf32, #tpu.memory_space<hbm>>
    tpu.wait_indirect_dma semaphore(%arg21 : memref<!tpu.dma_semaphore, #tpu.memory_space<semaphore_mem>>) src(%dma_wait3A_138 : memref<10000x128xf32, #tpu.memory_space<hbm>>) dst(%arg13 : memref<40x128xf32, #tpu.memory_space<vmem>>)
    %dma_start3A_139 = arith.constant 9840 : i32
    %dma_start3A_140 = tpu.memref_slice %arg11[%dma_start3A_139] : memref<10000xi32, #tpu.memory_space<vmem>> -> memref<40xi32, #tpu.memory_space<vmem>>
    %dma_start3A_141 = arith.constant 0 : i32
    %dma_start3A_142 = arith.constant 0 : i32
    %dma_start3A_143 = tpu.memref_slice %arg18[%dma_start3A_141, %dma_start3A_142] : memref<10000x128xf32, #tpu.memory_space<vmem_shared>> -> memref<10000x128xf32, #tpu.memory_space<vmem_shared>>
    tpu.enqueue_indirect_dma source(%arg13 : memref<40x128xf32, #tpu.memory_space<vmem>>) target(%dma_start3A_143 : memref<10000x128xf32, #tpu.memory_space<vmem_shared>>) offsets(%dma_start3A_140 : memref<40xi32, #tpu.memory_space<vmem>>) semaphore(%arg26 : memref<!tpu.dma_semaphore, #tpu.memory_space<semaphore_mem>>) {add = true}
    "tpu.region"() ({
      %run_scoped3A = tpu.sem_alloc : memref<!tpu.dma_semaphore, #tpu.memory_space<semaphore_mem>>
      %dma_start3A_210 = arith.constant 9840 : i32
      %dma_start3A_211 = tpu.memref_slice %arg11[%dma_start3A_210] : memref<10000xi32, #tpu.memory_space<vmem>> -> memref<40xi32, #tpu.memory_space<vmem>>
      %dma_start3A_212 = arith.constant 0 : i32
      %dma_start3A_213 = arith.constant 0 : i32
      %dma_start3A_214 = tpu.memref_slice %arg19[%dma_start3A_212, %dma_start3A_213] : memref<10000x8xf32, #tpu.memory_space<vmem_shared>> -> memref<10000x8xf32, #tpu.memory_space<vmem_shared>>
      tpu.enqueue_indirect_dma source(%arg17 : memref<40x8xf32, #tpu.memory_space<vmem>>) target(%dma_start3A_214 : memref<10000x8xf32, #tpu.memory_space<vmem_shared>>) offsets(%dma_start3A_211 : memref<40xi32, #tpu.memory_space<vmem>>) semaphore(%run_scoped3A : memref<!tpu.dma_semaphore, #tpu.memory_space<semaphore_mem>>) {add = true}
      %dma_wait3A_215 = arith.constant 9840 : i32
      %dma_wait3A_216 = tpu.memref_slice %arg11[%dma_wait3A_215] : memref<10000xi32, #tpu.memory_space<vmem>> -> memref<40xi32, #tpu.memory_space<vmem>>
      %dma_wait3A_217 = arith.constant 0 : i32
      %dma_wait3A_218 = arith.constant 0 : i32
      %dma_wait3A_219 = tpu.memref_slice %arg19[%dma_wait3A_217, %dma_wait3A_218] : memref<10000x8xf32, #tpu.memory_space<vmem_shared>> -> memref<10000x8xf32, #tpu.memory_space<vmem_shared>>
      tpu.wait_indirect_dma semaphore(%run_scoped3A : memref<!tpu.dma_semaphore, #tpu.memory_space<semaphore_mem>>) src(%arg17 : memref<40x8xf32, #tpu.memory_space<vmem>>) dst(%dma_wait3A_219 : memref<10000x8xf32, #tpu.memory_space<vmem_shared>>)
      tpu.yield
    }) : () -> ()
    %dma_wait3A_144 = arith.constant 9760 : i32
    %dma_wait3A_145 = tpu.memref_slice %arg11[%dma_wait3A_144] : memref<10000xi32, #tpu.memory_space<vmem>> -> memref<40xi32, #tpu.memory_space<vmem>>
    %dma_wait3A_146 = arith.constant 0 : i32
    %dma_wait3A_147 = arith.constant 0 : i32
    %dma_wait3A_148 = tpu.memref_slice %arg18[%dma_wait3A_146, %dma_wait3A_147] : memref<10000x128xf32, #tpu.memory_space<vmem_shared>> -> memref<10000x128xf32, #tpu.memory_space<vmem_shared>>
    tpu.wait_indirect_dma semaphore(%arg29 : memref<!tpu.dma_semaphore, #tpu.memory_space<semaphore_mem>>) src(%arg16 : memref<40x128xf32, #tpu.memory_space<vmem>>) dst(%dma_wait3A_148 : memref<10000x128xf32, #tpu.memory_space<vmem_shared>>)
    %dma_start3A_149 = arith.constant 9960 : i32
    %dma_start3A_150 = tpu.memref_slice %arg10[%dma_start3A_149] : memref<10000xi32, #tpu.memory_space<vmem>> -> memref<40xi32, #tpu.memory_space<vmem>>
    %dma_start3A_151 = arith.constant 0 : i32
    %dma_start3A_152 = arith.constant 0 : i32
    %dma_start3A_153 = tpu.memref_slice %arg2[%dma_start3A_151, %dma_start3A_152] : memref<10000x128xf32, #tpu.memory_space<hbm>> -> memref<10000x128xf32, #tpu.memory_space<hbm>>
    tpu.enqueue_indirect_dma source(%dma_start3A_153 : memref<10000x128xf32, #tpu.memory_space<hbm>>) target(%arg16 : memref<40x128xf32, #tpu.memory_space<vmem>>) offsets(%dma_start3A_150 : memref<40xi32, #tpu.memory_space<vmem>>) semaphore(%arg24 : memref<!tpu.dma_semaphore, #tpu.memory_space<semaphore_mem>>)
    %dma_wait3A_154 = arith.constant 9880 : i32
    %dma_wait3A_155 = tpu.memref_slice %arg10[%dma_wait3A_154] : memref<10000xi32, #tpu.memory_space<vmem>> -> memref<40xi32, #tpu.memory_space<vmem>>
    %dma_wait3A_156 = arith.constant 0 : i32
    %dma_wait3A_157 = arith.constant 0 : i32
    %dma_wait3A_158 = tpu.memref_slice %arg2[%dma_wait3A_156, %dma_wait3A_157] : memref<10000x128xf32, #tpu.memory_space<hbm>> -> memref<10000x128xf32, #tpu.memory_space<hbm>>
    tpu.wait_indirect_dma semaphore(%arg22 : memref<!tpu.dma_semaphore, #tpu.memory_space<semaphore_mem>>) src(%dma_wait3A_158 : memref<10000x128xf32, #tpu.memory_space<hbm>>) dst(%arg14 : memref<40x128xf32, #tpu.memory_space<vmem>>)
    %dma_start3A_159 = arith.constant 9880 : i32
    %dma_start3A_160 = tpu.memref_slice %arg11[%dma_start3A_159] : memref<10000xi32, #tpu.memory_space<vmem>> -> memref<40xi32, #tpu.memory_space<vmem>>
    %dma_start3A_161 = arith.constant 0 : i32
    %dma_start3A_162 = arith.constant 0 : i32
    %dma_start3A_163 = tpu.memref_slice %arg18[%dma_start3A_161, %dma_start3A_162] : memref<10000x128xf32, #tpu.memory_space<vmem_shared>> -> memref<10000x128xf32, #tpu.memory_space<vmem_shared>>
    tpu.enqueue_indirect_dma source(%arg14 : memref<40x128xf32, #tpu.memory_space<vmem>>) target(%dma_start3A_163 : memref<10000x128xf32, #tpu.memory_space<vmem_shared>>) offsets(%dma_start3A_160 : memref<40xi32, #tpu.memory_space<vmem>>) semaphore(%arg27 : memref<!tpu.dma_semaphore, #tpu.memory_space<semaphore_mem>>) {add = true}
    "tpu.region"() ({
      %run_scoped3A = tpu.sem_alloc : memref<!tpu.dma_semaphore, #tpu.memory_space<semaphore_mem>>
      %dma_start3A_210 = arith.constant 9880 : i32
      %dma_start3A_211 = tpu.memref_slice %arg11[%dma_start3A_210] : memref<10000xi32, #tpu.memory_space<vmem>> -> memref<40xi32, #tpu.memory_space<vmem>>
      %dma_start3A_212 = arith.constant 0 : i32
      %dma_start3A_213 = arith.constant 0 : i32
      %dma_start3A_214 = tpu.memref_slice %arg19[%dma_start3A_212, %dma_start3A_213] : memref<10000x8xf32, #tpu.memory_space<vmem_shared>> -> memref<10000x8xf32, #tpu.memory_space<vmem_shared>>
      tpu.enqueue_indirect_dma source(%arg17 : memref<40x8xf32, #tpu.memory_space<vmem>>) target(%dma_start3A_214 : memref<10000x8xf32, #tpu.memory_space<vmem_shared>>) offsets(%dma_start3A_211 : memref<40xi32, #tpu.memory_space<vmem>>) semaphore(%run_scoped3A : memref<!tpu.dma_semaphore, #tpu.memory_space<semaphore_mem>>) {add = true}
      %dma_wait3A_215 = arith.constant 9880 : i32
      %dma_wait3A_216 = tpu.memref_slice %arg11[%dma_wait3A_215] : memref<10000xi32, #tpu.memory_space<vmem>> -> memref<40xi32, #tpu.memory_space<vmem>>
      %dma_wait3A_217 = arith.constant 0 : i32
      %dma_wait3A_218 = arith.constant 0 : i32
      %dma_wait3A_219 = tpu.memref_slice %arg19[%dma_wait3A_217, %dma_wait3A_218] : memref<10000x8xf32, #tpu.memory_space<vmem_shared>> -> memref<10000x8xf32, #tpu.memory_space<vmem_shared>>
      tpu.wait_indirect_dma semaphore(%run_scoped3A : memref<!tpu.dma_semaphore, #tpu.memory_space<semaphore_mem>>) src(%arg17 : memref<40x8xf32, #tpu.memory_space<vmem>>) dst(%dma_wait3A_219 : memref<10000x8xf32, #tpu.memory_space<vmem_shared>>)
      tpu.yield
    }) : () -> ()
    %dma_wait3A_164 = arith.constant 9800 : i32
    %dma_wait3A_165 = tpu.memref_slice %arg11[%dma_wait3A_164] : memref<10000xi32, #tpu.memory_space<vmem>> -> memref<40xi32, #tpu.memory_space<vmem>>
    %dma_wait3A_166 = arith.constant 0 : i32
    %dma_wait3A_167 = arith.constant 0 : i32
    %dma_wait3A_168 = tpu.memref_slice %arg18[%dma_wait3A_166, %dma_wait3A_167] : memref<10000x128xf32, #tpu.memory_space<vmem_shared>> -> memref<10000x128xf32, #tpu.memory_space<vmem_shared>>
    tpu.wait_indirect_dma semaphore(%arg25 : memref<!tpu.dma_semaphore, #tpu.memory_space<semaphore_mem>>) src(%arg12 : memref<40x128xf32, #tpu.memory_space<vmem>>) dst(%dma_wait3A_168 : memref<10000x128xf32, #tpu.memory_space<vmem_shared>>)
    %dma_wait3A_169 = arith.constant 9920 : i32
    %dma_wait3A_170 = tpu.memref_slice %arg10[%dma_wait3A_169] : memref<10000xi32, #tpu.memory_space<vmem>> -> memref<40xi32, #tpu.memory_space<vmem>>
    %dma_wait3A_171 = arith.constant 0 : i32
    %dma_wait3A_172 = arith.constant 0 : i32
    %dma_wait3A_173 = tpu.memref_slice %arg2[%dma_wait3A_171, %dma_wait3A_172] : memref<10000x128xf32, #tpu.memory_space<hbm>> -> memref<10000x128xf32, #tpu.memory_space<hbm>>
    tpu.wait_indirect_dma semaphore(%arg23 : memref<!tpu.dma_semaphore, #tpu.memory_space<semaphore_mem>>) src(%dma_wait3A_173 : memref<10000x128xf32, #tpu.memory_space<hbm>>) dst(%arg15 : memref<40x128xf32, #tpu.memory_space<vmem>>)
    %dma_start3A_174 = arith.constant 9920 : i32
    %dma_start3A_175 = tpu.memref_slice %arg11[%dma_start3A_174] : memref<10000xi32, #tpu.memory_space<vmem>> -> memref<40xi32, #tpu.memory_space<vmem>>
    %dma_start3A_176 = arith.constant 0 : i32
    %dma_start3A_177 = arith.constant 0 : i32
    %dma_start3A_178 = tpu.memref_slice %arg18[%dma_start3A_176, %dma_start3A_177] : memref<10000x128xf32, #tpu.memory_space<vmem_shared>> -> memref<10000x128xf32, #tpu.memory_space<vmem_shared>>
    tpu.enqueue_indirect_dma source(%arg15 : memref<40x128xf32, #tpu.memory_space<vmem>>) target(%dma_start3A_178 : memref<10000x128xf32, #tpu.memory_space<vmem_shared>>) offsets(%dma_start3A_175 : memref<40xi32, #tpu.memory_space<vmem>>) semaphore(%arg28 : memref<!tpu.dma_semaphore, #tpu.memory_space<semaphore_mem>>) {add = true}
    "tpu.region"() ({
      %run_scoped3A = tpu.sem_alloc : memref<!tpu.dma_semaphore, #tpu.memory_space<semaphore_mem>>
      %dma_start3A_210 = arith.constant 9920 : i32
      %dma_start3A_211 = tpu.memref_slice %arg11[%dma_start3A_210] : memref<10000xi32, #tpu.memory_space<vmem>> -> memref<40xi32, #tpu.memory_space<vmem>>
      %dma_start3A_212 = arith.constant 0 : i32
      %dma_start3A_213 = arith.constant 0 : i32
      %dma_start3A_214 = tpu.memref_slice %arg19[%dma_start3A_212, %dma_start3A_213] : memref<10000x8xf32, #tpu.memory_space<vmem_shared>> -> memref<10000x8xf32, #tpu.memory_space<vmem_shared>>
      tpu.enqueue_indirect_dma source(%arg17 : memref<40x8xf32, #tpu.memory_space<vmem>>) target(%dma_start3A_214 : memref<10000x8xf32, #tpu.memory_space<vmem_shared>>) offsets(%dma_start3A_211 : memref<40xi32, #tpu.memory_space<vmem>>) semaphore(%run_scoped3A : memref<!tpu.dma_semaphore, #tpu.memory_space<semaphore_mem>>) {add = true}
      %dma_wait3A_215 = arith.constant 9920 : i32
      %dma_wait3A_216 = tpu.memref_slice %arg11[%dma_wait3A_215] : memref<10000xi32, #tpu.memory_space<vmem>> -> memref<40xi32, #tpu.memory_space<vmem>>
      %dma_wait3A_217 = arith.constant 0 : i32
      %dma_wait3A_218 = arith.constant 0 : i32
      %dma_wait3A_219 = tpu.memref_slice %arg19[%dma_wait3A_217, %dma_wait3A_218] : memref<10000x8xf32, #tpu.memory_space<vmem_shared>> -> memref<10000x8xf32, #tpu.memory_space<vmem_shared>>
      tpu.wait_indirect_dma semaphore(%run_scoped3A : memref<!tpu.dma_semaphore, #tpu.memory_space<semaphore_mem>>) src(%arg17 : memref<40x8xf32, #tpu.memory_space<vmem>>) dst(%dma_wait3A_219 : memref<10000x8xf32, #tpu.memory_space<vmem_shared>>)
      tpu.yield
    }) : () -> ()
    %dma_wait3A_179 = arith.constant 9840 : i32
    %dma_wait3A_180 = tpu.memref_slice %arg11[%dma_wait3A_179] : memref<10000xi32, #tpu.memory_space<vmem>> -> memref<40xi32, #tpu.memory_space<vmem>>
    %dma_wait3A_181 = arith.constant 0 : i32
    %dma_wait3A_182 = arith.constant 0 : i32
    %dma_wait3A_183 = tpu.memref_slice %arg18[%dma_wait3A_181, %dma_wait3A_182] : memref<10000x128xf32, #tpu.memory_space<vmem_shared>> -> memref<10000x128xf32, #tpu.memory_space<vmem_shared>>
    tpu.wait_indirect_dma semaphore(%arg26 : memref<!tpu.dma_semaphore, #tpu.memory_space<semaphore_mem>>) src(%arg13 : memref<40x128xf32, #tpu.memory_space<vmem>>) dst(%dma_wait3A_183 : memref<10000x128xf32, #tpu.memory_space<vmem_shared>>)
    %dma_wait3A_184 = arith.constant 9960 : i32
    %dma_wait3A_185 = tpu.memref_slice %arg10[%dma_wait3A_184] : memref<10000xi32, #tpu.memory_space<vmem>> -> memref<40xi32, #tpu.memory_space<vmem>>
    %dma_wait3A_186 = arith.constant 0 : i32
    %dma_wait3A_187 = arith.constant 0 : i32
    %dma_wait3A_188 = tpu.memref_slice %arg2[%dma_wait3A_186, %dma_wait3A_187] : memref<10000x128xf32, #tpu.memory_space<hbm>> -> memref<10000x128xf32, #tpu.memory_space<hbm>>
    tpu.wait_indirect_dma semaphore(%arg24 : memref<!tpu.dma_semaphore, #tpu.memory_space<semaphore_mem>>) src(%dma_wait3A_188 : memref<10000x128xf32, #tpu.memory_space<hbm>>) dst(%arg16 : memref<40x128xf32, #tpu.memory_space<vmem>>)
    %dma_start3A_189 = arith.constant 9960 : i32
    %dma_start3A_190 = tpu.memref_slice %arg11[%dma_start3A_189] : memref<10000xi32, #tpu.memory_space<vmem>> -> memref<40xi32, #tpu.memory_space<vmem>>
    %dma_start3A_191 = arith.constant 0 : i32
    %dma_start3A_192 = arith.constant 0 : i32
    %dma_start3A_193 = tpu.memref_slice %arg18[%dma_start3A_191, %dma_start3A_192] : memref<10000x128xf32, #tpu.memory_space<vmem_shared>> -> memref<10000x128xf32, #tpu.memory_space<vmem_shared>>
    tpu.enqueue_indirect_dma source(%arg16 : memref<40x128xf32, #tpu.memory_space<vmem>>) target(%dma_start3A_193 : memref<10000x128xf32, #tpu.memory_space<vmem_shared>>) offsets(%dma_start3A_190 : memref<40xi32, #tpu.memory_space<vmem>>) semaphore(%arg29 : memref<!tpu.dma_semaphore, #tpu.memory_space<semaphore_mem>>) {add = true}
    "tpu.region"() ({
      %run_scoped3A = tpu.sem_alloc : memref<!tpu.dma_semaphore, #tpu.memory_space<semaphore_mem>>
      %dma_start3A_210 = arith.constant 9960 : i32
      %dma_start3A_211 = tpu.memref_slice %arg11[%dma_start3A_210] : memref<10000xi32, #tpu.memory_space<vmem>> -> memref<40xi32, #tpu.memory_space<vmem>>
      %dma_start3A_212 = arith.constant 0 : i32
      %dma_start3A_213 = arith.constant 0 : i32
      %dma_start3A_214 = tpu.memref_slice %arg19[%dma_start3A_212, %dma_start3A_213] : memref<10000x8xf32, #tpu.memory_space<vmem_shared>> -> memref<10000x8xf32, #tpu.memory_space<vmem_shared>>
      tpu.enqueue_indirect_dma source(%arg17 : memref<40x8xf32, #tpu.memory_space<vmem>>) target(%dma_start3A_214 : memref<10000x8xf32, #tpu.memory_space<vmem_shared>>) offsets(%dma_start3A_211 : memref<40xi32, #tpu.memory_space<vmem>>) semaphore(%run_scoped3A : memref<!tpu.dma_semaphore, #tpu.memory_space<semaphore_mem>>) {add = true}
      %dma_wait3A_215 = arith.constant 9960 : i32
      %dma_wait3A_216 = tpu.memref_slice %arg11[%dma_wait3A_215] : memref<10000xi32, #tpu.memory_space<vmem>> -> memref<40xi32, #tpu.memory_space<vmem>>
      %dma_wait3A_217 = arith.constant 0 : i32
      %dma_wait3A_218 = arith.constant 0 : i32
      %dma_wait3A_219 = tpu.memref_slice %arg19[%dma_wait3A_217, %dma_wait3A_218] : memref<10000x8xf32, #tpu.memory_space<vmem_shared>> -> memref<10000x8xf32, #tpu.memory_space<vmem_shared>>
      tpu.wait_indirect_dma semaphore(%run_scoped3A : memref<!tpu.dma_semaphore, #tpu.memory_space<semaphore_mem>>) src(%arg17 : memref<40x8xf32, #tpu.memory_space<vmem>>) dst(%dma_wait3A_219 : memref<10000x8xf32, #tpu.memory_space<vmem_shared>>)
      tpu.yield
    }) : () -> ()
    %dma_wait3A_194 = arith.constant 9880 : i32
    %dma_wait3A_195 = tpu.memref_slice %arg11[%dma_wait3A_194] : memref<10000xi32, #tpu.memory_space<vmem>> -> memref<40xi32, #tpu.memory_space<vmem>>
    %dma_wait3A_196 = arith.constant 0 : i32
    %dma_wait3A_197 = arith.constant 0 : i32
    %dma_wait3A_198 = tpu.memref_slice %arg18[%dma_wait3A_196, %dma_wait3A_197] : memref<10000x128xf32, #tpu.memory_space<vmem_shared>> -> memref<10000x128xf32, #tpu.memory_space<vmem_shared>>
    tpu.wait_indirect_dma semaphore(%arg27 : memref<!tpu.dma_semaphore, #tpu.memory_space<semaphore_mem>>) src(%arg14 : memref<40x128xf32, #tpu.memory_space<vmem>>) dst(%dma_wait3A_198 : memref<10000x128xf32, #tpu.memory_space<vmem_shared>>)
    %dma_wait3A_199 = arith.constant 9920 : i32
    %dma_wait3A_200 = tpu.memref_slice %arg11[%dma_wait3A_199] : memref<10000xi32, #tpu.memory_space<vmem>> -> memref<40xi32, #tpu.memory_space<vmem>>
    %dma_wait3A_201 = arith.constant 0 : i32
    %dma_wait3A_202 = arith.constant 0 : i32
    %dma_wait3A_203 = tpu.memref_slice %arg18[%dma_wait3A_201, %dma_wait3A_202] : memref<10000x128xf32, #tpu.memory_space<vmem_shared>> -> memref<10000x128xf32, #tpu.memory_space<vmem_shared>>
    tpu.wait_indirect_dma semaphore(%arg28 : memref<!tpu.dma_semaphore, #tpu.memory_space<semaphore_mem>>) src(%arg15 : memref<40x128xf32, #tpu.memory_space<vmem>>) dst(%dma_wait3A_203 : memref<10000x128xf32, #tpu.memory_space<vmem_shared>>)
    %dma_wait3A_204 = arith.constant 9960 : i32
    %dma_wait3A_205 = tpu.memref_slice %arg11[%dma_wait3A_204] : memref<10000xi32, #tpu.memory_space<vmem>> -> memref<40xi32, #tpu.memory_space<vmem>>
    %dma_wait3A_206 = arith.constant 0 : i32
    %dma_wait3A_207 = arith.constant 0 : i32
    %dma_wait3A_208 = tpu.memref_slice %arg18[%dma_wait3A_206, %dma_wait3A_207] : memref<10000x128xf32, #tpu.memory_space<vmem_shared>> -> memref<10000x128xf32, #tpu.memory_space<vmem_shared>>
    tpu.wait_indirect_dma semaphore(%arg29 : memref<!tpu.dma_semaphore, #tpu.memory_space<semaphore_mem>>) src(%arg16 : memref<40x128xf32, #tpu.memory_space<vmem>>) dst(%dma_wait3A_208 : memref<10000x128xf32, #tpu.memory_space<vmem_shared>>)
    %barrier3A_209 = arith.constant 0 : index
    tpu.barrier barrier_id(%barrier3A_209)
    "tpu.region"() ({
      %run_scoped3A = tpu.sem_alloc : memref<!tpu.dma_semaphore, #tpu.memory_space<semaphore_mem>>
      %dma_start3A_210 = arith.constant 0 : i32
      %dma_start3A_211 = tpu.memref_slice %arg8[%arg0, %mul3A_2, %dma_start3A_210] : memref<2x10000x128xf32, #tpu.memory_space<hbm>> -> memref<1x625x128xf32, #tpu.memory_space<hbm>>
      %dma_start3A_212 = tpu.memref_squeeze %dma_start3A_211 : memref<1x625x128xf32, #tpu.memory_space<hbm>> -> memref<625x128xf32, #tpu.memory_space<hbm>>
      %dma_start3A_213 = arith.constant 0 : i32
      %dma_start3A_214 = tpu.memref_slice %arg18[%mul3A_2, %dma_start3A_213] : memref<10000x128xf32, #tpu.memory_space<vmem_shared>> -> memref<625x128xf32, #tpu.memory_space<vmem_shared>>
      tpu.enqueue_dma source(%dma_start3A_214 : memref<625x128xf32, #tpu.memory_space<vmem_shared>>) target(%dma_start3A_212 : memref<625x128xf32, #tpu.memory_space<hbm>>) target_semaphore(%run_scoped3A : memref<!tpu.dma_semaphore, #tpu.memory_space<semaphore_mem>>)
      %dma_wait3A_215 = arith.constant 0 : i32
      %dma_wait3A_216 = tpu.memref_slice %arg8[%arg0, %mul3A_2, %dma_wait3A_215] : memref<2x10000x128xf32, #tpu.memory_space<hbm>> -> memref<1x625x128xf32, #tpu.memory_space<hbm>>
      %dma_wait3A_217 = tpu.memref_squeeze %dma_wait3A_216 : memref<1x625x128xf32, #tpu.memory_space<hbm>> -> memref<625x128xf32, #tpu.memory_space<hbm>>
      %dma_wait3A_218 = arith.constant 0 : i32
      %dma_wait3A_219 = tpu.memref_slice %arg18[%mul3A_2, %dma_wait3A_218] : memref<10000x128xf32, #tpu.memory_space<vmem_shared>> -> memref<625x128xf32, #tpu.memory_space<vmem_shared>>
      tpu.wait_dma2 semaphore(%run_scoped3A : memref<!tpu.dma_semaphore, #tpu.memory_space<semaphore_mem>>) src(%dma_wait3A_219 : memref<625x128xf32, #tpu.memory_space<vmem_shared>>) dst(%dma_wait3A_217 : memref<625x128xf32, #tpu.memory_space<hbm>>)
      tpu.yield
    }) : () -> ()
    "tpu.region"() ({
      %run_scoped3A = tpu.sem_alloc : memref<!tpu.dma_semaphore, #tpu.memory_space<semaphore_mem>>
      %dma_start3A_210 = arith.constant 0 : i32
      %dma_start3A_211 = tpu.memref_slice %arg9[%arg0, %mul3A_2, %dma_start3A_210] : memref<2x10000x8xf32, #tpu.memory_space<hbm>> -> memref<1x625x8xf32, #tpu.memory_space<hbm>>
      %dma_start3A_212 = tpu.memref_squeeze %dma_start3A_211 : memref<1x625x8xf32, #tpu.memory_space<hbm>> -> memref<625x8xf32, #tpu.memory_space<hbm>>
      %dma_start3A_213 = arith.constant 0 : i32
      %dma_start3A_214 = tpu.memref_slice %arg19[%mul3A_2, %dma_start3A_213] : memref<10000x8xf32, #tpu.memory_space<vmem_shared>> -> memref<625x8xf32, #tpu.memory_space<vmem_shared>>
      tpu.enqueue_dma source(%dma_start3A_214 : memref<625x8xf32, #tpu.memory_space<vmem_shared>>) target(%dma_start3A_212 : memref<625x8xf32, #tpu.memory_space<hbm>>) target_semaphore(%run_scoped3A : memref<!tpu.dma_semaphore, #tpu.memory_space<semaphore_mem>>)
      %dma_wait3A_215 = arith.constant 0 : i32
      %dma_wait3A_216 = tpu.memref_slice %arg9[%arg0, %mul3A_2, %dma_wait3A_215] : memref<2x10000x8xf32, #tpu.memory_space<hbm>> -> memref<1x625x8xf32, #tpu.memory_space<hbm>>
      %dma_wait3A_217 = tpu.memref_squeeze %dma_wait3A_216 : memref<1x625x8xf32, #tpu.memory_space<hbm>> -> memref<625x8xf32, #tpu.memory_space<hbm>>
      %dma_wait3A_218 = arith.constant 0 : i32
      %dma_wait3A_219 = tpu.memref_slice %arg19[%mul3A_2, %dma_wait3A_218] : memref<10000x8xf32, #tpu.memory_space<vmem_shared>> -> memref<625x8xf32, #tpu.memory_space<vmem_shared>>
      tpu.wait_dma2 semaphore(%run_scoped3A : memref<!tpu.dma_semaphore, #tpu.memory_space<semaphore_mem>>) src(%dma_wait3A_219 : memref<625x8xf32, #tpu.memory_space<vmem_shared>>) dst(%dma_wait3A_217 : memref<625x8xf32, #tpu.memory_space<hbm>>)
      tpu.yield
    }) : () -> ()
    return
  }
}

#map = affine_map<(d0, d1) -> (0, 0)>
#map1 = affine_map<(d0, d1) -> (0)>
#map2 = affine_map<(d0, d1) -> (0, 0, 0)>
module attributes {stable_mosaic.version = 14 : i64} {
  func.func @_agg_body(%arg0: i32, %arg1: i32, %arg2: memref<10000x128xf32, #tpu.memory_space<hbm>>, %arg3: memref<320000xi32, #tpu.memory_space<hbm>>, %arg4: memref<320000xi32, #tpu.memory_space<hbm>>, %arg5: memref<10000x128xf32, #tpu.memory_space<hbm>>, %arg6: memref<2x10000x128xf32, #tpu.memory_space<hbm>>, %arg7: memref<10000xi32, #tpu.memory_space<vmem>>, %arg8: memref<10000xi32, #tpu.memory_space<vmem>>, %arg9: memref<40x128xf32, #tpu.memory_space<vmem>>, %arg10: memref<40x128xf32, #tpu.memory_space<vmem>>, %arg11: memref<40x128xf32, #tpu.memory_space<vmem>>, %arg12: memref<40x128xf32, #tpu.memory_space<vmem>>, %arg13: memref<40x128xf32, #tpu.memory_space<vmem>>, %arg14: memref<40x8xf32, #tpu.memory_space<vmem>>, %arg15: memref<10000x128xf32, #tpu.memory_space<vmem_shared>>, %arg16: memref<10000x8xf32, #tpu.memory_space<vmem_shared>>, %arg17: memref<!tpu.dma_semaphore, #tpu.memory_space<semaphore_mem>>, %arg18: memref<!tpu.dma_semaphore, #tpu.memory_space<semaphore_mem>>, %arg19: memref<!tpu.dma_semaphore, #tpu.memory_space<semaphore_mem>>, %arg20: memref<!tpu.dma_semaphore, #tpu.memory_space<semaphore_mem>>, %arg21: memref<!tpu.dma_semaphore, #tpu.memory_space<semaphore_mem>>, %arg22: memref<!tpu.dma_semaphore, #tpu.memory_space<semaphore_mem>>, %arg23: memref<!tpu.dma_semaphore, #tpu.memory_space<semaphore_mem>>, %arg24: memref<!tpu.dma_semaphore, #tpu.memory_space<semaphore_mem>>, %arg25: memref<!tpu.dma_semaphore, #tpu.memory_space<semaphore_mem>>, %arg26: memref<!tpu.dma_semaphore, #tpu.memory_space<semaphore_mem>>) attributes {dimension_semantics = [#tpu.dimension_semantics<core_parallel>, #tpu.dimension_semantics<subcore_parallel>], iteration_bounds = array<i64: 2, 16>, scalar_prefetch = 0 : i64, scratch_operands = 20 : i64, tpu.core_type = #tpu.core_type<sc_vector_subcore>, window_params = [{transform_indices = #map}, {transform_indices = #map1}, {transform_indices = #map1}, {transform_indices = #map}, {transform_indices = #map2}]} {
    %mul3A = arith.constant 16 : i32
    %mul3A_0 = arith.muli %arg0, %mul3A : i32
    %add3A = arith.addi %mul3A_0, %arg1 : i32
    %mul3A_1 = arith.constant 625 : i32
    %mul3A_2 = arith.muli %arg1, %mul3A_1 : i32
    "tpu.region"() ({
      %run_scoped3A = tpu.sem_alloc : memref<!tpu.dma_semaphore, #tpu.memory_space<semaphore_mem>>
      %dma_start3A_210 = arith.constant 0 : i32
      %dma_start3A_211 = tpu.memref_slice %arg15[%mul3A_2, %dma_start3A_210] : memref<10000x128xf32, #tpu.memory_space<vmem_shared>> -> memref<625x128xf32, #tpu.memory_space<vmem_shared>>
      %dma_start3A_212 = arith.constant 0 : i32
      %dma_start3A_213 = tpu.memref_slice %arg5[%mul3A_2, %dma_start3A_212] : memref<10000x128xf32, #tpu.memory_space<hbm>> -> memref<625x128xf32, #tpu.memory_space<hbm>>
      tpu.enqueue_dma source(%dma_start3A_213 : memref<625x128xf32, #tpu.memory_space<hbm>>) target(%dma_start3A_211 : memref<625x128xf32, #tpu.memory_space<vmem_shared>>) target_semaphore(%run_scoped3A : memref<!tpu.dma_semaphore, #tpu.memory_space<semaphore_mem>>)
      %dma_wait3A_214 = arith.constant 0 : i32
      %dma_wait3A_215 = tpu.memref_slice %arg15[%mul3A_2, %dma_wait3A_214] : memref<10000x128xf32, #tpu.memory_space<vmem_shared>> -> memref<625x128xf32, #tpu.memory_space<vmem_shared>>
      %dma_wait3A_216 = arith.constant 0 : i32
      %dma_wait3A_217 = tpu.memref_slice %arg5[%mul3A_2, %dma_wait3A_216] : memref<10000x128xf32, #tpu.memory_space<hbm>> -> memref<625x128xf32, #tpu.memory_space<hbm>>
      tpu.wait_dma2 semaphore(%run_scoped3A : memref<!tpu.dma_semaphore, #tpu.memory_space<semaphore_mem>>) src(%dma_wait3A_217 : memref<625x128xf32, #tpu.memory_space<hbm>>) dst(%dma_wait3A_215 : memref<625x128xf32, #tpu.memory_space<vmem_shared>>)
      tpu.yield
    }) : () -> ()
    %mul3A_3 = arith.constant 10000 : i32
    %mul3A_4 = arith.muli %add3A, %mul3A_3 : i32
    "tpu.region"() ({
      %run_scoped3A = tpu.sem_alloc : memref<!tpu.dma_semaphore, #tpu.memory_space<semaphore_mem>>
      %dma_start3A_210 = tpu.memref_slice %arg3[%mul3A_4] : memref<320000xi32, #tpu.memory_space<hbm>> -> memref<10000xi32, #tpu.memory_space<hbm>>
      %dma_start3A_211 = tpu.memref_slice %arg3[%mul3A_4] : memref<320000xi32, #tpu.memory_space<hbm>> -> memref<10000xi32, #tpu.memory_space<hbm>>
      tpu.enqueue_dma source(%dma_start3A_211 : memref<10000xi32, #tpu.memory_space<hbm>>) target(%arg7 : memref<10000xi32, #tpu.memory_space<vmem>>) target_semaphore(%run_scoped3A : memref<!tpu.dma_semaphore, #tpu.memory_space<semaphore_mem>>)
      %dma_wait3A_212 = tpu.memref_slice %arg3[%mul3A_4] : memref<320000xi32, #tpu.memory_space<hbm>> -> memref<10000xi32, #tpu.memory_space<hbm>>
      %dma_wait3A_213 = tpu.memref_slice %arg3[%mul3A_4] : memref<320000xi32, #tpu.memory_space<hbm>> -> memref<10000xi32, #tpu.memory_space<hbm>>
      tpu.wait_dma2 semaphore(%run_scoped3A : memref<!tpu.dma_semaphore, #tpu.memory_space<semaphore_mem>>) src(%dma_wait3A_213 : memref<10000xi32, #tpu.memory_space<hbm>>) dst(%arg7 : memref<10000xi32, #tpu.memory_space<vmem>>)
      tpu.yield
    }) : () -> ()
    %mul3A_5 = arith.constant 10000 : i32
    %mul3A_6 = arith.muli %add3A, %mul3A_5 : i32
    "tpu.region"() ({
      %run_scoped3A = tpu.sem_alloc : memref<!tpu.dma_semaphore, #tpu.memory_space<semaphore_mem>>
      %dma_start3A_210 = tpu.memref_slice %arg4[%mul3A_6] : memref<320000xi32, #tpu.memory_space<hbm>> -> memref<10000xi32, #tpu.memory_space<hbm>>
      %dma_start3A_211 = tpu.memref_slice %arg4[%mul3A_6] : memref<320000xi32, #tpu.memory_space<hbm>> -> memref<10000xi32, #tpu.memory_space<hbm>>
      tpu.enqueue_dma source(%dma_start3A_211 : memref<10000xi32, #tpu.memory_space<hbm>>) target(%arg8 : memref<10000xi32, #tpu.memory_space<vmem>>) target_semaphore(%run_scoped3A : memref<!tpu.dma_semaphore, #tpu.memory_space<semaphore_mem>>)
      %dma_wait3A_212 = tpu.memref_slice %arg4[%mul3A_6] : memref<320000xi32, #tpu.memory_space<hbm>> -> memref<10000xi32, #tpu.memory_space<hbm>>
      %dma_wait3A_213 = tpu.memref_slice %arg4[%mul3A_6] : memref<320000xi32, #tpu.memory_space<hbm>> -> memref<10000xi32, #tpu.memory_space<hbm>>
      tpu.wait_dma2 semaphore(%run_scoped3A : memref<!tpu.dma_semaphore, #tpu.memory_space<semaphore_mem>>) src(%dma_wait3A_213 : memref<10000xi32, #tpu.memory_space<hbm>>) dst(%arg8 : memref<10000xi32, #tpu.memory_space<vmem>>)
      tpu.yield
    }) : () -> ()
    %barrier3A = arith.constant 0 : index
    tpu.barrier barrier_id(%barrier3A)
    %dma_start3A = arith.constant 0 : i32
    %dma_start3A_7 = tpu.memref_slice %arg7[%dma_start3A] : memref<10000xi32, #tpu.memory_space<vmem>> -> memref<40xi32, #tpu.memory_space<vmem>>
    %dma_start3A_8 = arith.constant 0 : i32
    %dma_start3A_9 = arith.constant 0 : i32
    %dma_start3A_10 = tpu.memref_slice %arg2[%dma_start3A_8, %dma_start3A_9] : memref<10000x128xf32, #tpu.memory_space<hbm>> -> memref<10000x128xf32, #tpu.memory_space<hbm>>
    tpu.enqueue_indirect_dma source(%dma_start3A_10 : memref<10000x128xf32, #tpu.memory_space<hbm>>) target(%arg9 : memref<40x128xf32, #tpu.memory_space<vmem>>) offsets(%dma_start3A_7 : memref<40xi32, #tpu.memory_space<vmem>>) semaphore(%arg17 : memref<!tpu.dma_semaphore, #tpu.memory_space<semaphore_mem>>)
    %dma_start3A_11 = arith.constant 40 : i32
    %dma_start3A_12 = tpu.memref_slice %arg7[%dma_start3A_11] : memref<10000xi32, #tpu.memory_space<vmem>> -> memref<40xi32, #tpu.memory_space<vmem>>
    %dma_start3A_13 = arith.constant 0 : i32
    %dma_start3A_14 = arith.constant 0 : i32
    %dma_start3A_15 = tpu.memref_slice %arg2[%dma_start3A_13, %dma_start3A_14] : memref<10000x128xf32, #tpu.memory_space<hbm>> -> memref<10000x128xf32, #tpu.memory_space<hbm>>
    tpu.enqueue_indirect_dma source(%dma_start3A_15 : memref<10000x128xf32, #tpu.memory_space<hbm>>) target(%arg10 : memref<40x128xf32, #tpu.memory_space<vmem>>) offsets(%dma_start3A_12 : memref<40xi32, #tpu.memory_space<vmem>>) semaphore(%arg18 : memref<!tpu.dma_semaphore, #tpu.memory_space<semaphore_mem>>)
    %dma_start3A_16 = arith.constant 80 : i32
    %dma_start3A_17 = tpu.memref_slice %arg7[%dma_start3A_16] : memref<10000xi32, #tpu.memory_space<vmem>> -> memref<40xi32, #tpu.memory_space<vmem>>
    %dma_start3A_18 = arith.constant 0 : i32
    %dma_start3A_19 = arith.constant 0 : i32
    %dma_start3A_20 = tpu.memref_slice %arg2[%dma_start3A_18, %dma_start3A_19] : memref<10000x128xf32, #tpu.memory_space<hbm>> -> memref<10000x128xf32, #tpu.memory_space<hbm>>
    tpu.enqueue_indirect_dma source(%dma_start3A_20 : memref<10000x128xf32, #tpu.memory_space<hbm>>) target(%arg11 : memref<40x128xf32, #tpu.memory_space<vmem>>) offsets(%dma_start3A_17 : memref<40xi32, #tpu.memory_space<vmem>>) semaphore(%arg19 : memref<!tpu.dma_semaphore, #tpu.memory_space<semaphore_mem>>)
    %dma_wait3A = arith.constant 0 : i32
    %dma_wait3A_21 = tpu.memref_slice %arg7[%dma_wait3A] : memref<10000xi32, #tpu.memory_space<vmem>> -> memref<40xi32, #tpu.memory_space<vmem>>
    %dma_wait3A_22 = arith.constant 0 : i32
    %dma_wait3A_23 = arith.constant 0 : i32
    %dma_wait3A_24 = tpu.memref_slice %arg2[%dma_wait3A_22, %dma_wait3A_23] : memref<10000x128xf32, #tpu.memory_space<hbm>> -> memref<10000x128xf32, #tpu.memory_space<hbm>>
    tpu.wait_indirect_dma semaphore(%arg17 : memref<!tpu.dma_semaphore, #tpu.memory_space<semaphore_mem>>) src(%dma_wait3A_24 : memref<10000x128xf32, #tpu.memory_space<hbm>>) dst(%arg9 : memref<40x128xf32, #tpu.memory_space<vmem>>)
    %dma_start3A_25 = arith.constant 0 : i32
    %dma_start3A_26 = tpu.memref_slice %arg8[%dma_start3A_25] : memref<10000xi32, #tpu.memory_space<vmem>> -> memref<40xi32, #tpu.memory_space<vmem>>
    %dma_start3A_27 = arith.constant 0 : i32
    %dma_start3A_28 = arith.constant 0 : i32
    %dma_start3A_29 = tpu.memref_slice %arg15[%dma_start3A_27, %dma_start3A_28] : memref<10000x128xf32, #tpu.memory_space<vmem_shared>> -> memref<10000x128xf32, #tpu.memory_space<vmem_shared>>
    tpu.enqueue_indirect_dma source(%arg9 : memref<40x128xf32, #tpu.memory_space<vmem>>) target(%dma_start3A_29 : memref<10000x128xf32, #tpu.memory_space<vmem_shared>>) offsets(%dma_start3A_26 : memref<40xi32, #tpu.memory_space<vmem>>) semaphore(%arg22 : memref<!tpu.dma_semaphore, #tpu.memory_space<semaphore_mem>>) {add = true}
    %dma_start3A_30 = arith.constant 120 : i32
    %dma_start3A_31 = tpu.memref_slice %arg7[%dma_start3A_30] : memref<10000xi32, #tpu.memory_space<vmem>> -> memref<40xi32, #tpu.memory_space<vmem>>
    %dma_start3A_32 = arith.constant 0 : i32
    %dma_start3A_33 = arith.constant 0 : i32
    %dma_start3A_34 = tpu.memref_slice %arg2[%dma_start3A_32, %dma_start3A_33] : memref<10000x128xf32, #tpu.memory_space<hbm>> -> memref<10000x128xf32, #tpu.memory_space<hbm>>
    tpu.enqueue_indirect_dma source(%dma_start3A_34 : memref<10000x128xf32, #tpu.memory_space<hbm>>) target(%arg12 : memref<40x128xf32, #tpu.memory_space<vmem>>) offsets(%dma_start3A_31 : memref<40xi32, #tpu.memory_space<vmem>>) semaphore(%arg20 : memref<!tpu.dma_semaphore, #tpu.memory_space<semaphore_mem>>)
    %dma_wait3A_35 = arith.constant 40 : i32
    %dma_wait3A_36 = tpu.memref_slice %arg7[%dma_wait3A_35] : memref<10000xi32, #tpu.memory_space<vmem>> -> memref<40xi32, #tpu.memory_space<vmem>>
    %dma_wait3A_37 = arith.constant 0 : i32
    %dma_wait3A_38 = arith.constant 0 : i32
    %dma_wait3A_39 = tpu.memref_slice %arg2[%dma_wait3A_37, %dma_wait3A_38] : memref<10000x128xf32, #tpu.memory_space<hbm>> -> memref<10000x128xf32, #tpu.memory_space<hbm>>
    tpu.wait_indirect_dma semaphore(%arg18 : memref<!tpu.dma_semaphore, #tpu.memory_space<semaphore_mem>>) src(%dma_wait3A_39 : memref<10000x128xf32, #tpu.memory_space<hbm>>) dst(%arg10 : memref<40x128xf32, #tpu.memory_space<vmem>>)
    %dma_start3A_40 = arith.constant 40 : i32
    %dma_start3A_41 = tpu.memref_slice %arg8[%dma_start3A_40] : memref<10000xi32, #tpu.memory_space<vmem>> -> memref<40xi32, #tpu.memory_space<vmem>>
    %dma_start3A_42 = arith.constant 0 : i32
    %dma_start3A_43 = arith.constant 0 : i32
    %dma_start3A_44 = tpu.memref_slice %arg15[%dma_start3A_42, %dma_start3A_43] : memref<10000x128xf32, #tpu.memory_space<vmem_shared>> -> memref<10000x128xf32, #tpu.memory_space<vmem_shared>>
    tpu.enqueue_indirect_dma source(%arg10 : memref<40x128xf32, #tpu.memory_space<vmem>>) target(%dma_start3A_44 : memref<10000x128xf32, #tpu.memory_space<vmem_shared>>) offsets(%dma_start3A_41 : memref<40xi32, #tpu.memory_space<vmem>>) semaphore(%arg23 : memref<!tpu.dma_semaphore, #tpu.memory_space<semaphore_mem>>) {add = true}
    %dma_start3A_45 = arith.constant 160 : i32
    %dma_start3A_46 = tpu.memref_slice %arg7[%dma_start3A_45] : memref<10000xi32, #tpu.memory_space<vmem>> -> memref<40xi32, #tpu.memory_space<vmem>>
    %dma_start3A_47 = arith.constant 0 : i32
    %dma_start3A_48 = arith.constant 0 : i32
    %dma_start3A_49 = tpu.memref_slice %arg2[%dma_start3A_47, %dma_start3A_48] : memref<10000x128xf32, #tpu.memory_space<hbm>> -> memref<10000x128xf32, #tpu.memory_space<hbm>>
    tpu.enqueue_indirect_dma source(%dma_start3A_49 : memref<10000x128xf32, #tpu.memory_space<hbm>>) target(%arg13 : memref<40x128xf32, #tpu.memory_space<vmem>>) offsets(%dma_start3A_46 : memref<40xi32, #tpu.memory_space<vmem>>) semaphore(%arg21 : memref<!tpu.dma_semaphore, #tpu.memory_space<semaphore_mem>>)
    %dma_wait3A_50 = arith.constant 80 : i32
    %dma_wait3A_51 = tpu.memref_slice %arg7[%dma_wait3A_50] : memref<10000xi32, #tpu.memory_space<vmem>> -> memref<40xi32, #tpu.memory_space<vmem>>
    %dma_wait3A_52 = arith.constant 0 : i32
    %dma_wait3A_53 = arith.constant 0 : i32
    %dma_wait3A_54 = tpu.memref_slice %arg2[%dma_wait3A_52, %dma_wait3A_53] : memref<10000x128xf32, #tpu.memory_space<hbm>> -> memref<10000x128xf32, #tpu.memory_space<hbm>>
    tpu.wait_indirect_dma semaphore(%arg19 : memref<!tpu.dma_semaphore, #tpu.memory_space<semaphore_mem>>) src(%dma_wait3A_54 : memref<10000x128xf32, #tpu.memory_space<hbm>>) dst(%arg11 : memref<40x128xf32, #tpu.memory_space<vmem>>)
    %dma_start3A_55 = arith.constant 80 : i32
    %dma_start3A_56 = tpu.memref_slice %arg8[%dma_start3A_55] : memref<10000xi32, #tpu.memory_space<vmem>> -> memref<40xi32, #tpu.memory_space<vmem>>
    %dma_start3A_57 = arith.constant 0 : i32
    %dma_start3A_58 = arith.constant 0 : i32
    %dma_start3A_59 = tpu.memref_slice %arg15[%dma_start3A_57, %dma_start3A_58] : memref<10000x128xf32, #tpu.memory_space<vmem_shared>> -> memref<10000x128xf32, #tpu.memory_space<vmem_shared>>
    tpu.enqueue_indirect_dma source(%arg11 : memref<40x128xf32, #tpu.memory_space<vmem>>) target(%dma_start3A_59 : memref<10000x128xf32, #tpu.memory_space<vmem_shared>>) offsets(%dma_start3A_56 : memref<40xi32, #tpu.memory_space<vmem>>) semaphore(%arg24 : memref<!tpu.dma_semaphore, #tpu.memory_space<semaphore_mem>>) {add = true}
    %dma_wait3A_60 = arith.constant 0 : i32
    %dma_wait3A_61 = tpu.memref_slice %arg8[%dma_wait3A_60] : memref<10000xi32, #tpu.memory_space<vmem>> -> memref<40xi32, #tpu.memory_space<vmem>>
    %dma_wait3A_62 = arith.constant 0 : i32
    %dma_wait3A_63 = arith.constant 0 : i32
    %dma_wait3A_64 = tpu.memref_slice %arg15[%dma_wait3A_62, %dma_wait3A_63] : memref<10000x128xf32, #tpu.memory_space<vmem_shared>> -> memref<10000x128xf32, #tpu.memory_space<vmem_shared>>
    tpu.wait_indirect_dma semaphore(%arg22 : memref<!tpu.dma_semaphore, #tpu.memory_space<semaphore_mem>>) src(%arg9 : memref<40x128xf32, #tpu.memory_space<vmem>>) dst(%dma_wait3A_64 : memref<10000x128xf32, #tpu.memory_space<vmem_shared>>)
    %dma_start3A_65 = arith.constant 200 : i32
    %dma_start3A_66 = tpu.memref_slice %arg7[%dma_start3A_65] : memref<10000xi32, #tpu.memory_space<vmem>> -> memref<40xi32, #tpu.memory_space<vmem>>
    %dma_start3A_67 = arith.constant 0 : i32
    %dma_start3A_68 = arith.constant 0 : i32
    %dma_start3A_69 = tpu.memref_slice %arg2[%dma_start3A_67, %dma_start3A_68] : memref<10000x128xf32, #tpu.memory_space<hbm>> -> memref<10000x128xf32, #tpu.memory_space<hbm>>
    tpu.enqueue_indirect_dma source(%dma_start3A_69 : memref<10000x128xf32, #tpu.memory_space<hbm>>) target(%arg9 : memref<40x128xf32, #tpu.memory_space<vmem>>) offsets(%dma_start3A_66 : memref<40xi32, #tpu.memory_space<vmem>>) semaphore(%arg17 : memref<!tpu.dma_semaphore, #tpu.memory_space<semaphore_mem>>)
    %dma_wait3A_70 = arith.constant 120 : i32
    %dma_wait3A_71 = tpu.memref_slice %arg7[%dma_wait3A_70] : memref<10000xi32, #tpu.memory_space<vmem>> -> memref<40xi32, #tpu.memory_space<vmem>>
    %dma_wait3A_72 = arith.constant 0 : i32
    %dma_wait3A_73 = arith.constant 0 : i32
    %dma_wait3A_74 = tpu.memref_slice %arg2[%dma_wait3A_72, %dma_wait3A_73] : memref<10000x128xf32, #tpu.memory_space<hbm>> -> memref<10000x128xf32, #tpu.memory_space<hbm>>
    tpu.wait_indirect_dma semaphore(%arg20 : memref<!tpu.dma_semaphore, #tpu.memory_space<semaphore_mem>>) src(%dma_wait3A_74 : memref<10000x128xf32, #tpu.memory_space<hbm>>) dst(%arg12 : memref<40x128xf32, #tpu.memory_space<vmem>>)
    %dma_start3A_75 = arith.constant 120 : i32
    %dma_start3A_76 = tpu.memref_slice %arg8[%dma_start3A_75] : memref<10000xi32, #tpu.memory_space<vmem>> -> memref<40xi32, #tpu.memory_space<vmem>>
    %dma_start3A_77 = arith.constant 0 : i32
    %dma_start3A_78 = arith.constant 0 : i32
    %dma_start3A_79 = tpu.memref_slice %arg15[%dma_start3A_77, %dma_start3A_78] : memref<10000x128xf32, #tpu.memory_space<vmem_shared>> -> memref<10000x128xf32, #tpu.memory_space<vmem_shared>>
    tpu.enqueue_indirect_dma source(%arg12 : memref<40x128xf32, #tpu.memory_space<vmem>>) target(%dma_start3A_79 : memref<10000x128xf32, #tpu.memory_space<vmem_shared>>) offsets(%dma_start3A_76 : memref<40xi32, #tpu.memory_space<vmem>>) semaphore(%arg25 : memref<!tpu.dma_semaphore, #tpu.memory_space<semaphore_mem>>) {add = true}
    %dma_wait3A_80 = arith.constant 40 : i32
    %dma_wait3A_81 = tpu.memref_slice %arg8[%dma_wait3A_80] : memref<10000xi32, #tpu.memory_space<vmem>> -> memref<40xi32, #tpu.memory_space<vmem>>
    %dma_wait3A_82 = arith.constant 0 : i32
    %dma_wait3A_83 = arith.constant 0 : i32
    %dma_wait3A_84 = tpu.memref_slice %arg15[%dma_wait3A_82, %dma_wait3A_83] : memref<10000x128xf32, #tpu.memory_space<vmem_shared>> -> memref<10000x128xf32, #tpu.memory_space<vmem_shared>>
    tpu.wait_indirect_dma semaphore(%arg23 : memref<!tpu.dma_semaphore, #tpu.memory_space<semaphore_mem>>) src(%arg10 : memref<40x128xf32, #tpu.memory_space<vmem>>) dst(%dma_wait3A_84 : memref<10000x128xf32, #tpu.memory_space<vmem_shared>>)
    %dma_start3A_85 = arith.constant 240 : i32
    %dma_start3A_86 = tpu.memref_slice %arg7[%dma_start3A_85] : memref<10000xi32, #tpu.memory_space<vmem>> -> memref<40xi32, #tpu.memory_space<vmem>>
    %dma_start3A_87 = arith.constant 0 : i32
    %dma_start3A_88 = arith.constant 0 : i32
    %dma_start3A_89 = tpu.memref_slice %arg2[%dma_start3A_87, %dma_start3A_88] : memref<10000x128xf32, #tpu.memory_space<hbm>> -> memref<10000x128xf32, #tpu.memory_space<hbm>>
    tpu.enqueue_indirect_dma source(%dma_start3A_89 : memref<10000x128xf32, #tpu.memory_space<hbm>>) target(%arg10 : memref<40x128xf32, #tpu.memory_space<vmem>>) offsets(%dma_start3A_86 : memref<40xi32, #tpu.memory_space<vmem>>) semaphore(%arg18 : memref<!tpu.dma_semaphore, #tpu.memory_space<semaphore_mem>>)
    %dma_wait3A_90 = arith.constant 160 : i32
    %dma_wait3A_91 = tpu.memref_slice %arg7[%dma_wait3A_90] : memref<10000xi32, #tpu.memory_space<vmem>> -> memref<40xi32, #tpu.memory_space<vmem>>
    %dma_wait3A_92 = arith.constant 0 : i32
    %dma_wait3A_93 = arith.constant 0 : i32
    %dma_wait3A_94 = tpu.memref_slice %arg2[%dma_wait3A_92, %dma_wait3A_93] : memref<10000x128xf32, #tpu.memory_space<hbm>> -> memref<10000x128xf32, #tpu.memory_space<hbm>>
    tpu.wait_indirect_dma semaphore(%arg21 : memref<!tpu.dma_semaphore, #tpu.memory_space<semaphore_mem>>) src(%dma_wait3A_94 : memref<10000x128xf32, #tpu.memory_space<hbm>>) dst(%arg13 : memref<40x128xf32, #tpu.memory_space<vmem>>)
    %dma_start3A_95 = arith.constant 160 : i32
    %dma_start3A_96 = tpu.memref_slice %arg8[%dma_start3A_95] : memref<10000xi32, #tpu.memory_space<vmem>> -> memref<40xi32, #tpu.memory_space<vmem>>
    %dma_start3A_97 = arith.constant 0 : i32
    %dma_start3A_98 = arith.constant 0 : i32
    %dma_start3A_99 = tpu.memref_slice %arg15[%dma_start3A_97, %dma_start3A_98] : memref<10000x128xf32, #tpu.memory_space<vmem_shared>> -> memref<10000x128xf32, #tpu.memory_space<vmem_shared>>
    tpu.enqueue_indirect_dma source(%arg13 : memref<40x128xf32, #tpu.memory_space<vmem>>) target(%dma_start3A_99 : memref<10000x128xf32, #tpu.memory_space<vmem_shared>>) offsets(%dma_start3A_96 : memref<40xi32, #tpu.memory_space<vmem>>) semaphore(%arg26 : memref<!tpu.dma_semaphore, #tpu.memory_space<semaphore_mem>>) {add = true}
    %dma_wait3A_100 = arith.constant 80 : i32
    %dma_wait3A_101 = tpu.memref_slice %arg8[%dma_wait3A_100] : memref<10000xi32, #tpu.memory_space<vmem>> -> memref<40xi32, #tpu.memory_space<vmem>>
    %dma_wait3A_102 = arith.constant 0 : i32
    %dma_wait3A_103 = arith.constant 0 : i32
    %dma_wait3A_104 = tpu.memref_slice %arg15[%dma_wait3A_102, %dma_wait3A_103] : memref<10000x128xf32, #tpu.memory_space<vmem_shared>> -> memref<10000x128xf32, #tpu.memory_space<vmem_shared>>
    tpu.wait_indirect_dma semaphore(%arg24 : memref<!tpu.dma_semaphore, #tpu.memory_space<semaphore_mem>>) src(%arg11 : memref<40x128xf32, #tpu.memory_space<vmem>>) dst(%dma_wait3A_104 : memref<10000x128xf32, #tpu.memory_space<vmem_shared>>)
    %dma_start3A_105 = arith.constant 280 : i32
    %dma_start3A_106 = tpu.memref_slice %arg7[%dma_start3A_105] : memref<10000xi32, #tpu.memory_space<vmem>> -> memref<40xi32, #tpu.memory_space<vmem>>
    %dma_start3A_107 = arith.constant 0 : i32
    %dma_start3A_108 = arith.constant 0 : i32
    %dma_start3A_109 = tpu.memref_slice %arg2[%dma_start3A_107, %dma_start3A_108] : memref<10000x128xf32, #tpu.memory_space<hbm>> -> memref<10000x128xf32, #tpu.memory_space<hbm>>
    tpu.enqueue_indirect_dma source(%dma_start3A_109 : memref<10000x128xf32, #tpu.memory_space<hbm>>) target(%arg11 : memref<40x128xf32, #tpu.memory_space<vmem>>) offsets(%dma_start3A_106 : memref<40xi32, #tpu.memory_space<vmem>>) semaphore(%arg19 : memref<!tpu.dma_semaphore, #tpu.memory_space<semaphore_mem>>)
    %scan3A = arith.constant 0 : i32
    %scan3A_110 = arith.constant 48 : i32
    %scan3A_111 = arith.addi %scan3A, %scan3A_110 : i32
    %scan3A_112 = arith.constant 1 : i32
    scf.for %scan3A_210 = %scan3A to %scan3A_111 step %scan3A_112  : i32 {
      %mul3A_211 = arith.constant 1 : i32
      %mul3A_212 = arith.muli %scan3A_210, %mul3A_211 : i32
      %add3A_213 = arith.constant 0 : i32
      %add3A_214 = arith.addi %add3A_213, %mul3A_212 : i32
      %mul3A_215 = arith.constant 5 : i32
      %mul3A_216 = arith.muli %add3A_214, %mul3A_215 : i32
      %add3A_217 = arith.constant 5 : i32
      %add3A_218 = arith.addi %add3A_217, %mul3A_216 : i32
      %add3A_219 = arith.constant 0 : i32
      %add3A_220 = arith.addi %add3A_218, %add3A_219 : i32
      %mul3A_221 = arith.constant 40 : i32
      %mul3A_222 = arith.muli %add3A_220, %mul3A_221 : i32
      %dma_wait3A_223 = tpu.memref_slice %arg7[%mul3A_222] : memref<10000xi32, #tpu.memory_space<vmem>> -> memref<40xi32, #tpu.memory_space<vmem>>
      %dma_wait3A_224 = arith.constant 0 : i32
      %dma_wait3A_225 = arith.constant 0 : i32
      %dma_wait3A_226 = tpu.memref_slice %arg2[%dma_wait3A_224, %dma_wait3A_225] : memref<10000x128xf32, #tpu.memory_space<hbm>> -> memref<10000x128xf32, #tpu.memory_space<hbm>>
      tpu.wait_indirect_dma semaphore(%arg17 : memref<!tpu.dma_semaphore, #tpu.memory_space<semaphore_mem>>) src(%dma_wait3A_226 : memref<10000x128xf32, #tpu.memory_space<hbm>>) dst(%arg9 : memref<40x128xf32, #tpu.memory_space<vmem>>)
      %mul3A_227 = arith.constant 40 : i32
      %mul3A_228 = arith.muli %add3A_220, %mul3A_227 : i32
      %dma_start3A_229 = tpu.memref_slice %arg8[%mul3A_228] : memref<10000xi32, #tpu.memory_space<vmem>> -> memref<40xi32, #tpu.memory_space<vmem>>
      %dma_start3A_230 = arith.constant 0 : i32
      %dma_start3A_231 = arith.constant 0 : i32
      %dma_start3A_232 = tpu.memref_slice %arg15[%dma_start3A_230, %dma_start3A_231] : memref<10000x128xf32, #tpu.memory_space<vmem_shared>> -> memref<10000x128xf32, #tpu.memory_space<vmem_shared>>
      tpu.enqueue_indirect_dma source(%arg9 : memref<40x128xf32, #tpu.memory_space<vmem>>) target(%dma_start3A_232 : memref<10000x128xf32, #tpu.memory_space<vmem_shared>>) offsets(%dma_start3A_229 : memref<40xi32, #tpu.memory_space<vmem>>) semaphore(%arg22 : memref<!tpu.dma_semaphore, #tpu.memory_space<semaphore_mem>>) {add = true}
      %sub3A = arith.constant 2 : i32
      %sub3A_233 = arith.subi %add3A_220, %sub3A : i32
      %mul3A_234 = arith.constant 40 : i32
      %mul3A_235 = arith.muli %sub3A_233, %mul3A_234 : i32
      %dma_wait3A_236 = tpu.memref_slice %arg8[%mul3A_235] : memref<10000xi32, #tpu.memory_space<vmem>> -> memref<40xi32, #tpu.memory_space<vmem>>
      %dma_wait3A_237 = arith.constant 0 : i32
      %dma_wait3A_238 = arith.constant 0 : i32
      %dma_wait3A_239 = tpu.memref_slice %arg15[%dma_wait3A_237, %dma_wait3A_238] : memref<10000x128xf32, #tpu.memory_space<vmem_shared>> -> memref<10000x128xf32, #tpu.memory_space<vmem_shared>>
      tpu.wait_indirect_dma semaphore(%arg25 : memref<!tpu.dma_semaphore, #tpu.memory_space<semaphore_mem>>) src(%arg12 : memref<40x128xf32, #tpu.memory_space<vmem>>) dst(%dma_wait3A_239 : memref<10000x128xf32, #tpu.memory_space<vmem_shared>>)
      %add3A_240 = arith.constant 3 : i32
      %add3A_241 = arith.addi %add3A_220, %add3A_240 : i32
      %mul3A_242 = arith.constant 40 : i32
      %mul3A_243 = arith.muli %add3A_241, %mul3A_242 : i32
      %dma_start3A_244 = tpu.memref_slice %arg7[%mul3A_243] : memref<10000xi32, #tpu.memory_space<vmem>> -> memref<40xi32, #tpu.memory_space<vmem>>
      %dma_start3A_245 = arith.constant 0 : i32
      %dma_start3A_246 = arith.constant 0 : i32
      %dma_start3A_247 = tpu.memref_slice %arg2[%dma_start3A_245, %dma_start3A_246] : memref<10000x128xf32, #tpu.memory_space<hbm>> -> memref<10000x128xf32, #tpu.memory_space<hbm>>
      tpu.enqueue_indirect_dma source(%dma_start3A_247 : memref<10000x128xf32, #tpu.memory_space<hbm>>) target(%arg12 : memref<40x128xf32, #tpu.memory_space<vmem>>) offsets(%dma_start3A_244 : memref<40xi32, #tpu.memory_space<vmem>>) semaphore(%arg20 : memref<!tpu.dma_semaphore, #tpu.memory_space<semaphore_mem>>)
      %add3A_248 = arith.constant 1 : i32
      %add3A_249 = arith.addi %add3A_218, %add3A_248 : i32
      %mul3A_250 = arith.constant 40 : i32
      %mul3A_251 = arith.muli %add3A_249, %mul3A_250 : i32
      %dma_wait3A_252 = tpu.memref_slice %arg7[%mul3A_251] : memref<10000xi32, #tpu.memory_space<vmem>> -> memref<40xi32, #tpu.memory_space<vmem>>
      %dma_wait3A_253 = arith.constant 0 : i32
      %dma_wait3A_254 = arith.constant 0 : i32
      %dma_wait3A_255 = tpu.memref_slice %arg2[%dma_wait3A_253, %dma_wait3A_254] : memref<10000x128xf32, #tpu.memory_space<hbm>> -> memref<10000x128xf32, #tpu.memory_space<hbm>>
      tpu.wait_indirect_dma semaphore(%arg18 : memref<!tpu.dma_semaphore, #tpu.memory_space<semaphore_mem>>) src(%dma_wait3A_255 : memref<10000x128xf32, #tpu.memory_space<hbm>>) dst(%arg10 : memref<40x128xf32, #tpu.memory_space<vmem>>)
      %mul3A_256 = arith.constant 40 : i32
      %mul3A_257 = arith.muli %add3A_249, %mul3A_256 : i32
      %dma_start3A_258 = tpu.memref_slice %arg8[%mul3A_257] : memref<10000xi32, #tpu.memory_space<vmem>> -> memref<40xi32, #tpu.memory_space<vmem>>
      %dma_start3A_259 = arith.constant 0 : i32
      %dma_start3A_260 = arith.constant 0 : i32
      %dma_start3A_261 = tpu.memref_slice %arg15[%dma_start3A_259, %dma_start3A_260] : memref<10000x128xf32, #tpu.memory_space<vmem_shared>> -> memref<10000x128xf32, #tpu.memory_space<vmem_shared>>
      tpu.enqueue_indirect_dma source(%arg10 : memref<40x128xf32, #tpu.memory_space<vmem>>) target(%dma_start3A_261 : memref<10000x128xf32, #tpu.memory_space<vmem_shared>>) offsets(%dma_start3A_258 : memref<40xi32, #tpu.memory_space<vmem>>) semaphore(%arg23 : memref<!tpu.dma_semaphore, #tpu.memory_space<semaphore_mem>>) {add = true}
      %sub3A_262 = arith.constant 2 : i32
      %sub3A_263 = arith.subi %add3A_249, %sub3A_262 : i32
      %mul3A_264 = arith.constant 40 : i32
      %mul3A_265 = arith.muli %sub3A_263, %mul3A_264 : i32
      %dma_wait3A_266 = tpu.memref_slice %arg8[%mul3A_265] : memref<10000xi32, #tpu.memory_space<vmem>> -> memref<40xi32, #tpu.memory_space<vmem>>
      %dma_wait3A_267 = arith.constant 0 : i32
      %dma_wait3A_268 = arith.constant 0 : i32
      %dma_wait3A_269 = tpu.memref_slice %arg15[%dma_wait3A_267, %dma_wait3A_268] : memref<10000x128xf32, #tpu.memory_space<vmem_shared>> -> memref<10000x128xf32, #tpu.memory_space<vmem_shared>>
      tpu.wait_indirect_dma semaphore(%arg26 : memref<!tpu.dma_semaphore, #tpu.memory_space<semaphore_mem>>) src(%arg13 : memref<40x128xf32, #tpu.memory_space<vmem>>) dst(%dma_wait3A_269 : memref<10000x128xf32, #tpu.memory_space<vmem_shared>>)
      %add3A_270 = arith.constant 3 : i32
      %add3A_271 = arith.addi %add3A_249, %add3A_270 : i32
      %mul3A_272 = arith.constant 40 : i32
      %mul3A_273 = arith.muli %add3A_271, %mul3A_272 : i32
      %dma_start3A_274 = tpu.memref_slice %arg7[%mul3A_273] : memref<10000xi32, #tpu.memory_space<vmem>> -> memref<40xi32, #tpu.memory_space<vmem>>
      %dma_start3A_275 = arith.constant 0 : i32
      %dma_start3A_276 = arith.constant 0 : i32
      %dma_start3A_277 = tpu.memref_slice %arg2[%dma_start3A_275, %dma_start3A_276] : memref<10000x128xf32, #tpu.memory_space<hbm>> -> memref<10000x128xf32, #tpu.memory_space<hbm>>
      tpu.enqueue_indirect_dma source(%dma_start3A_277 : memref<10000x128xf32, #tpu.memory_space<hbm>>) target(%arg13 : memref<40x128xf32, #tpu.memory_space<vmem>>) offsets(%dma_start3A_274 : memref<40xi32, #tpu.memory_space<vmem>>) semaphore(%arg21 : memref<!tpu.dma_semaphore, #tpu.memory_space<semaphore_mem>>)
      %add3A_278 = arith.constant 2 : i32
      %add3A_279 = arith.addi %add3A_218, %add3A_278 : i32
      %mul3A_280 = arith.constant 40 : i32
      %mul3A_281 = arith.muli %add3A_279, %mul3A_280 : i32
      %dma_wait3A_282 = tpu.memref_slice %arg7[%mul3A_281] : memref<10000xi32, #tpu.memory_space<vmem>> -> memref<40xi32, #tpu.memory_space<vmem>>
      %dma_wait3A_283 = arith.constant 0 : i32
      %dma_wait3A_284 = arith.constant 0 : i32
      %dma_wait3A_285 = tpu.memref_slice %arg2[%dma_wait3A_283, %dma_wait3A_284] : memref<10000x128xf32, #tpu.memory_space<hbm>> -> memref<10000x128xf32, #tpu.memory_space<hbm>>
      tpu.wait_indirect_dma semaphore(%arg19 : memref<!tpu.dma_semaphore, #tpu.memory_space<semaphore_mem>>) src(%dma_wait3A_285 : memref<10000x128xf32, #tpu.memory_space<hbm>>) dst(%arg11 : memref<40x128xf32, #tpu.memory_space<vmem>>)
      %mul3A_286 = arith.constant 40 : i32
      %mul3A_287 = arith.muli %add3A_279, %mul3A_286 : i32
      %dma_start3A_288 = tpu.memref_slice %arg8[%mul3A_287] : memref<10000xi32, #tpu.memory_space<vmem>> -> memref<40xi32, #tpu.memory_space<vmem>>
      %dma_start3A_289 = arith.constant 0 : i32
      %dma_start3A_290 = arith.constant 0 : i32
      %dma_start3A_291 = tpu.memref_slice %arg15[%dma_start3A_289, %dma_start3A_290] : memref<10000x128xf32, #tpu.memory_space<vmem_shared>> -> memref<10000x128xf32, #tpu.memory_space<vmem_shared>>
      tpu.enqueue_indirect_dma source(%arg11 : memref<40x128xf32, #tpu.memory_space<vmem>>) target(%dma_start3A_291 : memref<10000x128xf32, #tpu.memory_space<vmem_shared>>) offsets(%dma_start3A_288 : memref<40xi32, #tpu.memory_space<vmem>>) semaphore(%arg24 : memref<!tpu.dma_semaphore, #tpu.memory_space<semaphore_mem>>) {add = true}
      %sub3A_292 = arith.constant 2 : i32
      %sub3A_293 = arith.subi %add3A_279, %sub3A_292 : i32
      %mul3A_294 = arith.constant 40 : i32
      %mul3A_295 = arith.muli %sub3A_293, %mul3A_294 : i32
      %dma_wait3A_296 = tpu.memref_slice %arg8[%mul3A_295] : memref<10000xi32, #tpu.memory_space<vmem>> -> memref<40xi32, #tpu.memory_space<vmem>>
      %dma_wait3A_297 = arith.constant 0 : i32
      %dma_wait3A_298 = arith.constant 0 : i32
      %dma_wait3A_299 = tpu.memref_slice %arg15[%dma_wait3A_297, %dma_wait3A_298] : memref<10000x128xf32, #tpu.memory_space<vmem_shared>> -> memref<10000x128xf32, #tpu.memory_space<vmem_shared>>
      tpu.wait_indirect_dma semaphore(%arg22 : memref<!tpu.dma_semaphore, #tpu.memory_space<semaphore_mem>>) src(%arg9 : memref<40x128xf32, #tpu.memory_space<vmem>>) dst(%dma_wait3A_299 : memref<10000x128xf32, #tpu.memory_space<vmem_shared>>)
      %add3A_300 = arith.constant 3 : i32
      %add3A_301 = arith.addi %add3A_279, %add3A_300 : i32
      %mul3A_302 = arith.constant 40 : i32
      %mul3A_303 = arith.muli %add3A_301, %mul3A_302 : i32
      %dma_start3A_304 = tpu.memref_slice %arg7[%mul3A_303] : memref<10000xi32, #tpu.memory_space<vmem>> -> memref<40xi32, #tpu.memory_space<vmem>>
      %dma_start3A_305 = arith.constant 0 : i32
      %dma_start3A_306 = arith.constant 0 : i32
      %dma_start3A_307 = tpu.memref_slice %arg2[%dma_start3A_305, %dma_start3A_306] : memref<10000x128xf32, #tpu.memory_space<hbm>> -> memref<10000x128xf32, #tpu.memory_space<hbm>>
      tpu.enqueue_indirect_dma source(%dma_start3A_307 : memref<10000x128xf32, #tpu.memory_space<hbm>>) target(%arg9 : memref<40x128xf32, #tpu.memory_space<vmem>>) offsets(%dma_start3A_304 : memref<40xi32, #tpu.memory_space<vmem>>) semaphore(%arg17 : memref<!tpu.dma_semaphore, #tpu.memory_space<semaphore_mem>>)
      %add3A_308 = arith.constant 3 : i32
      %add3A_309 = arith.addi %add3A_218, %add3A_308 : i32
      %mul3A_310 = arith.constant 40 : i32
      %mul3A_311 = arith.muli %add3A_309, %mul3A_310 : i32
      %dma_wait3A_312 = tpu.memref_slice %arg7[%mul3A_311] : memref<10000xi32, #tpu.memory_space<vmem>> -> memref<40xi32, #tpu.memory_space<vmem>>
      %dma_wait3A_313 = arith.constant 0 : i32
      %dma_wait3A_314 = arith.constant 0 : i32
      %dma_wait3A_315 = tpu.memref_slice %arg2[%dma_wait3A_313, %dma_wait3A_314] : memref<10000x128xf32, #tpu.memory_space<hbm>> -> memref<10000x128xf32, #tpu.memory_space<hbm>>
      tpu.wait_indirect_dma semaphore(%arg20 : memref<!tpu.dma_semaphore, #tpu.memory_space<semaphore_mem>>) src(%dma_wait3A_315 : memref<10000x128xf32, #tpu.memory_space<hbm>>) dst(%arg12 : memref<40x128xf32, #tpu.memory_space<vmem>>)
      %mul3A_316 = arith.constant 40 : i32
      %mul3A_317 = arith.muli %add3A_309, %mul3A_316 : i32
      %dma_start3A_318 = tpu.memref_slice %arg8[%mul3A_317] : memref<10000xi32, #tpu.memory_space<vmem>> -> memref<40xi32, #tpu.memory_space<vmem>>
      %dma_start3A_319 = arith.constant 0 : i32
      %dma_start3A_320 = arith.constant 0 : i32
      %dma_start3A_321 = tpu.memref_slice %arg15[%dma_start3A_319, %dma_start3A_320] : memref<10000x128xf32, #tpu.memory_space<vmem_shared>> -> memref<10000x128xf32, #tpu.memory_space<vmem_shared>>
      tpu.enqueue_indirect_dma source(%arg12 : memref<40x128xf32, #tpu.memory_space<vmem>>) target(%dma_start3A_321 : memref<10000x128xf32, #tpu.memory_space<vmem_shared>>) offsets(%dma_start3A_318 : memref<40xi32, #tpu.memory_space<vmem>>) semaphore(%arg25 : memref<!tpu.dma_semaphore, #tpu.memory_space<semaphore_mem>>) {add = true}
      %sub3A_322 = arith.constant 2 : i32
      %sub3A_323 = arith.subi %add3A_309, %sub3A_322 : i32
      %mul3A_324 = arith.constant 40 : i32
      %mul3A_325 = arith.muli %sub3A_323, %mul3A_324 : i32
      %dma_wait3A_326 = tpu.memref_slice %arg8[%mul3A_325] : memref<10000xi32, #tpu.memory_space<vmem>> -> memref<40xi32, #tpu.memory_space<vmem>>
      %dma_wait3A_327 = arith.constant 0 : i32
      %dma_wait3A_328 = arith.constant 0 : i32
      %dma_wait3A_329 = tpu.memref_slice %arg15[%dma_wait3A_327, %dma_wait3A_328] : memref<10000x128xf32, #tpu.memory_space<vmem_shared>> -> memref<10000x128xf32, #tpu.memory_space<vmem_shared>>
      tpu.wait_indirect_dma semaphore(%arg23 : memref<!tpu.dma_semaphore, #tpu.memory_space<semaphore_mem>>) src(%arg10 : memref<40x128xf32, #tpu.memory_space<vmem>>) dst(%dma_wait3A_329 : memref<10000x128xf32, #tpu.memory_space<vmem_shared>>)
      %add3A_330 = arith.constant 3 : i32
      %add3A_331 = arith.addi %add3A_309, %add3A_330 : i32
      %mul3A_332 = arith.constant 40 : i32
      %mul3A_333 = arith.muli %add3A_331, %mul3A_332 : i32
      %dma_start3A_334 = tpu.memref_slice %arg7[%mul3A_333] : memref<10000xi32, #tpu.memory_space<vmem>> -> memref<40xi32, #tpu.memory_space<vmem>>
      %dma_start3A_335 = arith.constant 0 : i32
      %dma_start3A_336 = arith.constant 0 : i32
      %dma_start3A_337 = tpu.memref_slice %arg2[%dma_start3A_335, %dma_start3A_336] : memref<10000x128xf32, #tpu.memory_space<hbm>> -> memref<10000x128xf32, #tpu.memory_space<hbm>>
      tpu.enqueue_indirect_dma source(%dma_start3A_337 : memref<10000x128xf32, #tpu.memory_space<hbm>>) target(%arg10 : memref<40x128xf32, #tpu.memory_space<vmem>>) offsets(%dma_start3A_334 : memref<40xi32, #tpu.memory_space<vmem>>) semaphore(%arg18 : memref<!tpu.dma_semaphore, #tpu.memory_space<semaphore_mem>>)
      %add3A_338 = arith.constant 4 : i32
      %add3A_339 = arith.addi %add3A_218, %add3A_338 : i32
      %mul3A_340 = arith.constant 40 : i32
      %mul3A_341 = arith.muli %add3A_339, %mul3A_340 : i32
      %dma_wait3A_342 = tpu.memref_slice %arg7[%mul3A_341] : memref<10000xi32, #tpu.memory_space<vmem>> -> memref<40xi32, #tpu.memory_space<vmem>>
      %dma_wait3A_343 = arith.constant 0 : i32
      %dma_wait3A_344 = arith.constant 0 : i32
      %dma_wait3A_345 = tpu.memref_slice %arg2[%dma_wait3A_343, %dma_wait3A_344] : memref<10000x128xf32, #tpu.memory_space<hbm>> -> memref<10000x128xf32, #tpu.memory_space<hbm>>
      tpu.wait_indirect_dma semaphore(%arg21 : memref<!tpu.dma_semaphore, #tpu.memory_space<semaphore_mem>>) src(%dma_wait3A_345 : memref<10000x128xf32, #tpu.memory_space<hbm>>) dst(%arg13 : memref<40x128xf32, #tpu.memory_space<vmem>>)
      %mul3A_346 = arith.constant 40 : i32
      %mul3A_347 = arith.muli %add3A_339, %mul3A_346 : i32
      %dma_start3A_348 = tpu.memref_slice %arg8[%mul3A_347] : memref<10000xi32, #tpu.memory_space<vmem>> -> memref<40xi32, #tpu.memory_space<vmem>>
      %dma_start3A_349 = arith.constant 0 : i32
      %dma_start3A_350 = arith.constant 0 : i32
      %dma_start3A_351 = tpu.memref_slice %arg15[%dma_start3A_349, %dma_start3A_350] : memref<10000x128xf32, #tpu.memory_space<vmem_shared>> -> memref<10000x128xf32, #tpu.memory_space<vmem_shared>>
      tpu.enqueue_indirect_dma source(%arg13 : memref<40x128xf32, #tpu.memory_space<vmem>>) target(%dma_start3A_351 : memref<10000x128xf32, #tpu.memory_space<vmem_shared>>) offsets(%dma_start3A_348 : memref<40xi32, #tpu.memory_space<vmem>>) semaphore(%arg26 : memref<!tpu.dma_semaphore, #tpu.memory_space<semaphore_mem>>) {add = true}
      %sub3A_352 = arith.constant 2 : i32
      %sub3A_353 = arith.subi %add3A_339, %sub3A_352 : i32
      %mul3A_354 = arith.constant 40 : i32
      %mul3A_355 = arith.muli %sub3A_353, %mul3A_354 : i32
      %dma_wait3A_356 = tpu.memref_slice %arg8[%mul3A_355] : memref<10000xi32, #tpu.memory_space<vmem>> -> memref<40xi32, #tpu.memory_space<vmem>>
      %dma_wait3A_357 = arith.constant 0 : i32
      %dma_wait3A_358 = arith.constant 0 : i32
      %dma_wait3A_359 = tpu.memref_slice %arg15[%dma_wait3A_357, %dma_wait3A_358] : memref<10000x128xf32, #tpu.memory_space<vmem_shared>> -> memref<10000x128xf32, #tpu.memory_space<vmem_shared>>
      tpu.wait_indirect_dma semaphore(%arg24 : memref<!tpu.dma_semaphore, #tpu.memory_space<semaphore_mem>>) src(%arg11 : memref<40x128xf32, #tpu.memory_space<vmem>>) dst(%dma_wait3A_359 : memref<10000x128xf32, #tpu.memory_space<vmem_shared>>)
      %add3A_360 = arith.constant 3 : i32
      %add3A_361 = arith.addi %add3A_339, %add3A_360 : i32
      %mul3A_362 = arith.constant 40 : i32
      %mul3A_363 = arith.muli %add3A_361, %mul3A_362 : i32
      %dma_start3A_364 = tpu.memref_slice %arg7[%mul3A_363] : memref<10000xi32, #tpu.memory_space<vmem>> -> memref<40xi32, #tpu.memory_space<vmem>>
      %dma_start3A_365 = arith.constant 0 : i32
      %dma_start3A_366 = arith.constant 0 : i32
      %dma_start3A_367 = tpu.memref_slice %arg2[%dma_start3A_365, %dma_start3A_366] : memref<10000x128xf32, #tpu.memory_space<hbm>> -> memref<10000x128xf32, #tpu.memory_space<hbm>>
      tpu.enqueue_indirect_dma source(%dma_start3A_367 : memref<10000x128xf32, #tpu.memory_space<hbm>>) target(%arg11 : memref<40x128xf32, #tpu.memory_space<vmem>>) offsets(%dma_start3A_364 : memref<40xi32, #tpu.memory_space<vmem>>) semaphore(%arg19 : memref<!tpu.dma_semaphore, #tpu.memory_space<semaphore_mem>>)
    }
    %scan3A_113 = arith.constant 48 : i32
    %dma_wait3A_114 = arith.constant 9800 : i32
    %dma_wait3A_115 = tpu.memref_slice %arg7[%dma_wait3A_114] : memref<10000xi32, #tpu.memory_space<vmem>> -> memref<40xi32, #tpu.memory_space<vmem>>
    %dma_wait3A_116 = arith.constant 0 : i32
    %dma_wait3A_117 = arith.constant 0 : i32
    %dma_wait3A_118 = tpu.memref_slice %arg2[%dma_wait3A_116, %dma_wait3A_117] : memref<10000x128xf32, #tpu.memory_space<hbm>> -> memref<10000x128xf32, #tpu.memory_space<hbm>>
    tpu.wait_indirect_dma semaphore(%arg17 : memref<!tpu.dma_semaphore, #tpu.memory_space<semaphore_mem>>) src(%dma_wait3A_118 : memref<10000x128xf32, #tpu.memory_space<hbm>>) dst(%arg9 : memref<40x128xf32, #tpu.memory_space<vmem>>)
    %dma_start3A_119 = arith.constant 9800 : i32
    %dma_start3A_120 = tpu.memref_slice %arg8[%dma_start3A_119] : memref<10000xi32, #tpu.memory_space<vmem>> -> memref<40xi32, #tpu.memory_space<vmem>>
    %dma_start3A_121 = arith.constant 0 : i32
    %dma_start3A_122 = arith.constant 0 : i32
    %dma_start3A_123 = tpu.memref_slice %arg15[%dma_start3A_121, %dma_start3A_122] : memref<10000x128xf32, #tpu.memory_space<vmem_shared>> -> memref<10000x128xf32, #tpu.memory_space<vmem_shared>>
    tpu.enqueue_indirect_dma source(%arg9 : memref<40x128xf32, #tpu.memory_space<vmem>>) target(%dma_start3A_123 : memref<10000x128xf32, #tpu.memory_space<vmem_shared>>) offsets(%dma_start3A_120 : memref<40xi32, #tpu.memory_space<vmem>>) semaphore(%arg22 : memref<!tpu.dma_semaphore, #tpu.memory_space<semaphore_mem>>) {add = true}
    %dma_wait3A_124 = arith.constant 9720 : i32
    %dma_wait3A_125 = tpu.memref_slice %arg8[%dma_wait3A_124] : memref<10000xi32, #tpu.memory_space<vmem>> -> memref<40xi32, #tpu.memory_space<vmem>>
    %dma_wait3A_126 = arith.constant 0 : i32
    %dma_wait3A_127 = arith.constant 0 : i32
    %dma_wait3A_128 = tpu.memref_slice %arg15[%dma_wait3A_126, %dma_wait3A_127] : memref<10000x128xf32, #tpu.memory_space<vmem_shared>> -> memref<10000x128xf32, #tpu.memory_space<vmem_shared>>
    tpu.wait_indirect_dma semaphore(%arg25 : memref<!tpu.dma_semaphore, #tpu.memory_space<semaphore_mem>>) src(%arg12 : memref<40x128xf32, #tpu.memory_space<vmem>>) dst(%dma_wait3A_128 : memref<10000x128xf32, #tpu.memory_space<vmem_shared>>)
    %dma_start3A_129 = arith.constant 9920 : i32
    %dma_start3A_130 = tpu.memref_slice %arg7[%dma_start3A_129] : memref<10000xi32, #tpu.memory_space<vmem>> -> memref<40xi32, #tpu.memory_space<vmem>>
    %dma_start3A_131 = arith.constant 0 : i32
    %dma_start3A_132 = arith.constant 0 : i32
    %dma_start3A_133 = tpu.memref_slice %arg2[%dma_start3A_131, %dma_start3A_132] : memref<10000x128xf32, #tpu.memory_space<hbm>> -> memref<10000x128xf32, #tpu.memory_space<hbm>>
    tpu.enqueue_indirect_dma source(%dma_start3A_133 : memref<10000x128xf32, #tpu.memory_space<hbm>>) target(%arg12 : memref<40x128xf32, #tpu.memory_space<vmem>>) offsets(%dma_start3A_130 : memref<40xi32, #tpu.memory_space<vmem>>) semaphore(%arg20 : memref<!tpu.dma_semaphore, #tpu.memory_space<semaphore_mem>>)
    %dma_wait3A_134 = arith.constant 9840 : i32
    %dma_wait3A_135 = tpu.memref_slice %arg7[%dma_wait3A_134] : memref<10000xi32, #tpu.memory_space<vmem>> -> memref<40xi32, #tpu.memory_space<vmem>>
    %dma_wait3A_136 = arith.constant 0 : i32
    %dma_wait3A_137 = arith.constant 0 : i32
    %dma_wait3A_138 = tpu.memref_slice %arg2[%dma_wait3A_136, %dma_wait3A_137] : memref<10000x128xf32, #tpu.memory_space<hbm>> -> memref<10000x128xf32, #tpu.memory_space<hbm>>
    tpu.wait_indirect_dma semaphore(%arg18 : memref<!tpu.dma_semaphore, #tpu.memory_space<semaphore_mem>>) src(%dma_wait3A_138 : memref<10000x128xf32, #tpu.memory_space<hbm>>) dst(%arg10 : memref<40x128xf32, #tpu.memory_space<vmem>>)
    %dma_start3A_139 = arith.constant 9840 : i32
    %dma_start3A_140 = tpu.memref_slice %arg8[%dma_start3A_139] : memref<10000xi32, #tpu.memory_space<vmem>> -> memref<40xi32, #tpu.memory_space<vmem>>
    %dma_start3A_141 = arith.constant 0 : i32
    %dma_start3A_142 = arith.constant 0 : i32
    %dma_start3A_143 = tpu.memref_slice %arg15[%dma_start3A_141, %dma_start3A_142] : memref<10000x128xf32, #tpu.memory_space<vmem_shared>> -> memref<10000x128xf32, #tpu.memory_space<vmem_shared>>
    tpu.enqueue_indirect_dma source(%arg10 : memref<40x128xf32, #tpu.memory_space<vmem>>) target(%dma_start3A_143 : memref<10000x128xf32, #tpu.memory_space<vmem_shared>>) offsets(%dma_start3A_140 : memref<40xi32, #tpu.memory_space<vmem>>) semaphore(%arg23 : memref<!tpu.dma_semaphore, #tpu.memory_space<semaphore_mem>>) {add = true}
    %dma_wait3A_144 = arith.constant 9760 : i32
    %dma_wait3A_145 = tpu.memref_slice %arg8[%dma_wait3A_144] : memref<10000xi32, #tpu.memory_space<vmem>> -> memref<40xi32, #tpu.memory_space<vmem>>
    %dma_wait3A_146 = arith.constant 0 : i32
    %dma_wait3A_147 = arith.constant 0 : i32
    %dma_wait3A_148 = tpu.memref_slice %arg15[%dma_wait3A_146, %dma_wait3A_147] : memref<10000x128xf32, #tpu.memory_space<vmem_shared>> -> memref<10000x128xf32, #tpu.memory_space<vmem_shared>>
    tpu.wait_indirect_dma semaphore(%arg26 : memref<!tpu.dma_semaphore, #tpu.memory_space<semaphore_mem>>) src(%arg13 : memref<40x128xf32, #tpu.memory_space<vmem>>) dst(%dma_wait3A_148 : memref<10000x128xf32, #tpu.memory_space<vmem_shared>>)
    %dma_start3A_149 = arith.constant 9960 : i32
    %dma_start3A_150 = tpu.memref_slice %arg7[%dma_start3A_149] : memref<10000xi32, #tpu.memory_space<vmem>> -> memref<40xi32, #tpu.memory_space<vmem>>
    %dma_start3A_151 = arith.constant 0 : i32
    %dma_start3A_152 = arith.constant 0 : i32
    %dma_start3A_153 = tpu.memref_slice %arg2[%dma_start3A_151, %dma_start3A_152] : memref<10000x128xf32, #tpu.memory_space<hbm>> -> memref<10000x128xf32, #tpu.memory_space<hbm>>
    tpu.enqueue_indirect_dma source(%dma_start3A_153 : memref<10000x128xf32, #tpu.memory_space<hbm>>) target(%arg13 : memref<40x128xf32, #tpu.memory_space<vmem>>) offsets(%dma_start3A_150 : memref<40xi32, #tpu.memory_space<vmem>>) semaphore(%arg21 : memref<!tpu.dma_semaphore, #tpu.memory_space<semaphore_mem>>)
    %dma_wait3A_154 = arith.constant 9880 : i32
    %dma_wait3A_155 = tpu.memref_slice %arg7[%dma_wait3A_154] : memref<10000xi32, #tpu.memory_space<vmem>> -> memref<40xi32, #tpu.memory_space<vmem>>
    %dma_wait3A_156 = arith.constant 0 : i32
    %dma_wait3A_157 = arith.constant 0 : i32
    %dma_wait3A_158 = tpu.memref_slice %arg2[%dma_wait3A_156, %dma_wait3A_157] : memref<10000x128xf32, #tpu.memory_space<hbm>> -> memref<10000x128xf32, #tpu.memory_space<hbm>>
    tpu.wait_indirect_dma semaphore(%arg19 : memref<!tpu.dma_semaphore, #tpu.memory_space<semaphore_mem>>) src(%dma_wait3A_158 : memref<10000x128xf32, #tpu.memory_space<hbm>>) dst(%arg11 : memref<40x128xf32, #tpu.memory_space<vmem>>)
    %dma_start3A_159 = arith.constant 9880 : i32
    %dma_start3A_160 = tpu.memref_slice %arg8[%dma_start3A_159] : memref<10000xi32, #tpu.memory_space<vmem>> -> memref<40xi32, #tpu.memory_space<vmem>>
    %dma_start3A_161 = arith.constant 0 : i32
    %dma_start3A_162 = arith.constant 0 : i32
    %dma_start3A_163 = tpu.memref_slice %arg15[%dma_start3A_161, %dma_start3A_162] : memref<10000x128xf32, #tpu.memory_space<vmem_shared>> -> memref<10000x128xf32, #tpu.memory_space<vmem_shared>>
    tpu.enqueue_indirect_dma source(%arg11 : memref<40x128xf32, #tpu.memory_space<vmem>>) target(%dma_start3A_163 : memref<10000x128xf32, #tpu.memory_space<vmem_shared>>) offsets(%dma_start3A_160 : memref<40xi32, #tpu.memory_space<vmem>>) semaphore(%arg24 : memref<!tpu.dma_semaphore, #tpu.memory_space<semaphore_mem>>) {add = true}
    %dma_wait3A_164 = arith.constant 9800 : i32
    %dma_wait3A_165 = tpu.memref_slice %arg8[%dma_wait3A_164] : memref<10000xi32, #tpu.memory_space<vmem>> -> memref<40xi32, #tpu.memory_space<vmem>>
    %dma_wait3A_166 = arith.constant 0 : i32
    %dma_wait3A_167 = arith.constant 0 : i32
    %dma_wait3A_168 = tpu.memref_slice %arg15[%dma_wait3A_166, %dma_wait3A_167] : memref<10000x128xf32, #tpu.memory_space<vmem_shared>> -> memref<10000x128xf32, #tpu.memory_space<vmem_shared>>
    tpu.wait_indirect_dma semaphore(%arg22 : memref<!tpu.dma_semaphore, #tpu.memory_space<semaphore_mem>>) src(%arg9 : memref<40x128xf32, #tpu.memory_space<vmem>>) dst(%dma_wait3A_168 : memref<10000x128xf32, #tpu.memory_space<vmem_shared>>)
    %dma_wait3A_169 = arith.constant 9920 : i32
    %dma_wait3A_170 = tpu.memref_slice %arg7[%dma_wait3A_169] : memref<10000xi32, #tpu.memory_space<vmem>> -> memref<40xi32, #tpu.memory_space<vmem>>
    %dma_wait3A_171 = arith.constant 0 : i32
    %dma_wait3A_172 = arith.constant 0 : i32
    %dma_wait3A_173 = tpu.memref_slice %arg2[%dma_wait3A_171, %dma_wait3A_172] : memref<10000x128xf32, #tpu.memory_space<hbm>> -> memref<10000x128xf32, #tpu.memory_space<hbm>>
    tpu.wait_indirect_dma semaphore(%arg20 : memref<!tpu.dma_semaphore, #tpu.memory_space<semaphore_mem>>) src(%dma_wait3A_173 : memref<10000x128xf32, #tpu.memory_space<hbm>>) dst(%arg12 : memref<40x128xf32, #tpu.memory_space<vmem>>)
    %dma_start3A_174 = arith.constant 9920 : i32
    %dma_start3A_175 = tpu.memref_slice %arg8[%dma_start3A_174] : memref<10000xi32, #tpu.memory_space<vmem>> -> memref<40xi32, #tpu.memory_space<vmem>>
    %dma_start3A_176 = arith.constant 0 : i32
    %dma_start3A_177 = arith.constant 0 : i32
    %dma_start3A_178 = tpu.memref_slice %arg15[%dma_start3A_176, %dma_start3A_177] : memref<10000x128xf32, #tpu.memory_space<vmem_shared>> -> memref<10000x128xf32, #tpu.memory_space<vmem_shared>>
    tpu.enqueue_indirect_dma source(%arg12 : memref<40x128xf32, #tpu.memory_space<vmem>>) target(%dma_start3A_178 : memref<10000x128xf32, #tpu.memory_space<vmem_shared>>) offsets(%dma_start3A_175 : memref<40xi32, #tpu.memory_space<vmem>>) semaphore(%arg25 : memref<!tpu.dma_semaphore, #tpu.memory_space<semaphore_mem>>) {add = true}
    %dma_wait3A_179 = arith.constant 9840 : i32
    %dma_wait3A_180 = tpu.memref_slice %arg8[%dma_wait3A_179] : memref<10000xi32, #tpu.memory_space<vmem>> -> memref<40xi32, #tpu.memory_space<vmem>>
    %dma_wait3A_181 = arith.constant 0 : i32
    %dma_wait3A_182 = arith.constant 0 : i32
    %dma_wait3A_183 = tpu.memref_slice %arg15[%dma_wait3A_181, %dma_wait3A_182] : memref<10000x128xf32, #tpu.memory_space<vmem_shared>> -> memref<10000x128xf32, #tpu.memory_space<vmem_shared>>
    tpu.wait_indirect_dma semaphore(%arg23 : memref<!tpu.dma_semaphore, #tpu.memory_space<semaphore_mem>>) src(%arg10 : memref<40x128xf32, #tpu.memory_space<vmem>>) dst(%dma_wait3A_183 : memref<10000x128xf32, #tpu.memory_space<vmem_shared>>)
    %dma_wait3A_184 = arith.constant 9960 : i32
    %dma_wait3A_185 = tpu.memref_slice %arg7[%dma_wait3A_184] : memref<10000xi32, #tpu.memory_space<vmem>> -> memref<40xi32, #tpu.memory_space<vmem>>
    %dma_wait3A_186 = arith.constant 0 : i32
    %dma_wait3A_187 = arith.constant 0 : i32
    %dma_wait3A_188 = tpu.memref_slice %arg2[%dma_wait3A_186, %dma_wait3A_187] : memref<10000x128xf32, #tpu.memory_space<hbm>> -> memref<10000x128xf32, #tpu.memory_space<hbm>>
    tpu.wait_indirect_dma semaphore(%arg21 : memref<!tpu.dma_semaphore, #tpu.memory_space<semaphore_mem>>) src(%dma_wait3A_188 : memref<10000x128xf32, #tpu.memory_space<hbm>>) dst(%arg13 : memref<40x128xf32, #tpu.memory_space<vmem>>)
    %dma_start3A_189 = arith.constant 9960 : i32
    %dma_start3A_190 = tpu.memref_slice %arg8[%dma_start3A_189] : memref<10000xi32, #tpu.memory_space<vmem>> -> memref<40xi32, #tpu.memory_space<vmem>>
    %dma_start3A_191 = arith.constant 0 : i32
    %dma_start3A_192 = arith.constant 0 : i32
    %dma_start3A_193 = tpu.memref_slice %arg15[%dma_start3A_191, %dma_start3A_192] : memref<10000x128xf32, #tpu.memory_space<vmem_shared>> -> memref<10000x128xf32, #tpu.memory_space<vmem_shared>>
    tpu.enqueue_indirect_dma source(%arg13 : memref<40x128xf32, #tpu.memory_space<vmem>>) target(%dma_start3A_193 : memref<10000x128xf32, #tpu.memory_space<vmem_shared>>) offsets(%dma_start3A_190 : memref<40xi32, #tpu.memory_space<vmem>>) semaphore(%arg26 : memref<!tpu.dma_semaphore, #tpu.memory_space<semaphore_mem>>) {add = true}
    %dma_wait3A_194 = arith.constant 9880 : i32
    %dma_wait3A_195 = tpu.memref_slice %arg8[%dma_wait3A_194] : memref<10000xi32, #tpu.memory_space<vmem>> -> memref<40xi32, #tpu.memory_space<vmem>>
    %dma_wait3A_196 = arith.constant 0 : i32
    %dma_wait3A_197 = arith.constant 0 : i32
    %dma_wait3A_198 = tpu.memref_slice %arg15[%dma_wait3A_196, %dma_wait3A_197] : memref<10000x128xf32, #tpu.memory_space<vmem_shared>> -> memref<10000x128xf32, #tpu.memory_space<vmem_shared>>
    tpu.wait_indirect_dma semaphore(%arg24 : memref<!tpu.dma_semaphore, #tpu.memory_space<semaphore_mem>>) src(%arg11 : memref<40x128xf32, #tpu.memory_space<vmem>>) dst(%dma_wait3A_198 : memref<10000x128xf32, #tpu.memory_space<vmem_shared>>)
    %dma_wait3A_199 = arith.constant 9920 : i32
    %dma_wait3A_200 = tpu.memref_slice %arg8[%dma_wait3A_199] : memref<10000xi32, #tpu.memory_space<vmem>> -> memref<40xi32, #tpu.memory_space<vmem>>
    %dma_wait3A_201 = arith.constant 0 : i32
    %dma_wait3A_202 = arith.constant 0 : i32
    %dma_wait3A_203 = tpu.memref_slice %arg15[%dma_wait3A_201, %dma_wait3A_202] : memref<10000x128xf32, #tpu.memory_space<vmem_shared>> -> memref<10000x128xf32, #tpu.memory_space<vmem_shared>>
    tpu.wait_indirect_dma semaphore(%arg25 : memref<!tpu.dma_semaphore, #tpu.memory_space<semaphore_mem>>) src(%arg12 : memref<40x128xf32, #tpu.memory_space<vmem>>) dst(%dma_wait3A_203 : memref<10000x128xf32, #tpu.memory_space<vmem_shared>>)
    %dma_wait3A_204 = arith.constant 9960 : i32
    %dma_wait3A_205 = tpu.memref_slice %arg8[%dma_wait3A_204] : memref<10000xi32, #tpu.memory_space<vmem>> -> memref<40xi32, #tpu.memory_space<vmem>>
    %dma_wait3A_206 = arith.constant 0 : i32
    %dma_wait3A_207 = arith.constant 0 : i32
    %dma_wait3A_208 = tpu.memref_slice %arg15[%dma_wait3A_206, %dma_wait3A_207] : memref<10000x128xf32, #tpu.memory_space<vmem_shared>> -> memref<10000x128xf32, #tpu.memory_space<vmem_shared>>
    tpu.wait_indirect_dma semaphore(%arg26 : memref<!tpu.dma_semaphore, #tpu.memory_space<semaphore_mem>>) src(%arg13 : memref<40x128xf32, #tpu.memory_space<vmem>>) dst(%dma_wait3A_208 : memref<10000x128xf32, #tpu.memory_space<vmem_shared>>)
    %barrier3A_209 = arith.constant 0 : index
    tpu.barrier barrier_id(%barrier3A_209)
    "tpu.region"() ({
      %run_scoped3A = tpu.sem_alloc : memref<!tpu.dma_semaphore, #tpu.memory_space<semaphore_mem>>
      %dma_start3A_210 = arith.constant 0 : i32
      %dma_start3A_211 = tpu.memref_slice %arg6[%arg0, %mul3A_2, %dma_start3A_210] : memref<2x10000x128xf32, #tpu.memory_space<hbm>> -> memref<1x625x128xf32, #tpu.memory_space<hbm>>
      %dma_start3A_212 = tpu.memref_squeeze %dma_start3A_211 : memref<1x625x128xf32, #tpu.memory_space<hbm>> -> memref<625x128xf32, #tpu.memory_space<hbm>>
      %dma_start3A_213 = arith.constant 0 : i32
      %dma_start3A_214 = tpu.memref_slice %arg15[%mul3A_2, %dma_start3A_213] : memref<10000x128xf32, #tpu.memory_space<vmem_shared>> -> memref<625x128xf32, #tpu.memory_space<vmem_shared>>
      tpu.enqueue_dma source(%dma_start3A_214 : memref<625x128xf32, #tpu.memory_space<vmem_shared>>) target(%dma_start3A_212 : memref<625x128xf32, #tpu.memory_space<hbm>>) target_semaphore(%run_scoped3A : memref<!tpu.dma_semaphore, #tpu.memory_space<semaphore_mem>>)
      %dma_wait3A_215 = arith.constant 0 : i32
      %dma_wait3A_216 = tpu.memref_slice %arg6[%arg0, %mul3A_2, %dma_wait3A_215] : memref<2x10000x128xf32, #tpu.memory_space<hbm>> -> memref<1x625x128xf32, #tpu.memory_space<hbm>>
      %dma_wait3A_217 = tpu.memref_squeeze %dma_wait3A_216 : memref<1x625x128xf32, #tpu.memory_space<hbm>> -> memref<625x128xf32, #tpu.memory_space<hbm>>
      %dma_wait3A_218 = arith.constant 0 : i32
      %dma_wait3A_219 = tpu.memref_slice %arg15[%mul3A_2, %dma_wait3A_218] : memref<10000x128xf32, #tpu.memory_space<vmem_shared>> -> memref<625x128xf32, #tpu.memory_space<vmem_shared>>
      tpu.wait_dma2 semaphore(%run_scoped3A : memref<!tpu.dma_semaphore, #tpu.memory_space<semaphore_mem>>) src(%dma_wait3A_219 : memref<625x128xf32, #tpu.memory_space<vmem_shared>>) dst(%dma_wait3A_217 : memref<625x128xf32, #tpu.memory_space<hbm>>)
      tpu.yield
    }) : () -> ()
    return
  }
}

module attributes {stable_mosaic.version = 14 : i64} {
  func.func @body(%arg0: i32, %arg1: memref<2x2000x128xf32, #tpu.memory_space<vmem>>, %arg2: memref<2x2000x8xf32, #tpu.memory_space<vmem>>, %arg3: memref<2000x128xf32, #tpu.memory_space<vmem>>, %arg4: memref<128x128xf32, #tpu.memory_space<vmem>>, %arg5: memref<1x128xf32, #tpu.memory_space<vmem>>, %arg6: memref<128x128xf32, #tpu.memory_space<vmem>>, %arg7: memref<2000x128xf32, #tpu.memory_space<vmem>>) attributes {dimension_semantics = [#tpu.dimension_semantics<arbitrary>], iteration_bounds = array<i64: 5>, scalar_prefetch = 0 : i64, scratch_operands = 0 : i64, tpu.core_type = #tpu.core_type<tc>, window_params = [{transform_indices = @transform_0, window_bounds = array<i64: 2, 2000, 128>}, {transform_indices = @transform_1, window_bounds = array<i64: 2, 2000, 8>}, {transform_indices = @transform_2, window_bounds = array<i64: 2000, 128>}, {pipeline_mode = #tpu.pipeline_mode<synchronous>, transform_indices = @transform_3, window_bounds = array<i64: 128, 128>}, {pipeline_mode = #tpu.pipeline_mode<synchronous>, transform_indices = @transform_4, window_bounds = array<i64: 1, 128>}, {pipeline_mode = #tpu.pipeline_mode<synchronous>, transform_indices = @transform_5, window_bounds = array<i64: 128, 128>}, {transform_indices = @transform_6, window_bounds = array<i64: 2000, 128>}]} {
    %get3A = arith.constant 0 : index
    %get3A_0 = arith.constant 0 : index
    %get3A_1 = arith.constant 0 : index
    %get3A_2 = vector.load %arg1[%get3A, %get3A_0, %get3A_1] : memref<2x2000x128xf32, #tpu.memory_space<vmem>>, vector<1x2000x128xf32>
    %get3A_3 = vector.shape_cast %get3A_2 : vector<1x2000x128xf32> to vector<2000x128xf32>
    %get3A_4 = arith.constant 1 : index
    %get3A_5 = arith.constant 0 : index
    %get3A_6 = arith.constant 0 : index
    %get3A_7 = vector.load %arg1[%get3A_4, %get3A_5, %get3A_6] : memref<2x2000x128xf32, #tpu.memory_space<vmem>>, vector<1x2000x128xf32>
    %get3A_8 = vector.shape_cast %get3A_7 : vector<1x2000x128xf32> to vector<2000x128xf32>
    %add3A = arith.addf %get3A_3, %get3A_8 : vector<2000x128xf32>
    %get3A_9 = arith.constant 0 : index
    %get3A_10 = arith.constant 0 : index
    %get3A_11 = arith.constant 0 : index
    %get3A_12 = vector.load %arg2[%get3A_9, %get3A_10, %get3A_11] : memref<2x2000x8xf32, #tpu.memory_space<vmem>>, vector<1x2000x8xf32>
    %get3A_13 = vector.shape_cast %get3A_12 : vector<1x2000x8xf32> to vector<2000x8xf32>
    %slice3A = vector.extract_strided_slice %get3A_13 {offsets = [0, 0], sizes = [2000, 1], strides = [1, 1]} : vector<2000x8xf32> to vector<2000x1xf32>
    %get3A_14 = arith.constant 1 : index
    %get3A_15 = arith.constant 0 : index
    %get3A_16 = arith.constant 0 : index
    %get3A_17 = vector.load %arg2[%get3A_14, %get3A_15, %get3A_16] : memref<2x2000x8xf32, #tpu.memory_space<vmem>>, vector<1x2000x8xf32>
    %get3A_18 = vector.shape_cast %get3A_17 : vector<1x2000x8xf32> to vector<2000x8xf32>
    %slice3A_19 = vector.extract_strided_slice %get3A_18 {offsets = [0, 0], sizes = [2000, 1], strides = [1, 1]} : vector<2000x8xf32> to vector<2000x1xf32>
    %add3A_20 = arith.addf %slice3A, %slice3A_19 : vector<2000x1xf32>
    %max3A = arith.constant 1.000000e+00 : f32
    %max3A_21 = vector.broadcast %max3A : f32 to vector<2000x1xf32>
    %max3A_22 = arith.maximumf %add3A_20, %max3A_21 : vector<2000x1xf32>
    %div3A = arith.constant 1.000000e+00 : f32
    %div3A_23 = vector.broadcast %div3A : f32 to vector<2000x1xf32>
    %div3A_24 = arith.divf %div3A_23, %max3A_22 : vector<2000x1xf32>
    %mul3A = vector.broadcast %div3A_24 : vector<2000x1xf32> to vector<2000x128xf32>
    %mul3A_25 = arith.mulf %add3A, %mul3A : vector<2000x128xf32>
    %get3A_26 = arith.constant 0 : index
    %get3A_27 = arith.constant 0 : index
    %get3A_28 = vector.load %arg4[%get3A_26, %get3A_27] : memref<128x128xf32, #tpu.memory_space<vmem>>, vector<128x128xf32>
    %dot_general3A = arith.constant dense<0.000000e+00> : vector<2000x128xf32>
    %dot_general3A_29 = tpu.matmul %mul3A_25, %get3A_28, %dot_general3A {dimension_numbers = #tpu.dot_dimension_numbers<[1], [0], [0], [1], [0, 0, 1, 1], [], []>, transpose_lhs_hint = false} : vector<2000x128xf32>, vector<128x128xf32>, vector<2000x128xf32> -> vector<2000x128xf32>
    %get3A_30 = arith.constant 0 : index
    %get3A_31 = arith.constant 0 : index
    %get3A_32 = vector.load %arg5[%get3A_30, %get3A_31] : memref<1x128xf32, #tpu.memory_space<vmem>>, vector<1x128xf32>
    %add3A_33 = vector.broadcast %get3A_32 : vector<1x128xf32> to vector<2000x128xf32>
    %add3A_34 = arith.addf %dot_general3A_29, %add3A_33 : vector<2000x128xf32>
    %get3A_35 = arith.constant 0 : index
    %get3A_36 = arith.constant 0 : index
    %get3A_37 = vector.load %arg3[%get3A_35, %get3A_36] : memref<2000x128xf32, #tpu.memory_space<vmem>>, vector<2000x128xf32>
    %get3A_38 = arith.constant 0 : index
    %get3A_39 = arith.constant 0 : index
    %get3A_40 = vector.load %arg6[%get3A_38, %get3A_39] : memref<128x128xf32, #tpu.memory_space<vmem>>, vector<128x128xf32>
    %dot_general3A_41 = arith.constant dense<0.000000e+00> : vector<2000x128xf32>
    %dot_general3A_42 = tpu.matmul %get3A_37, %get3A_40, %dot_general3A_41 {dimension_numbers = #tpu.dot_dimension_numbers<[1], [0], [0], [1], [0, 0, 1, 1], [], []>, transpose_lhs_hint = false} : vector<2000x128xf32>, vector<128x128xf32>, vector<2000x128xf32> -> vector<2000x128xf32>
    %add3A_43 = arith.addf %add3A_34, %dot_general3A_42 : vector<2000x128xf32>
    %swap3A = arith.constant 0 : index
    %swap3A_44 = arith.constant 0 : index
    %swap3A_45 = vector.load %arg7[%swap3A, %swap3A_44] : memref<2000x128xf32, #tpu.memory_space<vmem>>, vector<2000x128xf32>
    tpu.vector_store %arg7[%swap3A, %swap3A_44], %add3A_43 {strides = array<i32>} : memref<2000x128xf32, #tpu.memory_space<vmem>>, vector<2000x128xf32>,
    return
  }
  func.func @transform_0(%arg0: i32) -> (i32, i32, i32) {
    %c0_i32 = arith.constant 0 : i32
    %c0_i32_0 = arith.constant 0 : i32
    %c0_i32_1 = arith.constant 0 : i32
    return %c0_i32, %arg0, %c0_i32_0 : i32, i32, i32
  }
  func.func @transform_1(%arg0: i32) -> (i32, i32, i32) {
    %c0_i32 = arith.constant 0 : i32
    %c0_i32_0 = arith.constant 0 : i32
    %c0_i32_1 = arith.constant 0 : i32
    return %c0_i32, %arg0, %c0_i32_0 : i32, i32, i32
  }
  func.func @transform_2(%arg0: i32) -> (i32, i32) {
    %c0_i32 = arith.constant 0 : i32
    %c0_i32_0 = arith.constant 0 : i32
    return %arg0, %c0_i32 : i32, i32
  }
  func.func @transform_3(%arg0: i32) -> (i32, i32) {
    %c0_i32 = arith.constant 0 : i32
    %c0_i32_0 = arith.constant 0 : i32
    %c0_i32_1 = arith.constant 0 : i32
    return %c0_i32, %c0_i32_0 : i32, i32
  }
  func.func @transform_4(%arg0: i32) -> (i32, i32) {
    %c0_i32 = arith.constant 0 : i32
    %c0_i32_0 = arith.constant 0 : i32
    %c0_i32_1 = arith.constant 0 : i32
    return %c0_i32, %c0_i32_0 : i32, i32
  }
  func.func @transform_5(%arg0: i32) -> (i32, i32) {
    %c0_i32 = arith.constant 0 : i32
    %c0_i32_0 = arith.constant 0 : i32
    %c0_i32_1 = arith.constant 0 : i32
    return %c0_i32, %c0_i32_0 : i32, i32
  }
  func.func @transform_6(%arg0: i32) -> (i32, i32) {
    %c0_i32 = arith.constant 0 : i32
    %c0_i32_0 = arith.constant 0 : i32
    return %arg0, %c0_i32 : i32, i32
  }
}

module attributes {stable_mosaic.version = 14 : i64} {
  func.func @body(%arg0: i32, %arg1: memref<2x2000x128xf32, #tpu.memory_space<vmem>>, %arg2: memref<2x2000x8xf32, #tpu.memory_space<vmem>>, %arg3: memref<2000x128xf32, #tpu.memory_space<vmem>>, %arg4: memref<128x128xf32, #tpu.memory_space<vmem>>, %arg5: memref<1x128xf32, #tpu.memory_space<vmem>>, %arg6: memref<128x128xf32, #tpu.memory_space<vmem>>, %arg7: memref<2000x128xf32, #tpu.memory_space<vmem>>) attributes {dimension_semantics = [#tpu.dimension_semantics<arbitrary>], iteration_bounds = array<i64: 5>, scalar_prefetch = 0 : i64, scratch_operands = 0 : i64, tpu.core_type = #tpu.core_type<tc>, window_params = [{transform_indices = @transform_0, window_bounds = array<i64: 2, 2000, 128>}, {transform_indices = @transform_1, window_bounds = array<i64: 2, 2000, 8>}, {transform_indices = @transform_2, window_bounds = array<i64: 2000, 128>}, {pipeline_mode = #tpu.pipeline_mode<synchronous>, transform_indices = @transform_3, window_bounds = array<i64: 128, 128>}, {pipeline_mode = #tpu.pipeline_mode<synchronous>, transform_indices = @transform_4, window_bounds = array<i64: 1, 128>}, {pipeline_mode = #tpu.pipeline_mode<synchronous>, transform_indices = @transform_5, window_bounds = array<i64: 128, 128>}, {transform_indices = @transform_6, window_bounds = array<i64: 2000, 128>}]} {
    %get3A = arith.constant 0 : index
    %get3A_0 = arith.constant 0 : index
    %get3A_1 = arith.constant 0 : index
    %get3A_2 = vector.load %arg1[%get3A, %get3A_0, %get3A_1] : memref<2x2000x128xf32, #tpu.memory_space<vmem>>, vector<1x2000x128xf32>
    %get3A_3 = vector.shape_cast %get3A_2 : vector<1x2000x128xf32> to vector<2000x128xf32>
    %get3A_4 = arith.constant 1 : index
    %get3A_5 = arith.constant 0 : index
    %get3A_6 = arith.constant 0 : index
    %get3A_7 = vector.load %arg1[%get3A_4, %get3A_5, %get3A_6] : memref<2x2000x128xf32, #tpu.memory_space<vmem>>, vector<1x2000x128xf32>
    %get3A_8 = vector.shape_cast %get3A_7 : vector<1x2000x128xf32> to vector<2000x128xf32>
    %add3A = arith.addf %get3A_3, %get3A_8 : vector<2000x128xf32>
    %get3A_9 = arith.constant 0 : index
    %get3A_10 = arith.constant 0 : index
    %get3A_11 = arith.constant 0 : index
    %get3A_12 = vector.load %arg2[%get3A_9, %get3A_10, %get3A_11] : memref<2x2000x8xf32, #tpu.memory_space<vmem>>, vector<1x2000x8xf32>
    %get3A_13 = vector.shape_cast %get3A_12 : vector<1x2000x8xf32> to vector<2000x8xf32>
    %slice3A = vector.extract_strided_slice %get3A_13 {offsets = [0, 0], sizes = [2000, 1], strides = [1, 1]} : vector<2000x8xf32> to vector<2000x1xf32>
    %get3A_14 = arith.constant 1 : index
    %get3A_15 = arith.constant 0 : index
    %get3A_16 = arith.constant 0 : index
    %get3A_17 = vector.load %arg2[%get3A_14, %get3A_15, %get3A_16] : memref<2x2000x8xf32, #tpu.memory_space<vmem>>, vector<1x2000x8xf32>
    %get3A_18 = vector.shape_cast %get3A_17 : vector<1x2000x8xf32> to vector<2000x8xf32>
    %slice3A_19 = vector.extract_strided_slice %get3A_18 {offsets = [0, 0], sizes = [2000, 1], strides = [1, 1]} : vector<2000x8xf32> to vector<2000x1xf32>
    %add3A_20 = arith.addf %slice3A, %slice3A_19 : vector<2000x1xf32>
    %max3A = arith.constant 1.000000e+00 : f32
    %max3A_21 = vector.broadcast %max3A : f32 to vector<2000x1xf32>
    %max3A_22 = arith.maximumf %add3A_20, %max3A_21 : vector<2000x1xf32>
    %div3A = arith.constant 1.000000e+00 : f32
    %div3A_23 = vector.broadcast %div3A : f32 to vector<2000x1xf32>
    %div3A_24 = arith.divf %div3A_23, %max3A_22 : vector<2000x1xf32>
    %mul3A = vector.broadcast %div3A_24 : vector<2000x1xf32> to vector<2000x128xf32>
    %mul3A_25 = arith.mulf %add3A, %mul3A : vector<2000x128xf32>
    %get3A_26 = arith.constant 0 : index
    %get3A_27 = arith.constant 0 : index
    %get3A_28 = vector.load %arg4[%get3A_26, %get3A_27] : memref<128x128xf32, #tpu.memory_space<vmem>>, vector<128x128xf32>
    %dot_general3A = arith.constant dense<0.000000e+00> : vector<2000x128xf32>
    %dot_general3A_29 = tpu.matmul %mul3A_25, %get3A_28, %dot_general3A {dimension_numbers = #tpu.dot_dimension_numbers<[1], [0], [0], [1], [0, 0, 1, 1], [], []>, transpose_lhs_hint = false} : vector<2000x128xf32>, vector<128x128xf32>, vector<2000x128xf32> -> vector<2000x128xf32>
    %get3A_30 = arith.constant 0 : index
    %get3A_31 = arith.constant 0 : index
    %get3A_32 = vector.load %arg5[%get3A_30, %get3A_31] : memref<1x128xf32, #tpu.memory_space<vmem>>, vector<1x128xf32>
    %add3A_33 = vector.broadcast %get3A_32 : vector<1x128xf32> to vector<2000x128xf32>
    %add3A_34 = arith.addf %dot_general3A_29, %add3A_33 : vector<2000x128xf32>
    %get3A_35 = arith.constant 0 : index
    %get3A_36 = arith.constant 0 : index
    %get3A_37 = vector.load %arg3[%get3A_35, %get3A_36] : memref<2000x128xf32, #tpu.memory_space<vmem>>, vector<2000x128xf32>
    %get3A_38 = arith.constant 0 : index
    %get3A_39 = arith.constant 0 : index
    %get3A_40 = vector.load %arg6[%get3A_38, %get3A_39] : memref<128x128xf32, #tpu.memory_space<vmem>>, vector<128x128xf32>
    %dot_general3A_41 = arith.constant dense<0.000000e+00> : vector<2000x128xf32>
    %dot_general3A_42 = tpu.matmul %get3A_37, %get3A_40, %dot_general3A_41 {dimension_numbers = #tpu.dot_dimension_numbers<[1], [0], [0], [1], [0, 0, 1, 1], [], []>, transpose_lhs_hint = false} : vector<2000x128xf32>, vector<128x128xf32>, vector<2000x128xf32> -> vector<2000x128xf32>
    %add3A_43 = arith.addf %add3A_34, %dot_general3A_42 : vector<2000x128xf32>
    %max3A_44 = arith.constant 0.000000e+00 : f32
    %max3A_45 = vector.broadcast %max3A_44 : f32 to vector<2000x128xf32>
    %max3A_46 = arith.maximumf %add3A_43, %max3A_45 : vector<2000x128xf32>
    %swap3A = arith.constant 0 : index
    %swap3A_47 = arith.constant 0 : index
    %swap3A_48 = vector.load %arg7[%swap3A, %swap3A_47] : memref<2000x128xf32, #tpu.memory_space<vmem>>, vector<2000x128xf32>
    tpu.vector_store %arg7[%swap3A, %swap3A_47], %max3A_46 {strides = array<i32>} : memref<2000x128xf32, #tpu.memory_space<vmem>>, vector<2000x128xf32>,
    return
  }
  func.func @transform_0(%arg0: i32) -> (i32, i32, i32) {
    %c0_i32 = arith.constant 0 : i32
    %c0_i32_0 = arith.constant 0 : i32
    %c0_i32_1 = arith.constant 0 : i32
    return %c0_i32, %arg0, %c0_i32_0 : i32, i32, i32
  }
  func.func @transform_1(%arg0: i32) -> (i32, i32, i32) {
    %c0_i32 = arith.constant 0 : i32
    %c0_i32_0 = arith.constant 0 : i32
    %c0_i32_1 = arith.constant 0 : i32
    return %c0_i32, %arg0, %c0_i32_0 : i32, i32, i32
  }
  func.func @transform_2(%arg0: i32) -> (i32, i32) {
    %c0_i32 = arith.constant 0 : i32
    %c0_i32_0 = arith.constant 0 : i32
    return %arg0, %c0_i32 : i32, i32
  }
  func.func @transform_3(%arg0: i32) -> (i32, i32) {
    %c0_i32 = arith.constant 0 : i32
    %c0_i32_0 = arith.constant 0 : i32
    %c0_i32_1 = arith.constant 0 : i32
    return %c0_i32, %c0_i32_0 : i32, i32
  }
  func.func @transform_4(%arg0: i32) -> (i32, i32) {
    %c0_i32 = arith.constant 0 : i32
    %c0_i32_0 = arith.constant 0 : i32
    %c0_i32_1 = arith.constant 0 : i32
    return %c0_i32, %c0_i32_0 : i32, i32
  }
  func.func @transform_5(%arg0: i32) -> (i32, i32) {
    %c0_i32 = arith.constant 0 : i32
    %c0_i32_0 = arith.constant 0 : i32
    %c0_i32_1 = arith.constant 0 : i32
    return %c0_i32, %c0_i32_0 : i32, i32
  }
  func.func @transform_6(%arg0: i32) -> (i32, i32) {
    %c0_i32 = arith.constant 0 : i32
    %c0_i32_0 = arith.constant 0 : i32
    return %arg0, %c0_i32 : i32, i32
  }
}

</mosaic_0001>

<sc_bundles>
// kernel: kernel.6.cloned.1.call-start
scs
__scs_entry_jumppad:
0x0: {  	(pc) =	sbr.rel $0x88, $3  }
0x1: {  	(tag) =	ssettag $0x0;
	lr =	simm.s32 $0x1  }
0x2: {  	[smem:$0x3F99] =	sst lr;
	_ =	strace $0xD0000000  }
0x3: {  	_ = 	snop  }
0x4: {  	_ = 	snop  }
0x5: {  	_ = 	snop  }
0x6: {  	_ = 	snop  }
0x7: {  	_ = 	snop  }
__scs_overlays_trampoline_lowered:
0x8: {  	[smem:$0x3FA8] =	sst s0  }
0x9: {  	[smem:$0x3FA9] =	sst s1  }
0xa: {  	[smem:$0x3FAA] =	sst s2  }
0xb: {  	[smem:$0x3FAB] =	sst s3  }
0xc: {  	[smem:$0x3FAC] =	sst s4  }
0xd: {  	[smem:$0x3FAD] =	sst s5  }
0xe: {  	[smem:$0x3FAE] =	sst s6  }
0xf: {  	[smem:$0x3FAF] =	sst s7  }
0x10: {  	[smem:$0x3FB0] =	sst s8  }
0x11: {  	[smem:$0x3FB1] =	sst s9;
	s0 =	simm.s32 @!p0 $0x0  }
0x12: {  	s1 =	sld [smem:$0x3F97];
	s0 =	simm.s32 @p0 $0x1  }
0x13: {  	[smem:$0x3FB2] =	sst s0;
	s0 =	simm.s32 @!p1 $0x0  }
0x14: {  	s2 =	sld [smem:$0x3F96];
	s0 =	simm.s32 @p1 $0x1  }
0x15: {  	[smem:$0x3FB3] =	sst s0;
	s0 =	simm.s32 @!p2 $0x0  }
0x16: {  	s3 =	sld [smem:$0x3FDB];
	s0 =	simm.s32 @p2 $0x1  }
0x17: {  	s4 =	simm.s32 $0x1BF5;
	[smem:$0x3FB5] =	sst s0  }
0x18: {  	s0 =	sld [smem:$0x3F98];
	_ =	swait.ge [sflag:s4], $0x0  }
0x19: {  	s7 =	sld [smem:$0x3F99]  }
0x1a: {  	s8 =	sadd.s32 $0xFFFFE003, lr  }
0x1b: {  	s9 =	sadd.s32 $0xFFFFFEF7, lr;
	s5 =	simm.s32 $0xFFFFFFFF;
	p2 =	slt.u32 s8, $0xFFFFF086  }
0x1c: {  	p1 =	slt.u32 s9, $0xF7A;
	s5 =	simm.s32 @!p2 $0x0  }
0x1d: {  	s5 =	simm.s32 @p1 $0x1;
	p0 =	seq.s32 s7, s2  }
0x1e: {  	s7 =	smul.u32 @!p0 $0xF7A, s2;
	p2 =	seq.s32 @!p0 s5, $0x0  }
0x1f: {  	s9 =	smul.u32 $0xF7A, s1;
	s8 =	simm.s32 @!p0 $0x1BF5;
	p2 =	por !p2, p0  }
0x20: {  	[sflag:s8] =	ssyncset.s32 @!p0 $0xFFFFF086;
	s6 =	sadd.s32 @!p0 s3, s7;
	s7 =	simm.s32 @!p0 $0x108  }
0x21: {  	s3 =	sadd.s32 s3, s9;
	s6 =	sadd.s32 @!p0 $0x88, s6;
	s7 =	simm.s32 @p2 $0x1082  }
0x22: {  	[simem:s7], [sflag:s8] =	dma.local @!p0 [hbm:s6], $0xF7A  }
0x23: {  	s9 =	sor.u32 $0xD0000000, s2;
	s6 =	simm.s32 $0x108;
	_ =	swait.ge @!p0 [sflag:s8], $0x0  }
0x24: {  	s3 =	sadd.s32 $0x88, s3;
	s6 =	simm.s32 @!p1 $0x1082;
	[sflag:s4] =	ssyncset.s32 $0xFFFFF086  }
0x25: {  	[simem:s6], [sflag:s4] =	dma.local [hbm:s3], $0xF7A  }
0x26: {  	[smem:$0x3F99] =	sst s1;
	(tag) =	ssettag s2;
	_ =	strace s9  }
0x27: {  	s1 =	sld [smem:$0x3FA9]  }
0x28: {  	s2 =	sld [smem:$0x3FAA]  }
0x29: {  	s4 =	sld [smem:$0x3FAC]  }
0x2a: {  	p0 =	seq.s32 s5, $0x0;
	s5 =	sld [smem:$0x3FAD]  }
0x2b: {  	s6 =	sld [smem:$0x3FAE]  }
0x2c: {  	s7 =	sld [smem:$0x3FAF]  }
0x2d: {  	s3 =	simm.s32 $0x108;
	s8 =	sld [smem:$0x3FB0]  }
0x2e: {  	s3 =	simm.s32 @!p0 $0x1082;
	s9 =	sld [smem:$0x3FB1]  }
0x2f: {  	lr =	sadd.s32 s0, s3;
	s0 =	sld [smem:$0x3FA8]  }
0x30: {  	s3 =	sld [smem:$0x3FAB]  }
0x31: {  	[smem:$0x3FB4] =	sst s10  }
0x32: {  	s10 =	sld [smem:$0x3FB2];
	_ =	sdelay $0x3  }
0x33: {  	p0 =	seq.s32 s10, $0x1;
	s10 =	sld [smem:$0x3FB4];
	_ =	sdelay $0x3  }
0x34: {  	[smem:$0x3FB4] =	sst s10  }
0x35: {  	s10 =	sld [smem:$0x3FB3];
	_ =	sdelay $0x3  }
0x36: {  	p1 =	seq.s32 s10, $0x1;
	s10 =	sld [smem:$0x3FB4];
	_ =	sdelay $0x3  }
0x37: {  	[smem:$0x3FB4] =	sst s10  }
0x38: {  	s10 =	sld [smem:$0x3FB5]  }
0x39: {  	_ = 	snop;
	(pc) =	sbr.ind lr, $3  }
0x3a: {  	_ = 	snop  }
0x3b: {  	_ = 	snop  }
0x3c: {  	p2 =	seq.s32 s10, $0x1;
	s10 =	sld [smem:$0x3FB4]  }
0x3d: {  	_ =	shalt  }
0x3e: {  	_ =	shalt  }
0x3f: {  	_ =	shalt  }
0x40: {  	_ =	shalt  }
0x41: {  	_ =	shalt  }
0x42: {  	_ =	shalt  }
0x43: {  	_ =	shalt  }
0x44: {  	_ =	shalt  }
0x45: {  	_ =	shalt  }
0x46: {  	_ =	shalt  }
0x47: {  	_ =	shalt  }
0x48: {  	_ =	shalt  }
0x49: {  	_ =	shalt  }
0x4a: {  	_ =	shalt  }
0x4b: {  	_ =	shalt  }
0x4c: {  	_ =	shalt  }
0x4d: {  	_ =	shalt  }
0x4e: {  	_ =	shalt  }
0x4f: {  	_ =	shalt  }
0x50: {  	_ =	shalt  }
0x51: {  	_ =	shalt  }
0x52: {  	_ =	shalt  }
0x53: {  	_ =	shalt  }
0x54: {  	_ =	shalt  }
0x55: {  	_ =	shalt  }
0x56: {  	_ =	shalt  }
0x57: {  	_ =	shalt  }
0x58: {  	_ =	shalt  }
0x59: {  	_ =	shalt  }
0x5a: {  	_ =	shalt  }
0x5b: {  	_ =	shalt  }
0x5c: {  	_ =	shalt  }
0x5d: {  	_ =	shalt  }
0x5e: {  	_ =	shalt  }
0x5f: {  	_ =	shalt  }
0x60: {  	_ =	shalt  }
0x61: {  	_ =	shalt  }
0x62: {  	_ =	shalt  }
0x63: {  	_ =	shalt  }
0x64: {  	_ =	shalt  }
0x65: {  	_ =	shalt  }
0x66: {  	_ =	shalt  }
0x67: {  	_ =	shalt  }
0x68: {  	_ =	shalt  }
0x69: {  	_ =	shalt  }
0x6a: {  	_ =	shalt  }
0x6b: {  	_ =	shalt  }
0x6c: {  	_ =	shalt  }
0x6d: {  	_ =	shalt  }
0x6e: {  	_ =	shalt  }
0x6f: {  	_ =	shalt  }
0x70: {  	_ =	shalt  }
0x71: {  	_ =	shalt  }
0x72: {  	_ =	shalt  }
0x73: {  	_ =	shalt  }
0x74: {  	_ =	shalt  }
0x75: {  	_ =	shalt  }
0x76: {  	_ =	shalt  }
0x77: {  	_ =	shalt  }
0x78: {  	_ =	shalt  }
0x79: {  	_ =	shalt  }
0x7a: {  	_ =	shalt  }
0x7b: {  	_ =	shalt  }
0x7c: {  	_ =	shalt  }
0x7d: {  	_ =	shalt  }
0x7e: {  	_ =	shalt  }
0x7f: {  	_ =	shalt  }
0x80: {  	_ =	shalt  }
0x81: {  	_ =	shalt  }
0x82: {  	_ =	shalt  }
0x83: {  	_ =	shalt  }
0x84: {  	_ =	shalt  }
0x85: {  	_ =	shalt  }
0x86: {  	_ =	shalt  }
0x87: {  	_ =	shalt  }
.Lfunc_end0:
.L_simem_size_0:
called_computation_lowered:
.L_overlay_start_0:
0x88: {  	s2 =	sld [smem:$0x3FD9]  }
0x89: {  	s3 =	sld [smem:$0x3FFE];
	_ =	sdelay $0x1  }
0x8a: {  	s1 =	srdreg.scid  }
0x8b: {  	s0 =	sand.u32 $0x1, s1  }
0x8c: {  	s17 =	sshll.u32 s0, $0xA;
	s2 =	sadd.s32 s3, s2  }
0x8d: {  	s2 =	sadd.s32 s2, s17  }
0x8e: {  	[smem:$0x3FC0] =	sst s2  }
0x8f: {  	_ = 	snop  }
0x90: {  	s2 =	sld [smem:$0x3FC9]  }
0x91: {  	s18 =	sld [smem:$0x3FD0];
	(tm) =	ssettm $0x1  }
0x92: {  	s4 =	sld [smem:$0x3FFB];
	_ =	sdelay $0x3  }
0x93: {  	_ =	strace s4  }
0x94: {  	s4 =	sld [smem:$0x3FFC];
	_ =	sdelay $0x3  }
0x95: {  	_ =	strace s4  }
0x96: {  	s4 =	sld [smem:$0x3FFD];
	_ =	sdelay $0x3  }
0x97: {  	_ =	strace s4  }
0x98: {  	_ =	strace $0x8FFFFFFF  }
0x99: {  	s19 =	sld [smem:$0x3FDB];
	_ =	sdelay $0x1  }
0x9a: {  	s5 =	simm.s32 $_scs_section_size  }
0x9b: {  	s6 =	simm.s32 $_size__tile_overlayer_lowered;
	s7 =	simm.s32 $_tile_overlayer_lowered  }
0x9c: {  	s22 =	simm.s32 $0x1BFF;
	s21 =	sshll.u32 s7, $0x1;
	s4 =	sadd.s32 s5, s19  }
0x9d: {  	s8 =	simm.s32 $0x0;
	s20 =	sshll.u32 s6, $0x1;
	s6 =	sadd.s32 s21, s4  }
0x9e: {  	[timem:s8], [sflag:s22] =	dma.local [hbm:s6], s20  }
0x9f: {  	_ =	swait.ge [sflag:s22], s20  }
0xa0: {  	s5 =	ssub.s32 $0x0, s20;
	[sflag:s22] =	ssyncset.done $0x0  }
0xa1: {  	[sflag:s22] =	ssyncadd.s32 s5;
	_ =	sdelay $0x1  }
0xa2: {  	s23 =	simm.s32 $0x1B8B  }
0xa3: {  	_ =	swait.ge [sflag:s23], $0x1  }
0xa4: {  	[sflag:s23] =	ssyncset.done $0x0  }
0xa5: {  	s25 =	simm.s32 $0x1B8E;
	s24 =	sld [smem:$0x3FFE];
	[sflag:s23] =	ssyncadd.s32 $0xFFFFFFFF  }
0xa6: {  	s26 =	simm.s32 $execute0_lowered;
	[smem:$0x3FD2] =	sst s25  }
0xa7: {  	s6 =	sshll.u32 s26, $0x1;
	_ =	strace $0x80000046;
	[dreg:$0x1] =	wrdreg $0xFFFFFFFF  }
0xa8: {  	s28 =	simm.s32 $_size_execute0_lowered;
	s4 =	sadd.s32 s4, s6;
	[dreg:$0x0] =	wrdreg $0x0  }
0xa9: {  	s6 =	sshll.u32 s28, $0x1;
	[dreg:$0x2] =	wrdreg s4  }
0xaa: {  	[dreg:$0x3] =	wrdreg s6  }
0xab: {  	[dreg:$0x4] =	wrdreg $0xC0  }
0xac: {  	_ =	task [dreg:s8], $0x5FFFF  }
0xad: {  	[dreg:$0x1] =	wrdreg $0xFFFFFFFF  }
0xae: {  	[dreg:$0x0] =	wrdreg $0x60  }
0xaf: {  	[dreg:$0x2] =	wrdreg s2  }
0xb0: {  	[dreg:$0x3] =	wrdreg s24  }
0xb1: {  	[dreg:$0x4] =	wrdreg s18  }
0xb2: {  	[dreg:$0x5] =	wrdreg $0xB3600  }
0xb3: {  	[dreg:$0x6] =	wrdreg $0x1EBE00  }
0xb4: {  	[dreg:$0x7] =	wrdreg $0x9  }
0xb5: {  	_ =	task.clear_ibuf [dreg:s8], $0x8FFFF;
	_ =	strace $0x90000046  }
0xb6: {  	s29 =	simm.s32 $0x9;
	_ =	strace $0x80000048  }
0xb7: {  	_ =	swait.ge [sflag:s29], $0x1  }
0xb8: {  	[sflag:s29] =	ssyncadd.s32 $0xFFFFFFFF  }
0xb9: {  	_ =	strace $0x90000048  }
0xba: {  	_ =	sfence  }
0xbb: {  	s30 =	sld [smem:$0x0];
	_ =	sdelay $0x2  }
0xbc: {  	s31 =	sshll.u32 s1, $0xD;
	s1 =	sshrl.u32 s1, $0x2  }
0xbd: {  	s3 =	sand.u32 $0x4000, s31;
	s1 =	sadd.s32 s1, s30  }
0xbe: {  	s0 =	sor.u32 s3, s0;
	s1 =	sshll.u32 s1, $0x11  }
0xbf: {  	s0 =	sor.u32 s1, s0  }
0xc0: {  	s0 =	sadd.s32 $0x8F2B, s0  }
0xc1: {  	[sflag:s0] =	ssyncadd.remote.s32 $0x1  }
0xc2: {  	_ =	sfence.sel $0xFFFF  }
0xc3: {  	[dreg:$0x0] =	wrdreg $0xFFFFFFFF;
	(pc) =	sbr.abs _section_cstart, $3  }
0xc4: {  	[dreg:$0x1] =	wrdreg $0xFFFFFFFF  }
0xc5: {  	_ =	task.clear_ibuf [dreg:s8], $0x2FFFF;
	_ =	strace $0x9FFFFFFF  }
0xc6: {  	(tm) =	ssettm $0x7FFFFFFF  }
0xc7: {  	_ =	shalt  }
tec
execute0_lowered:
.L_overlay_start_1:
0x0: {  	(tag) =	ssettag $0x1  }
0x1: {  	s1 =	rddreg [dreg:$0x0]  }
0x2: {  	s0 =	srdreg.scid;
	s2 =	rddreg [dreg:$0x1]  }
0x3: {  	s14 =	stileid.u32;
	s6 =	rddreg [dreg:$0x2]  }
0x4: {  	s5 =	simm.s32 $0x0;
	s16 =	simm.s32 $0xB;
	s17 =	simm.s32 $0x2710  }
0x5: {  	s19 =	simm.s32 $0xB220;
	s28 =	simm.s32 $0x8A20;
	s29 =	simm.s32 $0x2  }
0x6: {  	s31 =	simm.s32 $0x4;
	s0 =	sand.u32 $0x1, s0;
	s9 =	smul.u32 $0x1388, s14  }
0x7: {  	s8 =	smul.u32 $0x13880, s14;
	[smem:$0x7FF] =	sst s5;
	s13 =	sadd.s32 $0x18A00, s2  }
0x8: {  	s22 =	sshll.u32 s14, $0x6;
	s3 =	sshll.u32 s0, $0x4;
	s10 =	smul.u32 $0x138800, s0  }
0x9: {  	s12 =	smul.u32 $0x13880, s0;
	s0 =	ssub.s32 $0x2, s0;
	s4 =	sor.u32 s14, s3  }
0xa: {  	s3 =	rddreg [dreg:$0x3];
	s11 =	sshrl.u32 s9, $0x3;
	s20 =	sshrl.u32 s0, $0x1  }
0xb: {  	s14 =	simm.s32 $0x0;
	s7 =	smul.u32 $0x4E2, s4;
	s4 =	rddreg [dreg:$0x4]  }
0xc: {  	_ =	strace $0x80000047;
	s11 =	sadd.s32 s11, s2;
	[dreg:$0x6] =	wrdreg s13  }
0xd: {  	s10 =	sadd.s32 s8, s10;
	s12 =	sadd.s32 s9, s12;
	s0 =	ssub.s32 s0, s20  }
0xe: {  	s21 =	sadd.s32 s8, s3;
	s8 =	sshrl.u32 s8, $0x3;
	s20 =	simm.s32 $0x28  }
0xf: {  	s13 =	simm.s32 $0xA;
	s10 =	sshrl.u32 s10, $0x3;
	s12 =	sshrl.u32 s12, $0x3  }
0x10: {  	s6 =	sadd.s32 s6, s8;
	s8 =	sor.u32 $0x1C0B, s22;
	s25 =	sadd.s32 s9, s4  }
0x11: {  	s26 =	sadd.s32 $0x16200, s11;
	s0 =	smax.u32 s0, $0x1;
	s15 =	sshrl.u32 s21, $0x3  }
0x12: {  	s21 =	simm.s32 $0x4E20;
	s22 =	simm.s32 $0x6220;
	s9 =	simm.s32 $0x5  }
0x13: {  	s11 =	simm.s32 $0x8;
	s7 =	sadd.s32 s7, s2;
	[dreg:$0x7] =	wrdreg s6  }
0x14: {  	s10 =	sadd.s32 s10, s2;
	s2 =	sadd.s32 s12, s2;
	[dreg:$0xa] =	wrdreg s26  }
0x15: {  	[dreg:$0xd] =	wrdreg s0;
	s18 =	sshrl.u32 s25, $0x3;
	s25 =	simm.s32 $0x1  }
0x16: {  	s0 =	simm.s32 $0x3;
	s26 =	simm.s32 $0x6;
	s23 =	sadd.s32 $0xC400, s7  }
0x17: {  	s12 =	simm.s32 $0x9;
	s24 =	sadd.s32 $0x2600, s7;
	[dreg:$0x8] =	wrdreg s23  }
0x18: {  	s30 =	sadd.s32 $0x1DC00, s10;
	s2 =	sadd.s32 $0x18C00, s2;
	[dreg:$0x9] =	wrdreg s24  }
0x19: {  	s7 =	simm.s32 $0x7;
	s10 =	simm.s32 $0x4DF8;
	[dreg:$0xb] =	wrdreg s30  }
0x1a: {  	[dreg:$0xc] =	wrdreg s2;
	s24 =	simm.s32 $0x7620;
	s2 =	simm.s32 $0x9E20  }
.LBB2_1:
0x1b: {  	s6 =	rddreg [dreg:$0x7]  }
0x1c: {  	[spmem:s15], [sflag:s8] =	dma.local [hbm:s6], $0x2710  }
0x1d: {  	_ =	swait.ge [sflag:s16], $0x2710  }
0x1e: {  	[sflag:s16] =	ssyncset.done $0x0  }
0x1f: {  	s23 =	rddreg [dreg:$0x8];
	[sflag:s16] =	ssyncadd.s32 $0xFFFFD8F0  }
0x20: {  	[tilespmem:s5], [sflag:$0xB] =	stream.linear.gather [hbm4b:s23+s5], $0x2710, $0x38;
	[tilespmem:$0x1FF68] =	vst v63  }
0x21: {  	_ =	swait.ge [sflag:s16], $0x2710  }
0x22: {  	[sflag:s16] =	ssyncset.done $0x0  }
0x23: {  	s23 =	rddreg [dreg:$0x9];
	[sflag:s16] =	ssyncadd.s32 $0xFFFFD8F0  }
0x24: {  	[tilespmem:s17], [sflag:$0xB] =	stream.linear.gather [hbm4b:s23+s5], $0x2710, $0x38;
	[tilespmem:$0x1FF68] =	vst v63  }
0x25: {  	_ =	swait.ge [sflag:s16], $0x2710  }
0x26: {  	[sflag:s16] =	ssyncset.done $0x0  }
0x27: {  	s23 =	rddreg [dreg:$0xa];
	[sflag:s16] =	ssyncadd.s32 $0xFFFFD8F0  }
0x28: {  	[spmem:s18], [sflag:s8] =	dma.local [hbm:s23], $0x271  }
0x29: {  	_ =	swait.ge [sflag:s16], $0x271  }
0x2a: {  	[sflag:s16] =	ssyncset.done $0x0  }
0x2b: {  	s23 =	rddreg [dreg:$0x6];
	[sflag:s16] =	ssyncadd.s32 $0xFFFFFD8F  }
0x2c: {  	[tilespmem:s19], [sflag:$0xB] =	stream.linear.gather [hbm4b:s23+s5], $0x140, $0x38;
	[tilespmem:$0x1FF68] =	vst v63  }
0x2d: {  	_ =	swait.ge [sflag:s16], $0x140  }
0x2e: {  	[sflag:s16] =	ssyncset.done $0x0  }
0x2f: {  	[sflag:s16] =	ssyncadd.s32 $0xFFFFFEC0  }
0x30: {  	[bflag:$0x0] =	sbarrier.arrive $0xFFFF  }
0x31: {  	[tilespmem:s21], [sflag:$0x1] =	stream.indirect.gather [hbm4b:s1+s20], $0x80, s5, s20, $0xb8;
	[tilespmem:$0x1FF68] =	vst v63  }
0x32: {  	_ = 	snop  }
0x33: {  	[tilespmem:s22], [sflag:$0x2] =	stream.indirect.gather [hbm4b:s1+s20], $0x80, s20, s20, $0xb8;
	[tilespmem:$0x1FF68] =	vst v63  }
0x34: {  	s23 =	simm.s32 $0x50  }
0x35: {  	[tilespmem:s24], [sflag:$0x3] =	stream.indirect.gather [hbm4b:s1+s20], $0x80, s23, s20, $0xb8;
	[tilespmem:$0x1FF68] =	vst v63  }
0x36: {  	_ =	swait.ge [sflag:s25], $0x1400  }
0x37: {  	[sflag:s25] =	ssyncset.done $0x0  }
0x38: {  	[sflag:s25] =	ssyncadd.s32 $0xFFFFEC00  }
0x39: {  	[spmem:s3] =	stream.indirect.scatter.add.f32 [tilespmem:s21], [sflag:$0x6], $0x80, s17, s20, $0xb8;
	[tilespmem:$0x1FF68] =	vst v63  }
0x3a: {  	_ = 	snop  }
0x3b: {  	[spmem:s4] =	stream.indirect.scatter.add.f32 [tilespmem:s19], [sflag:$0xB], $0x8, s17, s20, $0xb8;
	[tilespmem:$0x1FF68] =	vst v63  }
0x3c: {  	_ =	swait.ge [sflag:s16], $0x140  }
0x3d: {  	[sflag:s16] =	ssyncset.done $0x0  }
0x3e: {  	s23 =	simm.s32 $0x78;
	[sflag:s16] =	ssyncadd.s32 $0xFFFFFEC0  }
0x3f: {  	[tilespmem:s28], [sflag:$0x4] =	stream.indirect.gather [hbm4b:s1+s20], $0x80, s23, s20, $0xb8;
	[tilespmem:$0x1FF68] =	vst v63  }
0x40: {  	_ =	swait.ge [sflag:s29], $0x1400  }
0x41: {  	[sflag:s29] =	ssyncset.done $0x0  }
0x42: {  	s23 =	simm.s32 $0x2738;
	[sflag:s29] =	ssyncadd.s32 $0xFFFFEC00  }
0x43: {  	[spmem:s3] =	stream.indirect.scatter.add.f32 [tilespmem:s22], [sflag:$0x7], $0x80, s23, s20, $0xb8;
	[tilespmem:$0x1FF68] =	vst v63  }
0x44: {  	_ = 	snop  }
0x45: {  	[spmem:s4] =	stream.indirect.scatter.add.f32 [tilespmem:s19], [sflag:$0xB], $0x8, s23, s20, $0xb8;
	[tilespmem:$0x1FF68] =	vst v63  }
0x46: {  	_ =	swait.ge [sflag:s16], $0x140  }
0x47: {  	[sflag:s16] =	ssyncset.done $0x0  }
0x48: {  	s23 =	simm.s32 $0xA0;
	[sflag:s16] =	ssyncadd.s32 $0xFFFFFEC0  }
0x49: {  	[tilespmem:s2], [sflag:$0x5] =	stream.indirect.gather [hbm4b:s1+s20], $0x80, s23, s20, $0xb8;
	[tilespmem:$0x1FF68] =	vst v63  }
0x4a: {  	_ =	swait.ge [sflag:s0], $0x1400  }
0x4b: {  	[sflag:s0] =	ssyncset.done $0x0  }
0x4c: {  	s23 =	simm.s32 $0x2760;
	[sflag:s0] =	ssyncadd.s32 $0xFFFFEC00  }
0x4d: {  	[spmem:s3] =	stream.indirect.scatter.add.f32 [tilespmem:s24], [sflag:$0x8], $0x80, s23, s20, $0xb8;
	[tilespmem:$0x1FF68] =	vst v63  }
0x4e: {  	_ = 	snop  }
0x4f: {  	[spmem:s4] =	stream.indirect.scatter.add.f32 [tilespmem:s19], [sflag:$0xB], $0x8, s23, s20, $0xb8;
	[tilespmem:$0x1FF68] =	vst v63  }
0x50: {  	_ =	swait.ge [sflag:s16], $0x140  }
0x51: {  	[sflag:s16] =	ssyncset.done $0x0  }
0x52: {  	[sflag:s16] =	ssyncadd.s32 $0xFFFFFEC0  }
0x53: {  	_ =	swait.ge [sflag:s26], $0x1400  }
0x54: {  	[sflag:s26] =	ssyncset.done $0x0  }
0x55: {  	s23 =	simm.s32 $0xC8;
	[sflag:s26] =	ssyncadd.s32 $0xFFFFEC00  }
0x56: {  	[tilespmem:s21], [sflag:$0x1] =	stream.indirect.gather [hbm4b:s1+s20], $0x80, s23, s20, $0xb8;
	[tilespmem:$0x1FF68] =	vst v63  }
0x57: {  	_ =	swait.ge [sflag:s31], $0x1400  }
0x58: {  	[sflag:s31] =	ssyncset.done $0x0  }
0x59: {  	s23 =	simm.s32 $0x2788;
	[sflag:s31] =	ssyncadd.s32 $0xFFFFEC00  }
0x5a: {  	[spmem:s3] =	stream.indirect.scatter.add.f32 [tilespmem:s28], [sflag:$0x9], $0x80, s23, s20, $0xb8;
	[tilespmem:$0x1FF68] =	vst v63  }
0x5b: {  	_ = 	snop  }
0x5c: {  	[spmem:s4] =	stream.indirect.scatter.add.f32 [tilespmem:s19], [sflag:$0xB], $0x8, s23, s20, $0xb8;
	[tilespmem:$0x1FF68] =	vst v63  }
0x5d: {  	_ =	swait.ge [sflag:s16], $0x140  }
0x5e: {  	[sflag:s16] =	ssyncset.done $0x0  }
0x5f: {  	[sflag:s16] =	ssyncadd.s32 $0xFFFFFEC0  }
0x60: {  	_ =	swait.ge [sflag:s7], $0x1400  }
0x61: {  	[sflag:s7] =	ssyncset.done $0x0  }
0x62: {  	s23 =	simm.s32 $0xF0;
	[sflag:s7] =	ssyncadd.s32 $0xFFFFEC00  }
0x63: {  	[tilespmem:s22], [sflag:$0x2] =	stream.indirect.gather [hbm4b:s1+s20], $0x80, s23, s20, $0xb8;
	[tilespmem:$0x1FF68] =	vst v63  }
0x64: {  	_ =	swait.ge [sflag:s9], $0x1400  }
0x65: {  	[sflag:s9] =	ssyncset.done $0x0  }
0x66: {  	s23 =	simm.s32 $0x27B0;
	[sflag:s9] =	ssyncadd.s32 $0xFFFFEC00  }
0x67: {  	[spmem:s3] =	stream.indirect.scatter.add.f32 [tilespmem:s2], [sflag:$0xA], $0x80, s23, s20, $0xb8;
	[tilespmem:$0x1FF68] =	vst v63  }
0x68: {  	_ = 	snop  }
0x69: {  	[spmem:s4] =	stream.indirect.scatter.add.f32 [tilespmem:s19], [sflag:$0xB], $0x8, s23, s20, $0xb8;
	[tilespmem:$0x1FF68] =	vst v63  }
0x6a: {  	_ =	swait.ge [sflag:s16], $0x140  }
0x6b: {  	[sflag:s16] =	ssyncset.done $0x0  }
0x6c: {  	[sflag:s16] =	ssyncadd.s32 $0xFFFFFEC0  }
0x6d: {  	_ =	swait.ge [sflag:s11], $0x1400  }
0x6e: {  	[sflag:s11] =	ssyncset.done $0x0  }
0x6f: {  	s23 =	simm.s32 $0x118;
	[sflag:s11] =	ssyncadd.s32 $0xFFFFEC00  }
0x70: {  	[tilespmem:s24], [sflag:$0x3] =	stream.indirect.gather [hbm4b:s1+s20], $0x80, s23, s20, $0xb8;
	[tilespmem:$0x1FF68] =	vst v63  }
0x71: {  	_ =	swait.ge [sflag:s25], $0x1400  }
0x72: {  	[sflag:s25] =	ssyncset.done $0x0  }
0x73: {  	s23 =	simm.s32 $0x27D8;
	[sflag:s25] =	ssyncadd.s32 $0xFFFFEC00  }
0x74: {  	[spmem:s3] =	stream.indirect.scatter.add.f32 [tilespmem:s21], [sflag:$0x6], $0x80, s23, s20, $0xb8;
	[tilespmem:$0x1FF68] =	vst v63  }
0x75: {  	_ = 	snop  }
0x76: {  	[spmem:s4] =	stream.indirect.scatter.add.f32 [tilespmem:s19], [sflag:$0xB], $0x8, s23, s20, $0xb8;
	[tilespmem:$0x1FF68] =	vst v63  }
0x77: {  	_ =	swait.ge [sflag:s16], $0x140  }
0x78: {  	[sflag:s16] =	ssyncset.done $0x0  }
0x79: {  	[sflag:s16] =	ssyncadd.s32 $0xFFFFFEC0  }
0x7a: {  	_ =	swait.ge [sflag:s12], $0x1400  }
0x7b: {  	[sflag:s12] =	ssyncset.done $0x0  }
0x7c: {  	s6 =	simm.s32 $0x140;
	[sflag:s12] =	ssyncadd.s32 $0xFFFFEC00  }
0x7d: {  	[tilespmem:s28], [sflag:$0x4] =	stream.indirect.gather [hbm4b:s1+s20], $0x80, s6, s20, $0xb8;
	[tilespmem:$0x1FF68] =	vst v63  }
0x7e: {  	_ =	swait.ge [sflag:s29], $0x1400  }
0x7f: {  	[sflag:s29] =	ssyncset.done $0x0  }
0x80: {  	s6 =	simm.s32 $0x2800;
	[sflag:s29] =	ssyncadd.s32 $0xFFFFEC00  }
0x81: {  	[spmem:s3] =	stream.indirect.scatter.add.f32 [tilespmem:s22], [sflag:$0x7], $0x80, s6, s20, $0xb8;
	[tilespmem:$0x1FF68] =	vst v63  }
0x82: {  	_ = 	snop  }
0x83: {  	[spmem:s4] =	stream.indirect.scatter.add.f32 [tilespmem:s19], [sflag:$0xB], $0x8, s6, s20, $0xb8;
	[tilespmem:$0x1FF68] =	vst v63  }
0x84: {  	_ =	swait.ge [sflag:s16], $0x140  }
0x85: {  	[sflag:s16] =	ssyncset.done $0x0  }
0x86: {  	[sflag:s16] =	ssyncadd.s32 $0xFFFFFEC0  }
0x87: {  	_ =	swait.ge [sflag:s13], $0x1400  }
0x88: {  	[sflag:s13] =	ssyncset.done $0x0  }
0x89: {  	s6 =	simm.s32 $0x168;
	[sflag:s13] =	ssyncadd.s32 $0xFFFFEC00  }
0x8a: {  	[tilespmem:s2], [sflag:$0x5] =	stream.indirect.gather [hbm4b:s1+s20], $0x80, s6, s20, $0xb8;
	[tilespmem:$0x1FF68] =	vst v63  }
0x8b: {  	_ =	swait.ge [sflag:s0], $0x1400  }
0x8c: {  	[sflag:s0] =	ssyncset.done $0x0  }
0x8d: {  	s6 =	simm.s32 $0x2828;
	[sflag:s0] =	ssyncadd.s32 $0xFFFFEC00  }
0x8e: {  	[spmem:s3] =	stream.indirect.scatter.add.f32 [tilespmem:s24], [sflag:$0x8], $0x80, s6, s20, $0xb8;
	[tilespmem:$0x1FF68] =	vst v63  }
0x8f: {  	_ = 	snop  }
0x90: {  	[spmem:s4] =	stream.indirect.scatter.add.f32 [tilespmem:s19], [sflag:$0xB], $0x8, s6, s20, $0xb8;
	[tilespmem:$0x1FF68] =	vst v63  }
0x91: {  	_ =	swait.ge [sflag:s16], $0x140  }
0x92: {  	[sflag:s16] =	ssyncset.done $0x0  }
0x93: {  	[sflag:s16] =	ssyncadd.s32 $0xFFFFFEC0  }
0x94: {  	_ =	swait.ge [sflag:s26], $0x1400  }
0x95: {  	[sflag:s26] =	ssyncset.done $0x0  }
0x96: {  	s6 =	simm.s32 $0x190;
	[sflag:s26] =	ssyncadd.s32 $0xFFFFEC00  }
0x97: {  	[tilespmem:s21], [sflag:$0x1] =	stream.indirect.gather [hbm4b:s1+s20], $0x80, s6, s20, $0xb8;
	[tilespmem:$0x1FF68] =	vst v63  }
0x98: {  	_ =	swait.ge [sflag:s31], $0x1400  }
0x99: {  	[sflag:s31] =	ssyncset.done $0x0  }
0x9a: {  	s6 =	simm.s32 $0x2850;
	[sflag:s31] =	ssyncadd.s32 $0xFFFFEC00  }
0x9b: {  	[spmem:s3] =	stream.indirect.scatter.add.f32 [tilespmem:s28], [sflag:$0x9], $0x80, s6, s20, $0xb8;
	[tilespmem:$0x1FF68] =	vst v63  }
0x9c: {  	_ = 	snop  }
0x9d: {  	[spmem:s4] =	stream.indirect.scatter.add.f32 [tilespmem:s19], [sflag:$0xB], $0x8, s6, s20, $0xb8;
	[tilespmem:$0x1FF68] =	vst v63  }
0x9e: {  	_ =	swait.ge [sflag:s16], $0x140  }
0x9f: {  	[sflag:s16] =	ssyncset.done $0x0  }
0xa0: {  	[sflag:s16] =	ssyncadd.s32 $0xFFFFFEC0  }
0xa1: {  	_ =	swait.ge [sflag:s7], $0x1400  }
0xa2: {  	[sflag:s7] =	ssyncset.done $0x0  }
0xa3: {  	s6 =	simm.s32 $0x1B8;
	[sflag:s7] =	ssyncadd.s32 $0xFFFFEC00  }
0xa4: {  	[tilespmem:s22], [sflag:$0x2] =	stream.indirect.gather [hbm4b:s1+s20], $0x80, s6, s20, $0xb8;
	[tilespmem:$0x1FF68] =	vst v63  }
0xa5: {  	_ =	swait.ge [sflag:s9], $0x1400  }
0xa6: {  	[sflag:s9] =	ssyncset.done $0x0  }
0xa7: {  	s6 =	simm.s32 $0x2878;
	[sflag:s9] =	ssyncadd.s32 $0xFFFFEC00  }
0xa8: {  	[spmem:s3] =	stream.indirect.scatter.add.f32 [tilespmem:s2], [sflag:$0xA], $0x80, s6, s20, $0xb8;
	[tilespmem:$0x1FF68] =	vst v63  }
0xa9: {  	_ = 	snop  }
0xaa: {  	[spmem:s4] =	stream.indirect.scatter.add.f32 [tilespmem:s19], [sflag:$0xB], $0x8, s6, s20, $0xb8;
	[tilespmem:$0x1FF68] =	vst v63  }
0xab: {  	_ =	swait.ge [sflag:s16], $0x140  }
0xac: {  	[sflag:s16] =	ssyncset.done $0x0  }
0xad: {  	[sflag:s16] =	ssyncadd.s32 $0xFFFFFEC0  }
0xae: {  	_ =	swait.ge [sflag:s11], $0x1400  }
0xaf: {  	[sflag:s11] =	ssyncset.done $0x0  }
0xb0: {  	s30 =	simm.s32 $0x320;
	s23 =	simm.s32 $0x1E0;
	[sflag:s11] =	ssyncadd.s32 $0xFFFFEC00  }
.LBB2_2:
0xb1: {  	[tilespmem:s24], [sflag:$0x3] =	stream.indirect.gather [hbm4b:s1+s20], $0x80, s23, s20, $0xb8;
	[tilespmem:$0x1FF68] =	vst v63  }
0xb2: {  	s23 =	smov.u32 s30  }
0xb3: {  	p0 =	sne.s32 s30, $0x92E0;
	s30 =	sadd.s32 $0x320, s30;
	_ =	swait.ge [sflag:s25], $0x1400  }
0xb4: {  	s23 =	sshra.s32 s23, $0x2;
	[sflag:s25] =	ssyncset.done $0x0  }
0xb5: {  	s6 =	sadd.s32 $0x27D8, s23;
	[sflag:s25] =	ssyncadd.s32 $0xFFFFEC00  }
0xb6: {  	[spmem:s3] =	stream.indirect.scatter.add.f32 [tilespmem:s21], [sflag:$0x6], $0x80, s6, s20, $0xb8;
	[tilespmem:$0x1FF68] =	vst v63  }
0xb7: {  	_ = 	snop  }
0xb8: {  	[spmem:s4] =	stream.indirect.scatter.add.f32 [tilespmem:s19], [sflag:$0xB], $0x8, s6, s20, $0xb8;
	[tilespmem:$0x1FF68] =	vst v63  }
0xb9: {  	_ =	swait.ge [sflag:s16], $0x140  }
0xba: {  	[sflag:s16] =	ssyncset.done $0x0  }
0xbb: {  	[sflag:s16] =	ssyncadd.s32 $0xFFFFFEC0  }
0xbc: {  	_ =	swait.ge [sflag:s12], $0x1400  }
0xbd: {  	[sflag:s12] =	ssyncset.done $0x0  }
0xbe: {  	s6 =	sadd.s32 $0x140, s23;
	[sflag:s12] =	ssyncadd.s32 $0xFFFFEC00  }
0xbf: {  	[tilespmem:s28], [sflag:$0x4] =	stream.indirect.gather [hbm4b:s1+s20], $0x80, s6, s20, $0xb8;
	[tilespmem:$0x1FF68] =	vst v63  }
0xc0: {  	_ =	swait.ge [sflag:s29], $0x1400  }
0xc1: {  	[sflag:s29] =	ssyncset.done $0x0  }
0xc2: {  	s6 =	sadd.s32 $0x2800, s23;
	[sflag:s29] =	ssyncadd.s32 $0xFFFFEC00  }
0xc3: {  	[spmem:s3] =	stream.indirect.scatter.add.f32 [tilespmem:s22], [sflag:$0x7], $0x80, s6, s20, $0xb8;
	[tilespmem:$0x1FF68] =	vst v63  }
0xc4: {  	_ = 	snop  }
0xc5: {  	[spmem:s4] =	stream.indirect.scatter.add.f32 [tilespmem:s19], [sflag:$0xB], $0x8, s6, s20, $0xb8;
	[tilespmem:$0x1FF68] =	vst v63  }
0xc6: {  	_ =	swait.ge [sflag:s16], $0x140  }
0xc7: {  	[sflag:s16] =	ssyncset.done $0x0  }
0xc8: {  	[sflag:s16] =	ssyncadd.s32 $0xFFFFFEC0  }
0xc9: {  	_ =	swait.ge [sflag:s13], $0x1400  }
0xca: {  	[sflag:s13] =	ssyncset.done $0x0  }
0xcb: {  	s6 =	sadd.s32 $0x168, s23;
	[sflag:s13] =	ssyncadd.s32 $0xFFFFEC00  }
0xcc: {  	[tilespmem:s2], [sflag:$0x5] =	stream.indirect.gather [hbm4b:s1+s20], $0x80, s6, s20, $0xb8;
	[tilespmem:$0x1FF68] =	vst v63  }
0xcd: {  	_ =	swait.ge [sflag:s0], $0x1400  }
0xce: {  	[sflag:s0] =	ssyncset.done $0x0  }
0xcf: {  	s6 =	sadd.s32 $0x2828, s23;
	[sflag:s0] =	ssyncadd.s32 $0xFFFFEC00  }
0xd0: {  	[spmem:s3] =	stream.indirect.scatter.add.f32 [tilespmem:s24], [sflag:$0x8], $0x80, s6, s20, $0xb8;
	[tilespmem:$0x1FF68] =	vst v63  }
0xd1: {  	_ = 	snop  }
0xd2: {  	[spmem:s4] =	stream.indirect.scatter.add.f32 [tilespmem:s19], [sflag:$0xB], $0x8, s6, s20, $0xb8;
	[tilespmem:$0x1FF68] =	vst v63  }
0xd3: {  	_ =	swait.ge [sflag:s16], $0x140  }
0xd4: {  	[sflag:s16] =	ssyncset.done $0x0  }
0xd5: {  	[sflag:s16] =	ssyncadd.s32 $0xFFFFFEC0  }
0xd6: {  	_ =	swait.ge [sflag:s26], $0x1400  }
0xd7: {  	[sflag:s26] =	ssyncset.done $0x0  }
0xd8: {  	s6 =	sadd.s32 $0x190, s23;
	[sflag:s26] =	ssyncadd.s32 $0xFFFFEC00  }
0xd9: {  	[tilespmem:s21], [sflag:$0x1] =	stream.indirect.gather [hbm4b:s1+s20], $0x80, s6, s20, $0xb8;
	[tilespmem:$0x1FF68] =	vst v63  }
0xda: {  	_ =	swait.ge [sflag:s31], $0x1400  }
0xdb: {  	[sflag:s31] =	ssyncset.done $0x0  }
0xdc: {  	s6 =	sadd.s32 $0x2850, s23;
	[sflag:s31] =	ssyncadd.s32 $0xFFFFEC00  }
0xdd: {  	[spmem:s3] =	stream.indirect.scatter.add.f32 [tilespmem:s28], [sflag:$0x9], $0x80, s6, s20, $0xb8;
	[tilespmem:$0x1FF68] =	vst v63  }
0xde: {  	_ = 	snop  }
0xdf: {  	[spmem:s4] =	stream.indirect.scatter.add.f32 [tilespmem:s19], [sflag:$0xB], $0x8, s6, s20, $0xb8;
	[tilespmem:$0x1FF68] =	vst v63  }
0xe0: {  	_ =	swait.ge [sflag:s16], $0x140  }
0xe1: {  	[sflag:s16] =	ssyncset.done $0x0  }
0xe2: {  	[sflag:s16] =	ssyncadd.s32 $0xFFFFFEC0  }
0xe3: {  	_ =	swait.ge [sflag:s7], $0x1400  }
0xe4: {  	[sflag:s7] =	ssyncset.done $0x0  }
0xe5: {  	s6 =	sadd.s32 $0x1B8, s23;
	[sflag:s7] =	ssyncadd.s32 $0xFFFFEC00  }
0xe6: {  	[tilespmem:s22], [sflag:$0x2] =	stream.indirect.gather [hbm4b:s1+s20], $0x80, s6, s20, $0xb8;
	[tilespmem:$0x1FF68] =	vst v63  }
0xe7: {  	_ =	swait.ge [sflag:s9], $0x1400  }
0xe8: {  	[sflag:s9] =	ssyncset.done $0x0  }
0xe9: {  	s6 =	sadd.s32 $0x2878, s23;
	[sflag:s9] =	ssyncadd.s32 $0xFFFFEC00  }
0xea: {  	[spmem:s3] =	stream.indirect.scatter.add.f32 [tilespmem:s2], [sflag:$0xA], $0x80, s6, s20, $0xb8;
	[tilespmem:$0x1FF68] =	vst v63  }
0xeb: {  	_ = 	snop  }
0xec: {  	[spmem:s4] =	stream.indirect.scatter.add.f32 [tilespmem:s19], [sflag:$0xB], $0x8, s6, s20, $0xb8;
	[tilespmem:$0x1FF68] =	vst v63  }
0xed: {  	_ =	swait.ge [sflag:s16], $0x140  }
.Ltmp0:
0xee: {  	[sflag:s16] =	ssyncset.done $0x0;
	(pc) =	sbr.rel @p0 .LBB2_2-.Ltmp0, $4  }
0xef: {  	[sflag:s16] =	ssyncadd.s32 $0xFFFFFEC0  }
0xf0: {  	_ =	swait.ge [sflag:s11], $0x1400  }
0xf1: {  	[sflag:s11] =	ssyncset.done $0x0  }
0xf2: {  	s23 =	sadd.s32 $0x1E0, s23;
	[sflag:s11] =	ssyncadd.s32 $0xFFFFEC00  }
0xf3: {  	[tilespmem:s24], [sflag:$0x3] =	stream.indirect.gather [hbm4b:s1+s20], $0x80, s23, s20, $0xb8;
	[tilespmem:$0x1FF68] =	vst v63  }
0xf4: {  	_ =	swait.ge [sflag:s25], $0x1400  }
0xf5: {  	[sflag:s25] =	ssyncset.done $0x0  }
0xf6: {  	s6 =	simm.s32 $0x4D58;
	[sflag:s25] =	ssyncadd.s32 $0xFFFFEC00  }
0xf7: {  	[spmem:s3] =	stream.indirect.scatter.add.f32 [tilespmem:s21], [sflag:$0x6], $0x80, s6, s20, $0xb8;
	[tilespmem:$0x1FF68] =	vst v63  }
0xf8: {  	_ = 	snop  }
0xf9: {  	[spmem:s4] =	stream.indirect.scatter.add.f32 [tilespmem:s19], [sflag:$0xB], $0x8, s6, s20, $0xb8;
	[tilespmem:$0x1FF68] =	vst v63  }
0xfa: {  	_ =	swait.ge [sflag:s16], $0x140  }
0xfb: {  	[sflag:s16] =	ssyncset.done $0x0  }
0xfc: {  	[sflag:s16] =	ssyncadd.s32 $0xFFFFFEC0  }
0xfd: {  	_ =	swait.ge [sflag:s12], $0x1400  }
0xfe: {  	[sflag:s12] =	ssyncset.done $0x0  }
0xff: {  	s23 =	simm.s32 $0x26C0;
	[sflag:s12] =	ssyncadd.s32 $0xFFFFEC00  }
0x100: {  	[tilespmem:s28], [sflag:$0x4] =	stream.indirect.gather [hbm4b:s1+s20], $0x80, s23, s20, $0xb8;
	[tilespmem:$0x1FF68] =	vst v63  }
0x101: {  	_ =	swait.ge [sflag:s29], $0x1400  }
0x102: {  	[sflag:s29] =	ssyncset.done $0x0  }
0x103: {  	s30 =	simm.s32 $0x4D80;
	[sflag:s29] =	ssyncadd.s32 $0xFFFFEC00  }
0x104: {  	[spmem:s3] =	stream.indirect.scatter.add.f32 [tilespmem:s22], [sflag:$0x7], $0x80, s30, s20, $0xb8;
	[tilespmem:$0x1FF68] =	vst v63  }
0x105: {  	_ = 	snop  }
0x106: {  	[spmem:s4] =	stream.indirect.scatter.add.f32 [tilespmem:s19], [sflag:$0xB], $0x8, s30, s20, $0xb8;
	[tilespmem:$0x1FF68] =	vst v63  }
0x107: {  	_ =	swait.ge [sflag:s16], $0x140  }
0x108: {  	[sflag:s16] =	ssyncset.done $0x0  }
0x109: {  	[sflag:s16] =	ssyncadd.s32 $0xFFFFFEC0  }
0x10a: {  	_ =	swait.ge [sflag:s13], $0x1400  }
0x10b: {  	[sflag:s13] =	ssyncset.done $0x0  }
0x10c: {  	s23 =	simm.s32 $0x26E8;
	[sflag:s13] =	ssyncadd.s32 $0xFFFFEC00  }
0x10d: {  	[tilespmem:s2], [sflag:$0x5] =	stream.indirect.gather [hbm4b:s1+s20], $0x80, s23, s20, $0xb8;
	[tilespmem:$0x1FF68] =	vst v63  }
0x10e: {  	_ =	swait.ge [sflag:s0], $0x1400  }
0x10f: {  	[sflag:s0] =	ssyncset.done $0x0  }
0x110: {  	s30 =	simm.s32 $0x4DA8;
	[sflag:s0] =	ssyncadd.s32 $0xFFFFEC00  }
0x111: {  	[spmem:s3] =	stream.indirect.scatter.add.f32 [tilespmem:s24], [sflag:$0x8], $0x80, s30, s20, $0xb8;
	[tilespmem:$0x1FF68] =	vst v63  }
0x112: {  	_ = 	snop  }
0x113: {  	[spmem:s4] =	stream.indirect.scatter.add.f32 [tilespmem:s19], [sflag:$0xB], $0x8, s30, s20, $0xb8;
	[tilespmem:$0x1FF68] =	vst v63  }
0x114: {  	_ =	swait.ge [sflag:s16], $0x140  }
0x115: {  	[sflag:s16] =	ssyncset.done $0x0  }
0x116: {  	[sflag:s16] =	ssyncadd.s32 $0xFFFFFEC0  }
0x117: {  	_ =	swait.ge [sflag:s26], $0x1400  }
0x118: {  	[sflag:s26] =	ssyncset.done $0x0  }
0x119: {  	[sflag:s26] =	ssyncadd.s32 $0xFFFFEC00  }
0x11a: {  	_ =	swait.ge [sflag:s31], $0x1400  }
0x11b: {  	[sflag:s31] =	ssyncset.done $0x0  }
0x11c: {  	s23 =	simm.s32 $0x4DD0;
	[sflag:s31] =	ssyncadd.s32 $0xFFFFEC00  }
0x11d: {  	[spmem:s3] =	stream.indirect.scatter.add.f32 [tilespmem:s28], [sflag:$0x9], $0x80, s23, s20, $0xb8;
	[tilespmem:$0x1FF68] =	vst v63  }
0x11e: {  	_ = 	snop  }
0x11f: {  	[spmem:s4] =	stream.indirect.scatter.add.f32 [tilespmem:s19], [sflag:$0xB], $0x8, s23, s20, $0xb8;
	[tilespmem:$0x1FF68] =	vst v63  }
0x120: {  	_ =	swait.ge [sflag:s16], $0x140  }
0x121: {  	[sflag:s16] =	ssyncset.done $0x0  }
0x122: {  	[sflag:s16] =	ssyncadd.s32 $0xFFFFFEC0  }
0x123: {  	_ =	swait.ge [sflag:s7], $0x1400  }
0x124: {  	[sflag:s7] =	ssyncset.done $0x0  }
0x125: {  	[sflag:s7] =	ssyncadd.s32 $0xFFFFEC00  }
0x126: {  	_ =	swait.ge [sflag:s9], $0x1400  }
0x127: {  	[sflag:s9] =	ssyncset.done $0x0  }
0x128: {  	[sflag:s9] =	ssyncadd.s32 $0xFFFFEC00  }
0x129: {  	[spmem:s3] =	stream.indirect.scatter.add.f32 [tilespmem:s2], [sflag:$0xA], $0x80, s10, s20, $0xb8;
	[tilespmem:$0x1FF68] =	vst v63  }
0x12a: {  	_ = 	snop  }
0x12b: {  	[spmem:s4] =	stream.indirect.scatter.add.f32 [tilespmem:s19], [sflag:$0xB], $0x8, s10, s20, $0xb8;
	[tilespmem:$0x1FF68] =	vst v63  }
0x12c: {  	_ =	swait.ge [sflag:s16], $0x140  }
0x12d: {  	[sflag:s16] =	ssyncset.done $0x0  }
0x12e: {  	[sflag:s16] =	ssyncadd.s32 $0xFFFFFEC0  }
0x12f: {  	_ =	swait.ge [sflag:s11], $0x1400  }
0x130: {  	[sflag:s11] =	ssyncset.done $0x0  }
0x131: {  	[sflag:s11] =	ssyncadd.s32 $0xFFFFEC00  }
0x132: {  	_ =	swait.ge [sflag:s12], $0x1400  }
0x133: {  	[sflag:s12] =	ssyncset.done $0x0  }
0x134: {  	[sflag:s12] =	ssyncadd.s32 $0xFFFFEC00  }
0x135: {  	_ =	swait.ge [sflag:s13], $0x1400  }
0x136: {  	[sflag:s13] =	ssyncset.done $0x0  }
0x137: {  	[sflag:s13] =	ssyncadd.s32 $0xFFFFEC00  }
0x138: {  	[bflag:$0x0] =	sbarrier.arrive $0xFFFF  }
0x139: {  	s30 =	rddreg [dreg:$0xb]  }
0x13a: {  	[hbm:s30], [sflag:s8] =	dma.local [spmem:s15], $0x2710  }
0x13b: {  	_ =	swait.ge [sflag:s16], $0x2710  }
0x13c: {  	[sflag:s16] =	ssyncset.done $0x0  }
0x13d: {  	s23 =	rddreg [dreg:$0xc];
	[sflag:s16] =	ssyncadd.s32 $0xFFFFD8F0  }
0x13e: {  	[hbm:s23], [sflag:s8] =	dma.local [spmem:s18], $0x271  }
0x13f: {  	_ =	swait.ge [sflag:s16], $0x271  }
0x140: {  	s14 =	sadd.s32 $0x1, s14;
	s30 =	rddreg [dreg:$0xd]  }
0x141: {  	p0 =	sne.s32 s14, s30  }
.Ltmp1:
0x142: {  	_ = 	snop;
	(pc) =	sbr.rel @p0 .LBB2_1-.Ltmp1, $3  }
0x143: {  	_ =	sdelay $0x1  }
0x144: {  	[sflag:s16] =	ssyncset.done $0x0  }
0x145: {  	[sflag:s16] =	ssyncadd.s32 $0xFFFFFD8F  }
0x146: {  	_ =	sfence.sel $0x180000  }
0x147: {  	[bflag:$0x0] =	sbarrier.arrive $0xFFFF  }
0x148: {  	_ =	strace $0x90000047  }
0x149: {  	s0 =	stileid.u32;
	[bflag:$0x2] =	sbarrier.arrive $0xFFFF  }
0x14a: {  	p0 =	sne.s32 s0, $0x0;
	s0 =	rddreg [dreg:$0x5]  }
0x14b: {  	s0 =	sadd.s32 @!p0 $0x100000, s0  }
0x14c: {  	[sflag:s0] =	ssyncadd.tile.s32 @!p0 $0x1;
	_ =	shalt  }
.Lfunc_end2:
_tile_overlayer_lowered:
.L_overlay_start_2:
0x14d: {  	(tag) =	ssettag $0x2  }
0x14e: {  	s0 =	rddreg [dreg:$0x0];
	s2 =	stileid.u32  }
0x14f: {  	s1 =	rddreg [dreg:$0x1];
	p0 =	sne.s32 s2, $0x0  }
0x150: {  	s3 =	rddreg [dreg:$0x2];
	[bflag:$0x3] =	sbarrier.arrive $0xFFFF;
	s2 =	simm.s32 @!p0 $0x1C0B  }
0x151: {  	[timem:s3], [sflag:s2] =	dma.local @!p0 [hbm:s0], s1  }
0x152: {  	s0 =	simm.s32 @!p0 $0xB  }
0x153: {  	_ =	swait.ge @!p0 [sflag:s0], s1  }
0x154: {  	s1 =	ssub.s32 @!p0 $0x0, s1;
	[sflag:s0] =	ssyncset.done @!p0 $0x0  }
0x155: {  	[sflag:s0] =	ssyncadd.s32 @!p0 s1  }
0x156: {  	[bflag:$0x3] =	sbarrier.arrive $0xFFFF  }
0x157: {  	_ =	shalt  }

// kernel: kernel.9.cloned.1.call-start
scs
__scs_entry_jumppad:
0x0: {  	(pc) =	sbr.rel $0x88, $3  }
0x1: {  	(tag) =	ssettag $0x0;
	lr =	simm.s32 $0x1  }
0x2: {  	[smem:$0x3F99] =	sst lr;
	_ =	strace $0xD0000000  }
0x3: {  	_ = 	snop  }
0x4: {  	_ = 	snop  }
0x5: {  	_ = 	snop  }
0x6: {  	_ = 	snop  }
0x7: {  	_ = 	snop  }
__scs_overlays_trampoline_lowered:
0x8: {  	[smem:$0x3FA8] =	sst s0  }
0x9: {  	[smem:$0x3FA9] =	sst s1  }
0xa: {  	[smem:$0x3FAA] =	sst s2  }
0xb: {  	[smem:$0x3FAB] =	sst s3  }
0xc: {  	[smem:$0x3FAC] =	sst s4  }
0xd: {  	[smem:$0x3FAD] =	sst s5  }
0xe: {  	[smem:$0x3FAE] =	sst s6  }
0xf: {  	[smem:$0x3FAF] =	sst s7  }
0x10: {  	[smem:$0x3FB0] =	sst s8  }
0x11: {  	[smem:$0x3FB1] =	sst s9;
	s0 =	simm.s32 @!p0 $0x0  }
0x12: {  	s1 =	sld [smem:$0x3F97];
	s0 =	simm.s32 @p0 $0x1  }
0x13: {  	[smem:$0x3FB2] =	sst s0;
	s0 =	simm.s32 @!p1 $0x0  }
0x14: {  	s2 =	sld [smem:$0x3F96];
	s0 =	simm.s32 @p1 $0x1  }
0x15: {  	[smem:$0x3FB3] =	sst s0;
	s0 =	simm.s32 @!p2 $0x0  }
0x16: {  	s3 =	sld [smem:$0x3FDB];
	s0 =	simm.s32 @p2 $0x1  }
0x17: {  	s4 =	simm.s32 $0x1BF5;
	[smem:$0x3FB5] =	sst s0  }
0x18: {  	s0 =	sld [smem:$0x3F98];
	_ =	swait.ge [sflag:s4], $0x0  }
0x19: {  	s7 =	sld [smem:$0x3F99]  }
0x1a: {  	s8 =	sadd.s32 $0xFFFFE003, lr  }
0x1b: {  	s9 =	sadd.s32 $0xFFFFFEF7, lr;
	s5 =	simm.s32 $0xFFFFFFFF;
	p2 =	slt.u32 s8, $0xFFFFF086  }
0x1c: {  	p1 =	slt.u32 s9, $0xF7A;
	s5 =	simm.s32 @!p2 $0x0  }
0x1d: {  	s5 =	simm.s32 @p1 $0x1;
	p0 =	seq.s32 s7, s2  }
0x1e: {  	s7 =	smul.u32 @!p0 $0xF7A, s2;
	p2 =	seq.s32 @!p0 s5, $0x0  }
0x1f: {  	s9 =	smul.u32 $0xF7A, s1;
	s8 =	simm.s32 @!p0 $0x1BF5;
	p2 =	por !p2, p0  }
0x20: {  	[sflag:s8] =	ssyncset.s32 @!p0 $0xFFFFF086;
	s6 =	sadd.s32 @!p0 s3, s7;
	s7 =	simm.s32 @!p0 $0x108  }
0x21: {  	s3 =	sadd.s32 s3, s9;
	s6 =	sadd.s32 @!p0 $0x88, s6;
	s7 =	simm.s32 @p2 $0x1082  }
0x22: {  	[simem:s7], [sflag:s8] =	dma.local @!p0 [hbm:s6], $0xF7A  }
0x23: {  	s9 =	sor.u32 $0xD0000000, s2;
	s6 =	simm.s32 $0x108;
	_ =	swait.ge @!p0 [sflag:s8], $0x0  }
0x24: {  	s3 =	sadd.s32 $0x88, s3;
	s6 =	simm.s32 @!p1 $0x1082;
	[sflag:s4] =	ssyncset.s32 $0xFFFFF086  }
0x25: {  	[simem:s6], [sflag:s4] =	dma.local [hbm:s3], $0xF7A  }
0x26: {  	[smem:$0x3F99] =	sst s1;
	(tag) =	ssettag s2;
	_ =	strace s9  }
0x27: {  	s1 =	sld [smem:$0x3FA9]  }
0x28: {  	s2 =	sld [smem:$0x3FAA]  }
0x29: {  	s4 =	sld [smem:$0x3FAC]  }
0x2a: {  	p0 =	seq.s32 s5, $0x0;
	s5 =	sld [smem:$0x3FAD]  }
0x2b: {  	s6 =	sld [smem:$0x3FAE]  }
0x2c: {  	s7 =	sld [smem:$0x3FAF]  }
0x2d: {  	s3 =	simm.s32 $0x108;
	s8 =	sld [smem:$0x3FB0]  }
0x2e: {  	s3 =	simm.s32 @!p0 $0x1082;
	s9 =	sld [smem:$0x3FB1]  }
0x2f: {  	lr =	sadd.s32 s0, s3;
	s0 =	sld [smem:$0x3FA8]  }
0x30: {  	s3 =	sld [smem:$0x3FAB]  }
0x31: {  	[smem:$0x3FB4] =	sst s10  }
0x32: {  	s10 =	sld [smem:$0x3FB2];
	_ =	sdelay $0x3  }
0x33: {  	p0 =	seq.s32 s10, $0x1;
	s10 =	sld [smem:$0x3FB4];
	_ =	sdelay $0x3  }
0x34: {  	[smem:$0x3FB4] =	sst s10  }
0x35: {  	s10 =	sld [smem:$0x3FB3];
	_ =	sdelay $0x3  }
0x36: {  	p1 =	seq.s32 s10, $0x1;
	s10 =	sld [smem:$0x3FB4];
	_ =	sdelay $0x3  }
0x37: {  	[smem:$0x3FB4] =	sst s10  }
0x38: {  	s10 =	sld [smem:$0x3FB5]  }
0x39: {  	_ = 	snop;
	(pc) =	sbr.ind lr, $3  }
0x3a: {  	_ = 	snop  }
0x3b: {  	_ = 	snop  }
0x3c: {  	p2 =	seq.s32 s10, $0x1;
	s10 =	sld [smem:$0x3FB4]  }
0x3d: {  	_ =	shalt  }
0x3e: {  	_ =	shalt  }
0x3f: {  	_ =	shalt  }
0x40: {  	_ =	shalt  }
0x41: {  	_ =	shalt  }
0x42: {  	_ =	shalt  }
0x43: {  	_ =	shalt  }
0x44: {  	_ =	shalt  }
0x45: {  	_ =	shalt  }
0x46: {  	_ =	shalt  }
0x47: {  	_ =	shalt  }
0x48: {  	_ =	shalt  }
0x49: {  	_ =	shalt  }
0x4a: {  	_ =	shalt  }
0x4b: {  	_ =	shalt  }
0x4c: {  	_ =	shalt  }
0x4d: {  	_ =	shalt  }
0x4e: {  	_ =	shalt  }
0x4f: {  	_ =	shalt  }
0x50: {  	_ =	shalt  }
0x51: {  	_ =	shalt  }
0x52: {  	_ =	shalt  }
0x53: {  	_ =	shalt  }
0x54: {  	_ =	shalt  }
0x55: {  	_ =	shalt  }
0x56: {  	_ =	shalt  }
0x57: {  	_ =	shalt  }
0x58: {  	_ =	shalt  }
0x59: {  	_ =	shalt  }
0x5a: {  	_ =	shalt  }
0x5b: {  	_ =	shalt  }
0x5c: {  	_ =	shalt  }
0x5d: {  	_ =	shalt  }
0x5e: {  	_ =	shalt  }
0x5f: {  	_ =	shalt  }
0x60: {  	_ =	shalt  }
0x61: {  	_ =	shalt  }
0x62: {  	_ =	shalt  }
0x63: {  	_ =	shalt  }
0x64: {  	_ =	shalt  }
0x65: {  	_ =	shalt  }
0x66: {  	_ =	shalt  }
0x67: {  	_ =	shalt  }
0x68: {  	_ =	shalt  }
0x69: {  	_ =	shalt  }
0x6a: {  	_ =	shalt  }
0x6b: {  	_ =	shalt  }
0x6c: {  	_ =	shalt  }
0x6d: {  	_ =	shalt  }
0x6e: {  	_ =	shalt  }
0x6f: {  	_ =	shalt  }
0x70: {  	_ =	shalt  }
0x71: {  	_ =	shalt  }
0x72: {  	_ =	shalt  }
0x73: {  	_ =	shalt  }
0x74: {  	_ =	shalt  }
0x75: {  	_ =	shalt  }
0x76: {  	_ =	shalt  }
0x77: {  	_ =	shalt  }
0x78: {  	_ =	shalt  }
0x79: {  	_ =	shalt  }
0x7a: {  	_ =	shalt  }
0x7b: {  	_ =	shalt  }
0x7c: {  	_ =	shalt  }
0x7d: {  	_ =	shalt  }
0x7e: {  	_ =	shalt  }
0x7f: {  	_ =	shalt  }
0x80: {  	_ =	shalt  }
0x81: {  	_ =	shalt  }
0x82: {  	_ =	shalt  }
0x83: {  	_ =	shalt  }
0x84: {  	_ =	shalt  }
0x85: {  	_ =	shalt  }
0x86: {  	_ =	shalt  }
0x87: {  	_ =	shalt  }
.Lfunc_end0:
.L_simem_size_0:
called_computation.1_lowered:
.L_overlay_start_0:
0x88: {  	s2 =	sld [smem:$0x3FD9]  }
0x89: {  	s3 =	sld [smem:$0x3FFE];
	_ =	sdelay $0x1  }
0x8a: {  	s1 =	srdreg.scid  }
0x8b: {  	s0 =	sand.u32 $0x1, s1  }
0x8c: {  	s17 =	sshll.u32 s0, $0xA;
	s2 =	sadd.s32 s3, s2  }
0x8d: {  	s2 =	sadd.s32 s2, s17  }
0x8e: {  	[smem:$0x3FC0] =	sst s2  }
0x8f: {  	_ = 	snop  }
0x90: {  	s2 =	sld [smem:$0x3FD0];
	(tm) =	ssettm $0x1  }
0x91: {  	s18 =	sld [smem:$0x3FFB];
	_ =	sdelay $0x3  }
0x92: {  	_ =	strace s18  }
0x93: {  	s3 =	sld [smem:$0x3FFC];
	_ =	sdelay $0x3  }
0x94: {  	_ =	strace s3  }
0x95: {  	s3 =	sld [smem:$0x3FFD];
	_ =	sdelay $0x3  }
0x96: {  	_ =	strace s3  }
0x97: {  	_ =	strace $0x8FFFFFFF  }
0x98: {  	s19 =	sld [smem:$0x3FDB];
	_ =	sdelay $0x1  }
0x99: {  	s4 =	simm.s32 $_scs_section_size  }
0x9a: {  	s5 =	simm.s32 $_size__tile_overlayer_lowered;
	s6 =	simm.s32 $_tile_overlayer_lowered  }
0x9b: {  	s22 =	simm.s32 $0x1BFF;
	s21 =	sshll.u32 s6, $0x1;
	s3 =	sadd.s32 s4, s19  }
0x9c: {  	s7 =	simm.s32 $0x0;
	s20 =	sshll.u32 s5, $0x1;
	s5 =	sadd.s32 s21, s3  }
0x9d: {  	[timem:s7], [sflag:s22] =	dma.local [hbm:s5], s20  }
0x9e: {  	_ =	swait.ge [sflag:s22], s20  }
0x9f: {  	s4 =	ssub.s32 $0x0, s20;
	[sflag:s22] =	ssyncset.done $0x0  }
0xa0: {  	[sflag:s22] =	ssyncadd.s32 s4;
	_ =	sdelay $0x1  }
0xa1: {  	s23 =	simm.s32 $0x1B8B  }
0xa2: {  	_ =	swait.ge [sflag:s23], $0x1  }
0xa3: {  	[sflag:s23] =	ssyncset.done $0x0  }
0xa4: {  	s25 =	simm.s32 $0x1B8E;
	s24 =	sld [smem:$0x3FFE];
	[sflag:s23] =	ssyncadd.s32 $0xFFFFFFFF  }
0xa5: {  	s26 =	simm.s32 $execute0_lowered;
	[smem:$0x3FD2] =	sst s25  }
0xa6: {  	s5 =	sshll.u32 s26, $0x1;
	_ =	strace $0x80000049;
	[dreg:$0x1] =	wrdreg $0xFFFFFFFF  }
0xa7: {  	s28 =	simm.s32 $_size_execute0_lowered;
	s3 =	sadd.s32 s3, s5;
	[dreg:$0x0] =	wrdreg $0x0  }
0xa8: {  	s5 =	sshll.u32 s28, $0x1;
	[dreg:$0x2] =	wrdreg s3  }
0xa9: {  	[dreg:$0x3] =	wrdreg s5  }
0xaa: {  	[dreg:$0x4] =	wrdreg $0xC0  }
0xab: {  	_ =	task [dreg:s7], $0x5FFFF  }
0xac: {  	[dreg:$0x1] =	wrdreg $0xFFFFFFFF  }
0xad: {  	[dreg:$0x0] =	wrdreg $0x60  }
0xae: {  	[dreg:$0x2] =	wrdreg s24  }
0xaf: {  	[dreg:$0x3] =	wrdreg s2  }
0xb0: {  	[dreg:$0x4] =	wrdreg $0xB2200  }
0xb1: {  	[dreg:$0x5] =	wrdreg $0x9  }
0xb2: {  	_ =	task.clear_ibuf [dreg:s7], $0x6FFFF;
	_ =	strace $0x90000049  }
0xb3: {  	s29 =	simm.s32 $0x9;
	_ =	strace $0x8000004B  }
0xb4: {  	_ =	swait.ge [sflag:s29], $0x1  }
0xb5: {  	[sflag:s29] =	ssyncadd.s32 $0xFFFFFFFF  }
0xb6: {  	_ =	strace $0x9000004B  }
0xb7: {  	_ =	sfence  }
0xb8: {  	s30 =	sld [smem:$0x0];
	_ =	sdelay $0x2  }
0xb9: {  	s31 =	sshll.u32 s1, $0xD;
	s1 =	sshrl.u32 s1, $0x2  }
0xba: {  	s3 =	sand.u32 $0x4000, s31;
	s1 =	sadd.s32 s1, s30  }
0xbb: {  	s0 =	sor.u32 s3, s0;
	s1 =	sshll.u32 s1, $0x11  }
0xbc: {  	s0 =	sor.u32 s1, s0  }
0xbd: {  	s0 =	sadd.s32 $0x8F2B, s0  }
0xbe: {  	[sflag:s0] =	ssyncadd.remote.s32 $0x1  }
0xbf: {  	_ =	sfence.sel $0xFFFF  }
0xc0: {  	[dreg:$0x0] =	wrdreg $0xFFFFFFFF;
	(pc) =	sbr.abs _section_cstart, $3  }
0xc1: {  	[dreg:$0x1] =	wrdreg $0xFFFFFFFF  }
0xc2: {  	_ =	task.clear_ibuf [dreg:s7], $0x2FFFF;
	_ =	strace $0x9FFFFFFF  }
0xc3: {  	(tm) =	ssettm $0x7FFFFFFF  }
tec
execute0_lowered:
.L_overlay_start_1:
0x0: {  	(tag) =	ssettag $0x1  }
0x1: {  	s0 =	rddreg [dreg:$0x0]  }
0x2: {  	s1 =	rddreg [dreg:$0x1]  }
0x3: {  	s2 =	rddreg [dreg:$0x2];
	s3 =	srdreg.scid  }
0x4: {  	s12 =	stileid.u32;
	s13 =	simm.s32 $0x2710;
	s14 =	simm.s32 $0x28  }
0x5: {  	s15 =	simm.s32 $0x4E20;
	s16 =	simm.s32 $0x6220;
	s18 =	simm.s32 $0x7620  }
0x6: {  	s19 =	simm.s32 $0x1;
	s21 =	simm.s32 $0x8A20;
	s22 =	simm.s32 $0x2  }
0x7: {  	s25 =	simm.s32 $0x9E20;
	s29 =	simm.s32 $0x6;
	s31 =	simm.s32 $0x4  }
0x8: {  	s20 =	simm.s32 $0x5;
	s24 =	simm.s32 $0x8;
	s30 =	simm.s32 $0x9  }
0x9: {  	s23 =	simm.s32 $0x0;
	s5 =	sand.u32 $0x1, s3;
	s3 =	simm.s32 $0x0  }
0xa: {  	s6 =	smul.u32 $0x13880, s12;
	s28 =	sshll.u32 s12, $0x6;
	s4 =	sshll.u32 s5, $0x4  }
0xb: {  	[smem:$0x7FF] =	sst s3;
	s7 =	smul.u32 $0x138800, s5;
	s5 =	ssub.s32 $0x2, s5  }
0xc: {  	s4 =	sor.u32 s12, s4;
	_ =	strace $0x8000004A;
	s9 =	sshrl.u32 s5, $0x1  }
0xd: {  	s26 =	sshrl.u32 s6, $0x3;
	s11 =	sadd.s32 s6, s2;
	s12 =	simm.s32 $0xB  }
0xe: {  	s8 =	smul.u32 $0x4E2, s4;
	s4 =	sadd.s32 $0x16200, s0;
	s7 =	sadd.s32 s6, s7  }
0xf: {  	s10 =	ssub.s32 s5, s9;
	s1 =	sadd.s32 s1, s26;
	s6 =	sor.u32 $0x1C0B, s28  }
0x10: {  	s11 =	sshrl.u32 s11, $0x3;
	s26 =	simm.s32 $0x3;
	s7 =	sshrl.u32 s7, $0x3  }
0x11: {  	[dreg:$0x4] =	wrdreg s1;
	s10 =	smax.u32 s10, $0x1;
	s8 =	sadd.s32 s8, s0  }
0x12: {  	s1 =	simm.s32 $0x7;
	s0 =	sadd.s32 s7, s0;
	s7 =	sadd.s32 $0xC400, s8  }
0x13: {  	s8 =	sadd.s32 $0x2600, s8;
	s9 =	sadd.s32 $0xBA000, s0;
	s0 =	simm.s32 $0xA  }
.LBB2_1:
0x14: {  	s5 =	rddreg [dreg:$0x4]  }
0x15: {  	[spmem:s11], [sflag:s6] =	dma.local [hbm:s5], $0x2710  }
0x16: {  	_ =	swait.ge [sflag:s12], $0x2710  }
0x17: {  	[sflag:s12] =	ssyncset.done $0x0  }
0x18: {  	[sflag:s12] =	ssyncadd.s32 $0xFFFFD8F0  }
0x19: {  	[tilespmem:s3], [sflag:$0xB] =	stream.linear.gather [hbm4b:s7+s3], $0x2710, $0x38;
	[tilespmem:$0x1EAA0] =	vst v63  }
0x1a: {  	_ =	swait.ge [sflag:s12], $0x2710  }
0x1b: {  	[sflag:s12] =	ssyncset.done $0x0  }
0x1c: {  	[sflag:s12] =	ssyncadd.s32 $0xFFFFD8F0  }
0x1d: {  	[tilespmem:s13], [sflag:$0xB] =	stream.linear.gather [hbm4b:s8+s3], $0x2710, $0x38;
	[tilespmem:$0x1EAA0] =	vst v63  }
0x1e: {  	_ =	swait.ge [sflag:s12], $0x2710  }
0x1f: {  	[sflag:s12] =	ssyncset.done $0x0  }
0x20: {  	[sflag:s12] =	ssyncadd.s32 $0xFFFFD8F0  }
0x21: {  	[bflag:$0x0] =	sbarrier.arrive $0xFFFF  }
0x22: {  	[tilespmem:s15], [sflag:$0x1] =	stream.indirect.gather [hbm4b:s4+s14], $0x80, s3, s14, $0xb8;
	[tilespmem:$0x1EAA0] =	vst v63  }
0x23: {  	_ = 	snop  }
0x24: {  	[tilespmem:s16], [sflag:$0x2] =	stream.indirect.gather [hbm4b:s4+s14], $0x80, s14, s14, $0xb8;
	[tilespmem:$0x1EAA0] =	vst v63  }
0x25: {  	s17 =	simm.s32 $0x50  }
0x26: {  	[tilespmem:s18], [sflag:$0x3] =	stream.indirect.gather [hbm4b:s4+s14], $0x80, s17, s14, $0xb8;
	[tilespmem:$0x1EAA0] =	vst v63  }
0x27: {  	_ =	swait.ge [sflag:s19], $0x1400  }
0x28: {  	[sflag:s19] =	ssyncset.done $0x0  }
0x29: {  	[sflag:s19] =	ssyncadd.s32 $0xFFFFEC00  }
0x2a: {  	[spmem:s2] =	stream.indirect.scatter.add.f32 [tilespmem:s15], [sflag:$0x6], $0x80, s13, s14, $0xb8;
	[tilespmem:$0x1EAA0] =	vst v63  }
0x2b: {  	s17 =	simm.s32 $0x78  }
0x2c: {  	[tilespmem:s21], [sflag:$0x4] =	stream.indirect.gather [hbm4b:s4+s14], $0x80, s17, s14, $0xb8;
	[tilespmem:$0x1EAA0] =	vst v63  }
0x2d: {  	_ =	swait.ge [sflag:s22], $0x1400  }
0x2e: {  	[sflag:s22] =	ssyncset.done $0x0  }
0x2f: {  	s17 =	simm.s32 $0x2738;
	[sflag:s22] =	ssyncadd.s32 $0xFFFFEC00  }
0x30: {  	[spmem:s2] =	stream.indirect.scatter.add.f32 [tilespmem:s16], [sflag:$0x7], $0x80, s17, s14, $0xb8;
	[tilespmem:$0x1EAA0] =	vst v63  }
0x31: {  	s17 =	simm.s32 $0xA0  }
0x32: {  	[tilespmem:s25], [sflag:$0x5] =	stream.indirect.gather [hbm4b:s4+s14], $0x80, s17, s14, $0xb8;
	[tilespmem:$0x1EAA0] =	vst v63  }
0x33: {  	_ =	swait.ge [sflag:s26], $0x1400  }
0x34: {  	[sflag:s26] =	ssyncset.done $0x0  }
0x35: {  	s17 =	simm.s32 $0x2760;
	[sflag:s26] =	ssyncadd.s32 $0xFFFFEC00  }
0x36: {  	[spmem:s2] =	stream.indirect.scatter.add.f32 [tilespmem:s18], [sflag:$0x8], $0x80, s17, s14, $0xb8;
	[tilespmem:$0x1EAA0] =	vst v63  }
0x37: {  	_ =	swait.ge [sflag:s29], $0x1400  }
0x38: {  	[sflag:s29] =	ssyncset.done $0x0  }
0x39: {  	s17 =	simm.s32 $0xC8;
	[sflag:s29] =	ssyncadd.s32 $0xFFFFEC00  }
0x3a: {  	[tilespmem:s15], [sflag:$0x1] =	stream.indirect.gather [hbm4b:s4+s14], $0x80, s17, s14, $0xb8;
	[tilespmem:$0x1EAA0] =	vst v63  }
0x3b: {  	_ =	swait.ge [sflag:s31], $0x1400  }
0x3c: {  	[sflag:s31] =	ssyncset.done $0x0  }
0x3d: {  	s17 =	simm.s32 $0x2788;
	[sflag:s31] =	ssyncadd.s32 $0xFFFFEC00  }
0x3e: {  	[spmem:s2] =	stream.indirect.scatter.add.f32 [tilespmem:s21], [sflag:$0x9], $0x80, s17, s14, $0xb8;
	[tilespmem:$0x1EAA0] =	vst v63  }
0x3f: {  	_ =	swait.ge [sflag:s1], $0x1400  }
0x40: {  	[sflag:s1] =	ssyncset.done $0x0  }
0x41: {  	s17 =	simm.s32 $0xF0;
	[sflag:s1] =	ssyncadd.s32 $0xFFFFEC00  }
0x42: {  	[tilespmem:s16], [sflag:$0x2] =	stream.indirect.gather [hbm4b:s4+s14], $0x80, s17, s14, $0xb8;
	[tilespmem:$0x1EAA0] =	vst v63  }
0x43: {  	_ =	swait.ge [sflag:s20], $0x1400  }
0x44: {  	[sflag:s20] =	ssyncset.done $0x0  }
0x45: {  	s17 =	simm.s32 $0x27B0;
	[sflag:s20] =	ssyncadd.s32 $0xFFFFEC00  }
0x46: {  	[spmem:s2] =	stream.indirect.scatter.add.f32 [tilespmem:s25], [sflag:$0xA], $0x80, s17, s14, $0xb8;
	[tilespmem:$0x1EAA0] =	vst v63  }
0x47: {  	_ =	swait.ge [sflag:s24], $0x1400  }
0x48: {  	[sflag:s24] =	ssyncset.done $0x0  }
0x49: {  	s17 =	simm.s32 $0x118;
	[sflag:s24] =	ssyncadd.s32 $0xFFFFEC00  }
0x4a: {  	[tilespmem:s18], [sflag:$0x3] =	stream.indirect.gather [hbm4b:s4+s14], $0x80, s17, s14, $0xb8;
	[tilespmem:$0x1EAA0] =	vst v63  }
0x4b: {  	_ =	swait.ge [sflag:s19], $0x1400  }
0x4c: {  	[sflag:s19] =	ssyncset.done $0x0  }
0x4d: {  	s17 =	simm.s32 $0x27D8;
	[sflag:s19] =	ssyncadd.s32 $0xFFFFEC00  }
0x4e: {  	[spmem:s2] =	stream.indirect.scatter.add.f32 [tilespmem:s15], [sflag:$0x6], $0x80, s17, s14, $0xb8;
	[tilespmem:$0x1EAA0] =	vst v63  }
0x4f: {  	_ =	swait.ge [sflag:s30], $0x1400  }
0x50: {  	[sflag:s30] =	ssyncset.done $0x0  }
0x51: {  	s5 =	simm.s32 $0x140;
	[sflag:s30] =	ssyncadd.s32 $0xFFFFEC00  }
0x52: {  	[tilespmem:s21], [sflag:$0x4] =	stream.indirect.gather [hbm4b:s4+s14], $0x80, s5, s14, $0xb8;
	[tilespmem:$0x1EAA0] =	vst v63  }
0x53: {  	_ =	swait.ge [sflag:s22], $0x1400  }
0x54: {  	[sflag:s22] =	ssyncset.done $0x0  }
0x55: {  	s5 =	simm.s32 $0x2800;
	[sflag:s22] =	ssyncadd.s32 $0xFFFFEC00  }
0x56: {  	[spmem:s2] =	stream.indirect.scatter.add.f32 [tilespmem:s16], [sflag:$0x7], $0x80, s5, s14, $0xb8;
	[tilespmem:$0x1EAA0] =	vst v63  }
0x57: {  	_ =	swait.ge [sflag:s0], $0x1400  }
0x58: {  	[sflag:s0] =	ssyncset.done $0x0  }
0x59: {  	s5 =	simm.s32 $0x168;
	[sflag:s0] =	ssyncadd.s32 $0xFFFFEC00  }
0x5a: {  	[tilespmem:s25], [sflag:$0x5] =	stream.indirect.gather [hbm4b:s4+s14], $0x80, s5, s14, $0xb8;
	[tilespmem:$0x1EAA0] =	vst v63  }
0x5b: {  	_ =	swait.ge [sflag:s26], $0x1400  }
0x5c: {  	[sflag:s26] =	ssyncset.done $0x0  }
0x5d: {  	s5 =	simm.s32 $0x2828;
	[sflag:s26] =	ssyncadd.s32 $0xFFFFEC00  }
0x5e: {  	[spmem:s2] =	stream.indirect.scatter.add.f32 [tilespmem:s18], [sflag:$0x8], $0x80, s5, s14, $0xb8;
	[tilespmem:$0x1EAA0] =	vst v63  }
0x5f: {  	_ =	swait.ge [sflag:s29], $0x1400  }
0x60: {  	[sflag:s29] =	ssyncset.done $0x0  }
0x61: {  	s5 =	simm.s32 $0x190;
	[sflag:s29] =	ssyncadd.s32 $0xFFFFEC00  }
0x62: {  	[tilespmem:s15], [sflag:$0x1] =	stream.indirect.gather [hbm4b:s4+s14], $0x80, s5, s14, $0xb8;
	[tilespmem:$0x1EAA0] =	vst v63  }
0x63: {  	_ =	swait.ge [sflag:s31], $0x1400  }
0x64: {  	[sflag:s31] =	ssyncset.done $0x0  }
0x65: {  	s5 =	simm.s32 $0x2850;
	[sflag:s31] =	ssyncadd.s32 $0xFFFFEC00  }
0x66: {  	[spmem:s2] =	stream.indirect.scatter.add.f32 [tilespmem:s21], [sflag:$0x9], $0x80, s5, s14, $0xb8;
	[tilespmem:$0x1EAA0] =	vst v63  }
0x67: {  	_ =	swait.ge [sflag:s1], $0x1400  }
0x68: {  	[sflag:s1] =	ssyncset.done $0x0  }
0x69: {  	s5 =	simm.s32 $0x1B8;
	[sflag:s1] =	ssyncadd.s32 $0xFFFFEC00  }
0x6a: {  	[tilespmem:s16], [sflag:$0x2] =	stream.indirect.gather [hbm4b:s4+s14], $0x80, s5, s14, $0xb8;
	[tilespmem:$0x1EAA0] =	vst v63  }
0x6b: {  	_ =	swait.ge [sflag:s20], $0x1400  }
0x6c: {  	[sflag:s20] =	ssyncset.done $0x0  }
0x6d: {  	s5 =	simm.s32 $0x2878;
	[sflag:s20] =	ssyncadd.s32 $0xFFFFEC00  }
0x6e: {  	[spmem:s2] =	stream.indirect.scatter.add.f32 [tilespmem:s25], [sflag:$0xA], $0x80, s5, s14, $0xb8;
	[tilespmem:$0x1EAA0] =	vst v63  }
0x6f: {  	_ =	swait.ge [sflag:s24], $0x1400  }
0x70: {  	[sflag:s24] =	ssyncset.done $0x0  }
0x71: {  	s28 =	simm.s32 $0x320;
	s17 =	simm.s32 $0x1E0;
	[sflag:s24] =	ssyncadd.s32 $0xFFFFEC00  }
.LBB2_2:
0x72: {  	[tilespmem:s18], [sflag:$0x3] =	stream.indirect.gather [hbm4b:s4+s14], $0x80, s17, s14, $0xb8;
	[tilespmem:$0x1EAA0] =	vst v63  }
0x73: {  	s17 =	smov.u32 s28  }
0x74: {  	p0 =	sne.s32 s28, $0x92E0;
	s28 =	sadd.s32 $0x320, s28;
	_ =	swait.ge [sflag:s19], $0x1400  }
0x75: {  	s17 =	sshra.s32 s17, $0x2;
	[sflag:s19] =	ssyncset.done $0x0  }
0x76: {  	s5 =	sadd.s32 $0x27D8, s17;
	[sflag:s19] =	ssyncadd.s32 $0xFFFFEC00  }
0x77: {  	[spmem:s2] =	stream.indirect.scatter.add.f32 [tilespmem:s15], [sflag:$0x6], $0x80, s5, s14, $0xb8;
	[tilespmem:$0x1EAA0] =	vst v63  }
0x78: {  	_ =	swait.ge [sflag:s30], $0x1400  }
0x79: {  	[sflag:s30] =	ssyncset.done $0x0  }
0x7a: {  	s5 =	sadd.s32 $0x140, s17;
	[sflag:s30] =	ssyncadd.s32 $0xFFFFEC00  }
0x7b: {  	[tilespmem:s21], [sflag:$0x4] =	stream.indirect.gather [hbm4b:s4+s14], $0x80, s5, s14, $0xb8;
	[tilespmem:$0x1EAA0] =	vst v63  }
0x7c: {  	_ =	swait.ge [sflag:s22], $0x1400  }
0x7d: {  	[sflag:s22] =	ssyncset.done $0x0  }
0x7e: {  	s5 =	sadd.s32 $0x2800, s17;
	[sflag:s22] =	ssyncadd.s32 $0xFFFFEC00  }
0x7f: {  	[spmem:s2] =	stream.indirect.scatter.add.f32 [tilespmem:s16], [sflag:$0x7], $0x80, s5, s14, $0xb8;
	[tilespmem:$0x1EAA0] =	vst v63  }
0x80: {  	_ =	swait.ge [sflag:s0], $0x1400  }
0x81: {  	[sflag:s0] =	ssyncset.done $0x0  }
0x82: {  	s5 =	sadd.s32 $0x168, s17;
	[sflag:s0] =	ssyncadd.s32 $0xFFFFEC00  }
0x83: {  	[tilespmem:s25], [sflag:$0x5] =	stream.indirect.gather [hbm4b:s4+s14], $0x80, s5, s14, $0xb8;
	[tilespmem:$0x1EAA0] =	vst v63  }
0x84: {  	_ =	swait.ge [sflag:s26], $0x1400  }
0x85: {  	[sflag:s26] =	ssyncset.done $0x0  }
0x86: {  	s5 =	sadd.s32 $0x2828, s17;
	[sflag:s26] =	ssyncadd.s32 $0xFFFFEC00  }
0x87: {  	[spmem:s2] =	stream.indirect.scatter.add.f32 [tilespmem:s18], [sflag:$0x8], $0x80, s5, s14, $0xb8;
	[tilespmem:$0x1EAA0] =	vst v63  }
0x88: {  	_ =	swait.ge [sflag:s29], $0x1400  }
0x89: {  	[sflag:s29] =	ssyncset.done $0x0  }
0x8a: {  	s5 =	sadd.s32 $0x190, s17;
	[sflag:s29] =	ssyncadd.s32 $0xFFFFEC00  }
0x8b: {  	[tilespmem:s15], [sflag:$0x1] =	stream.indirect.gather [hbm4b:s4+s14], $0x80, s5, s14, $0xb8;
	[tilespmem:$0x1EAA0] =	vst v63  }
0x8c: {  	_ =	swait.ge [sflag:s31], $0x1400  }
0x8d: {  	[sflag:s31] =	ssyncset.done $0x0  }
0x8e: {  	s5 =	sadd.s32 $0x2850, s17;
	[sflag:s31] =	ssyncadd.s32 $0xFFFFEC00  }
0x8f: {  	[spmem:s2] =	stream.indirect.scatter.add.f32 [tilespmem:s21], [sflag:$0x9], $0x80, s5, s14, $0xb8;
	[tilespmem:$0x1EAA0] =	vst v63  }
0x90: {  	_ =	swait.ge [sflag:s1], $0x1400  }
0x91: {  	[sflag:s1] =	ssyncset.done $0x0  }
0x92: {  	s5 =	sadd.s32 $0x1B8, s17;
	[sflag:s1] =	ssyncadd.s32 $0xFFFFEC00  }
0x93: {  	[tilespmem:s16], [sflag:$0x2] =	stream.indirect.gather [hbm4b:s4+s14], $0x80, s5, s14, $0xb8;
	[tilespmem:$0x1EAA0] =	vst v63  }
0x94: {  	_ =	swait.ge [sflag:s20], $0x1400  }
0x95: {  	[sflag:s20] =	ssyncset.done $0x0  }
.Ltmp0:
0x96: {  	s5 =	sadd.s32 $0x2878, s17;
	[sflag:s20] =	ssyncadd.s32 $0xFFFFEC00;
	(pc) =	sbr.rel @p0 .LBB2_2-.Ltmp0, $4  }
0x97: {  	[spmem:s2] =	stream.indirect.scatter.add.f32 [tilespmem:s25], [sflag:$0xA], $0x80, s5, s14, $0xb8;
	[tilespmem:$0x1EAA0] =	vst v63  }
0x98: {  	_ =	swait.ge [sflag:s24], $0x1400  }
0x99: {  	[sflag:s24] =	ssyncset.done $0x0  }
0x9a: {  	s17 =	sadd.s32 $0x1E0, s17;
	[sflag:s24] =	ssyncadd.s32 $0xFFFFEC00  }
0x9b: {  	[tilespmem:s18], [sflag:$0x3] =	stream.indirect.gather [hbm4b:s4+s14], $0x80, s17, s14, $0xb8;
	[tilespmem:$0x1EAA0] =	vst v63  }
0x9c: {  	_ =	swait.ge [sflag:s19], $0x1400  }
0x9d: {  	[sflag:s19] =	ssyncset.done $0x0  }
0x9e: {  	s5 =	simm.s32 $0x4D58;
	[sflag:s19] =	ssyncadd.s32 $0xFFFFEC00  }
0x9f: {  	[spmem:s2] =	stream.indirect.scatter.add.f32 [tilespmem:s15], [sflag:$0x6], $0x80, s5, s14, $0xb8;
	[tilespmem:$0x1EAA0] =	vst v63  }
0xa0: {  	_ =	swait.ge [sflag:s30], $0x1400  }
0xa1: {  	[sflag:s30] =	ssyncset.done $0x0  }
0xa2: {  	s17 =	simm.s32 $0x26C0;
	[sflag:s30] =	ssyncadd.s32 $0xFFFFEC00  }
0xa3: {  	[tilespmem:s21], [sflag:$0x4] =	stream.indirect.gather [hbm4b:s4+s14], $0x80, s17, s14, $0xb8;
	[tilespmem:$0x1EAA0] =	vst v63  }
0xa4: {  	_ =	swait.ge [sflag:s22], $0x1400  }
0xa5: {  	[sflag:s22] =	ssyncset.done $0x0  }
0xa6: {  	s28 =	simm.s32 $0x4D80;
	[sflag:s22] =	ssyncadd.s32 $0xFFFFEC00  }
0xa7: {  	[spmem:s2] =	stream.indirect.scatter.add.f32 [tilespmem:s16], [sflag:$0x7], $0x80, s28, s14, $0xb8;
	[tilespmem:$0x1EAA0] =	vst v63  }
0xa8: {  	_ =	swait.ge [sflag:s0], $0x1400  }
0xa9: {  	[sflag:s0] =	ssyncset.done $0x0  }
0xaa: {  	s17 =	simm.s32 $0x26E8;
	[sflag:s0] =	ssyncadd.s32 $0xFFFFEC00  }
0xab: {  	[tilespmem:s25], [sflag:$0x5] =	stream.indirect.gather [hbm4b:s4+s14], $0x80, s17, s14, $0xb8;
	[tilespmem:$0x1EAA0] =	vst v63  }
0xac: {  	_ =	swait.ge [sflag:s26], $0x1400  }
0xad: {  	[sflag:s26] =	ssyncset.done $0x0  }
0xae: {  	s28 =	simm.s32 $0x4DA8;
	[sflag:s26] =	ssyncadd.s32 $0xFFFFEC00  }
0xaf: {  	[spmem:s2] =	stream.indirect.scatter.add.f32 [tilespmem:s18], [sflag:$0x8], $0x80, s28, s14, $0xb8;
	[tilespmem:$0x1EAA0] =	vst v63  }
0xb0: {  	_ =	swait.ge [sflag:s29], $0x1400  }
0xb1: {  	[sflag:s29] =	ssyncset.done $0x0  }
0xb2: {  	[sflag:s29] =	ssyncadd.s32 $0xFFFFEC00  }
0xb3: {  	_ =	swait.ge [sflag:s31], $0x1400  }
0xb4: {  	[sflag:s31] =	ssyncset.done $0x0  }
0xb5: {  	s17 =	simm.s32 $0x4DD0;
	[sflag:s31] =	ssyncadd.s32 $0xFFFFEC00  }
0xb6: {  	[spmem:s2] =	stream.indirect.scatter.add.f32 [tilespmem:s21], [sflag:$0x9], $0x80, s17, s14, $0xb8;
	[tilespmem:$0x1EAA0] =	vst v63  }
0xb7: {  	_ =	swait.ge [sflag:s1], $0x1400  }
0xb8: {  	[sflag:s1] =	ssyncset.done $0x0  }
0xb9: {  	[sflag:s1] =	ssyncadd.s32 $0xFFFFEC00  }
0xba: {  	_ =	swait.ge [sflag:s20], $0x1400  }
0xbb: {  	[sflag:s20] =	ssyncset.done $0x0  }
0xbc: {  	s28 =	simm.s32 $0x4DF8;
	[sflag:s20] =	ssyncadd.s32 $0xFFFFEC00  }
0xbd: {  	[spmem:s2] =	stream.indirect.scatter.add.f32 [tilespmem:s25], [sflag:$0xA], $0x80, s28, s14, $0xb8;
	[tilespmem:$0x1EAA0] =	vst v63  }
0xbe: {  	_ =	swait.ge [sflag:s24], $0x1400  }
0xbf: {  	[sflag:s24] =	ssyncset.done $0x0  }
0xc0: {  	[sflag:s24] =	ssyncadd.s32 $0xFFFFEC00  }
0xc1: {  	_ =	swait.ge [sflag:s30], $0x1400  }
0xc2: {  	[sflag:s30] =	ssyncset.done $0x0  }
0xc3: {  	[sflag:s30] =	ssyncadd.s32 $0xFFFFEC00  }
0xc4: {  	_ =	swait.ge [sflag:s0], $0x1400  }
0xc5: {  	s23 =	sadd.s32 $0x1, s23;
	[sflag:s0] =	ssyncset.done $0x0  }
0xc6: {  	p0 =	sne.s32 s23, s10;
	[sflag:s0] =	ssyncadd.s32 $0xFFFFEC00  }
.Ltmp1:
0xc7: {  	[bflag:$0x0] =	sbarrier.arrive $0xFFFF;
	(pc) =	sbr.rel @p0 .LBB2_1-.Ltmp1, $4  }
0xc8: {  	[hbm:s9], [sflag:s6] =	dma.local [spmem:s11], $0x2710  }
0xc9: {  	_ =	swait.ge [sflag:s12], $0x2710  }
0xca: {  	[sflag:s12] =	ssyncset.done $0x0  }
0xcb: {  	[sflag:s12] =	ssyncadd.s32 $0xFFFFD8F0  }
0xcc: {  	_ =	sfence.sel $0x180000  }
0xcd: {  	[bflag:$0x0] =	sbarrier.arrive $0xFFFF  }
0xce: {  	_ =	strace $0x9000004A  }
0xcf: {  	s0 =	stileid.u32;
	[bflag:$0x2] =	sbarrier.arrive $0xFFFF  }
0xd0: {  	p0 =	sne.s32 s0, $0x0;
	s0 =	rddreg [dreg:$0x3]  }
0xd1: {  	s0 =	sadd.s32 @!p0 $0x100000, s0  }
0xd2: {  	[sflag:s0] =	ssyncadd.tile.s32 @!p0 $0x1;
	_ =	shalt  }
.Lfunc_end2:
_tile_overlayer_lowered:
.L_overlay_start_2:
0xd3: {  	(tag) =	ssettag $0x2  }
0xd4: {  	s0 =	rddreg [dreg:$0x0];
	s2 =	stileid.u32  }
0xd5: {  	s1 =	rddreg [dreg:$0x1];
	p0 =	sne.s32 s2, $0x0  }
0xd6: {  	s3 =	rddreg [dreg:$0x2];
	[bflag:$0x3] =	sbarrier.arrive $0xFFFF;
	s2 =	simm.s32 @!p0 $0x1C0B  }
0xd7: {  	[timem:s3], [sflag:s2] =	dma.local @!p0 [hbm:s0], s1  }
0xd8: {  	s0 =	simm.s32 @!p0 $0xB  }
0xd9: {  	_ =	swait.ge @!p0 [sflag:s0], s1  }
0xda: {  	s1 =	ssub.s32 @!p0 $0x0, s1;
	[sflag:s0] =	ssyncset.done @!p0 $0x0  }
0xdb: {  	[sflag:s0] =	ssyncadd.s32 @!p0 s1  }
0xdc: {  	[bflag:$0x3] =	sbarrier.arrive $0xFFFF  }
0xdd: {  	_ =	shalt  }

</sc_bundles>
